<compile_context>
chip_gen: v7x
topology: tpu7x:2x2x1
jax: 0.10.2.dev20260603
libtpu: 0.0.44.dev20260713+nightly
codegen_flags: <defaults>
</compile_context>

<pallas_src>
import functools

import jax
import jax.numpy as jnp
from jax import lax
from jax.experimental import pallas as pl
from jax.experimental.pallas import tpu as pltpu
from jax.experimental.pallas import tpu_sc as plsc

VOCAB = 1000
D = 16
NC = 2
NS = 16
L = 16
NW = NC * NS
BT = 128
G_BT = 16
CB = BT * G_BT
OUTC = CB * 8
UNROLL = 2


@functools.lru_cache(maxsize=None)
def _build(b: int, h: int):
    n_dt = D // 8
    nbg = b // CB
    chunks = h * nbg
    assert b % CB == 0 and chunks % (2 * NW) == 0
    n_chunks = chunks // NW
    n_pairs = n_chunks // 2
    groups = CB // L
    hs = b * D
    dts = hs // n_dt

    mesh = plsc.VectorSubcoreMesh(core_axis_name="c", subcore_axis_name="s")

    @functools.partial(
        pl.kernel,
        out_type=jax.ShapeDtypeStruct((b * h * D,), jnp.float32),
        mesh=mesh,
        compiler_params=pltpu.CompilerParams(
            needs_layout_passes=False, disable_bounds_checks=True),
        scratch_types=[
            pltpu.VMEM((VOCAB * D,), jnp.float32),
            pltpu.VMEM((CB,), jnp.int32),
            pltpu.VMEM((CB,), jnp.int32),
            pltpu.VMEM((n_dt * OUTC,), jnp.float32),
            pltpu.VMEM((n_dt * OUTC,), jnp.float32),
            pltpu.SemaphoreType.DMA,
            pltpu.SemaphoreType.DMA,
            pltpu.SemaphoreType.DMA,
            pltpu.SemaphoreType.DMA,
            pltpu.SemaphoreType.DMA,
            pltpu.SemaphoreType.DMA,
        ],
    )
    def body(idx_hbm, tab_hbm, out_hbm, tab_v, idx0, idx1, ob0, ob1,
             isem0, isem1, osem00, osem01, osem10, osem11):
        idx_b = (idx0, idx1)
        ob = (ob0, ob1)
        isem = (isem0, isem1)
        osem = ((osem00, osem01), (osem10, osem11))

        wid = lax.axis_index("s") * NC + lax.axis_index("c")
        c0 = wid * n_chunks
        pltpu.sync_copy(tab_hbm, tab_v)
        iota = lax.iota(jnp.int32, L)
        rots = [(iota + d) & (D - 1) for d in range(D)]
        svecs = [(r >> 3) * OUTC + (r & 7) * BT + iota for r in rots]

        def idx_dma(c, buf):
            cg = c0 + c
            hh = cg // nbg
            btg = cg - hh * nbg
            src = pl.multiple_of(hh * b + btg * CB, CB)
            return pltpu.make_async_copy(
                idx_hbm.at[pl.ds(src, CB)], idx_b[buf], isem[buf])

        def out_dma(c, buf, dt):
            cg = c0 + c
            hh = cg // nbg
            btg = cg - hh * nbg
            dst = pl.multiple_of(hh * hs + dt * dts + btg * OUTC, OUTC)
            return pltpu.make_async_copy(
                ob[buf].at[pl.ds(dt * OUTC, OUTC)],
                out_hbm.at[pl.ds(dst, OUTC)], osem[buf][dt])

        idx_dma(0, 0).start()
        idx_dma(1, 1).start()

        def pair(p, carry):
            for buf in range(2):
                c = 2 * p + buf
                @pl.when(p > 0)
                def _():
                    out_dma(c - 2, buf, 0).wait()
                    out_dma(c - 2, buf, 1).wait()
                idx_dma(c, buf).wait()

                idx_ref = idx_b[buf]
                ob_ref = ob[buf]

                @plsc.parallel_loop(0, groups, 1, unroll=UNROLL)
                def _(g):
                    idx = idx_ref[pl.ds(g * L, L)]
                    gaddr = idx * D
                    btl = g // (BT // L)
                    goff = btl * (BT * 8) + (g - btl * (BT // L)) * L
                    for d in range(D):
                        diag = plsc.load_gather(tab_v, [gaddr + rots[d]])
                        plsc.store_scatter(ob_ref, [svecs[d] + goff], diag)

                out_dma(c, buf, 0).start()
                out_dma(c, buf, 1).start()
                @pl.when(c + 2 < n_chunks)
                def _():
                    idx_dma(c + 2, buf).start()
            return carry

        lax.fori_loop(0, n_pairs, pair, 0)
        out_dma(n_chunks - 2, 0, 0).wait()
        out_dma(n_chunks - 2, 0, 1).wait()
        out_dma(n_chunks - 1, 1, 0).wait()
        out_dma(n_chunks - 1, 1, 1).wait()

    return body


def kernel(inputs, table):
    b, h = inputs.shape
    idx_flat = inputs.T.reshape(-1).astype(jnp.int32)
    tab_flat = table.reshape(-1)
    out = _build(b, h)(idx_flat, tab_flat)
    out5 = out.reshape(h, D // 8, b // BT, 8, BT)
    return out5.transpose((2, 4, 0, 1, 3)).reshape(b, h, D)

# --- scband reference (transcript-rebuilt; emitter-appended) ---
"""Pipeline reference for scband-predicate-embeddings-7352984010891 (READ-ONLY COPY).

The authoritative reference and input builder live on the scoring server;
editing this copy changes nothing except your own understanding.
"""

import jax, jax.numpy as jnp
import numpy as np

VOCAB = 1000
EMBED_DIM = 16
BATCH = 16384
HIST = 200

def setup_inputs(seed: int = 0) -> dict:
    key = jax.random.key(seed)
    k_idx, k_tab = jax.random.split(key)
    inputs = jax.random.randint(k_idx, (BATCH, HIST), 0, VOCAB)
    # Embedding table parameter (keras Embedding default uniform init approximated)
    table = jax.random.uniform(k_tab, (VOCAB, EMBED_DIM), dtype=jnp.float32, minval=-0.05, maxval=0.05)
    return {"inputs": inputs, "table": table}

def reference(inputs, table):
    # PredicateEmbeddings with has_features=False is a plain embedding lookup:
    # self.embedder = Embedding(len(predicates), predicate_embedding_size)
    # call(inputs) -> embedder(inputs)
    return jnp.take(table, inputs, axis=0)

if __name__ == "__main__":
    import jax
    _d = setup_inputs()
    print(jax.jit(kernel)(*tuple(_d.values())))

</pallas_src>

<mosaic_0001>
#map = affine_map<(d0, d1) -> (0)>
module attributes {stable_mosaic.version = 14 : i64} {
  func.func @body(%arg0: i32, %arg1: i32, %arg2: memref<3276800xi32, #tpu.memory_space<hbm>>, %arg3: memref<16000xf32, #tpu.memory_space<hbm>>, %arg4: memref<52428800xf32, #tpu.memory_space<hbm>>, %arg5: memref<16000xf32, #tpu.memory_space<vmem>>, %arg6: memref<2048xi32, #tpu.memory_space<vmem>>, %arg7: memref<2048xi32, #tpu.memory_space<vmem>>, %arg8: memref<32768xf32, #tpu.memory_space<vmem>>, %arg9: memref<32768xf32, #tpu.memory_space<vmem>>, %arg10: memref<!tpu.dma_semaphore, #tpu.memory_space<semaphore_mem>>, %arg11: memref<!tpu.dma_semaphore, #tpu.memory_space<semaphore_mem>>, %arg12: memref<!tpu.dma_semaphore, #tpu.memory_space<semaphore_mem>>, %arg13: memref<!tpu.dma_semaphore, #tpu.memory_space<semaphore_mem>>, %arg14: memref<!tpu.dma_semaphore, #tpu.memory_space<semaphore_mem>>, %arg15: memref<!tpu.dma_semaphore, #tpu.memory_space<semaphore_mem>>) attributes {dimension_semantics = [#tpu.dimension_semantics<core_parallel>, #tpu.dimension_semantics<subcore_parallel>], iteration_bounds = array<i64: 2, 16>, scalar_prefetch = 0 : i64, scratch_operands = 11 : i64, tpu.core_type = #tpu.core_type<sc_vector_subcore>, window_params = [{transform_indices = #map}, {transform_indices = #map}, {transform_indices = #map}]} {
    %mul3A = arith.constant 2 : i32
    %mul3A_0 = arith.muli %arg1, %mul3A : i32
    %add3A = arith.addi %mul3A_0, %arg0 : i32
    %mul3A_1 = arith.constant 50 : i32
    %mul3A_2 = arith.muli %add3A, %mul3A_1 : i32
    "tpu.region"() ({
      %run_scoped3A = tpu.sem_alloc : memref<!tpu.dma_semaphore, #tpu.memory_space<semaphore_mem>>
      tpu.enqueue_dma source(%arg3 : memref<16000xf32, #tpu.memory_space<hbm>>) target(%arg5 : memref<16000xf32, #tpu.memory_space<vmem>>) target_semaphore(%run_scoped3A : memref<!tpu.dma_semaphore, #tpu.memory_space<semaphore_mem>>)
      tpu.wait_dma2 semaphore(%run_scoped3A : memref<!tpu.dma_semaphore, #tpu.memory_space<semaphore_mem>>) src(%arg3 : memref<16000xf32, #tpu.memory_space<hbm>>) dst(%arg5 : memref<16000xf32, #tpu.memory_space<vmem>>)
      tpu.yield
    }) : () -> ()
    %iota3A = tpu.iota {dimensions = array<i32: 0>} : vector<16xi32>
    %add3A_3 = arith.constant 0 : i32
    %add3A_4 = vector.broadcast %add3A_3 : i32 to vector<16xi32>
    %add3A_5 = arith.addi %iota3A, %add3A_4 : vector<16xi32>
    %and3A = arith.constant 15 : i32
    %and3A_6 = vector.broadcast %and3A : i32 to vector<16xi32>
    %and3A_7 = arith.andi %add3A_5, %and3A_6 : vector<16xi32>
    %add3A_8 = arith.constant 1 : i32
    %add3A_9 = vector.broadcast %add3A_8 : i32 to vector<16xi32>
    %add3A_10 = arith.addi %iota3A, %add3A_9 : vector<16xi32>
    %and3A_11 = arith.constant 15 : i32
    %and3A_12 = vector.broadcast %and3A_11 : i32 to vector<16xi32>
    %and3A_13 = arith.andi %add3A_10, %and3A_12 : vector<16xi32>
    %add3A_14 = arith.constant 2 : i32
    %add3A_15 = vector.broadcast %add3A_14 : i32 to vector<16xi32>
    %add3A_16 = arith.addi %iota3A, %add3A_15 : vector<16xi32>
    %and3A_17 = arith.constant 15 : i32
    %and3A_18 = vector.broadcast %and3A_17 : i32 to vector<16xi32>
    %and3A_19 = arith.andi %add3A_16, %and3A_18 : vector<16xi32>
    %add3A_20 = arith.constant 3 : i32
    %add3A_21 = vector.broadcast %add3A_20 : i32 to vector<16xi32>
    %add3A_22 = arith.addi %iota3A, %add3A_21 : vector<16xi32>
    %and3A_23 = arith.constant 15 : i32
    %and3A_24 = vector.broadcast %and3A_23 : i32 to vector<16xi32>
    %and3A_25 = arith.andi %add3A_22, %and3A_24 : vector<16xi32>
    %add3A_26 = arith.constant 4 : i32
    %add3A_27 = vector.broadcast %add3A_26 : i32 to vector<16xi32>
    %add3A_28 = arith.addi %iota3A, %add3A_27 : vector<16xi32>
    %and3A_29 = arith.constant 15 : i32
    %and3A_30 = vector.broadcast %and3A_29 : i32 to vector<16xi32>
    %and3A_31 = arith.andi %add3A_28, %and3A_30 : vector<16xi32>
    %add3A_32 = arith.constant 5 : i32
    %add3A_33 = vector.broadcast %add3A_32 : i32 to vector<16xi32>
    %add3A_34 = arith.addi %iota3A, %add3A_33 : vector<16xi32>
    %and3A_35 = arith.constant 15 : i32
    %and3A_36 = vector.broadcast %and3A_35 : i32 to vector<16xi32>
    %and3A_37 = arith.andi %add3A_34, %and3A_36 : vector<16xi32>
    %add3A_38 = arith.constant 6 : i32
    %add3A_39 = vector.broadcast %add3A_38 : i32 to vector<16xi32>
    %add3A_40 = arith.addi %iota3A, %add3A_39 : vector<16xi32>
    %and3A_41 = arith.constant 15 : i32
    %and3A_42 = vector.broadcast %and3A_41 : i32 to vector<16xi32>
    %and3A_43 = arith.andi %add3A_40, %and3A_42 : vector<16xi32>
    %add3A_44 = arith.constant 7 : i32
    %add3A_45 = vector.broadcast %add3A_44 : i32 to vector<16xi32>
    %add3A_46 = arith.addi %iota3A, %add3A_45 : vector<16xi32>
    %and3A_47 = arith.constant 15 : i32
    %and3A_48 = vector.broadcast %and3A_47 : i32 to vector<16xi32>
    %and3A_49 = arith.andi %add3A_46, %and3A_48 : vector<16xi32>
    %add3A_50 = arith.constant 8 : i32
    %add3A_51 = vector.broadcast %add3A_50 : i32 to vector<16xi32>
    %add3A_52 = arith.addi %iota3A, %add3A_51 : vector<16xi32>
    %and3A_53 = arith.constant 15 : i32
    %and3A_54 = vector.broadcast %and3A_53 : i32 to vector<16xi32>
    %and3A_55 = arith.andi %add3A_52, %and3A_54 : vector<16xi32>
    %add3A_56 = arith.constant 9 : i32
    %add3A_57 = vector.broadcast %add3A_56 : i32 to vector<16xi32>
    %add3A_58 = arith.addi %iota3A, %add3A_57 : vector<16xi32>
    %and3A_59 = arith.constant 15 : i32
    %and3A_60 = vector.broadcast %and3A_59 : i32 to vector<16xi32>
    %and3A_61 = arith.andi %add3A_58, %and3A_60 : vector<16xi32>
    %add3A_62 = arith.constant 10 : i32
    %add3A_63 = vector.broadcast %add3A_62 : i32 to vector<16xi32>
    %add3A_64 = arith.addi %iota3A, %add3A_63 : vector<16xi32>
    %and3A_65 = arith.constant 15 : i32
    %and3A_66 = vector.broadcast %and3A_65 : i32 to vector<16xi32>
    %and3A_67 = arith.andi %add3A_64, %and3A_66 : vector<16xi32>
    %add3A_68 = arith.constant 11 : i32
    %add3A_69 = vector.broadcast %add3A_68 : i32 to vector<16xi32>
    %add3A_70 = arith.addi %iota3A, %add3A_69 : vector<16xi32>
    %and3A_71 = arith.constant 15 : i32
    %and3A_72 = vector.broadcast %and3A_71 : i32 to vector<16xi32>
    %and3A_73 = arith.andi %add3A_70, %and3A_72 : vector<16xi32>
    %add3A_74 = arith.constant 12 : i32
    %add3A_75 = vector.broadcast %add3A_74 : i32 to vector<16xi32>
    %add3A_76 = arith.addi %iota3A, %add3A_75 : vector<16xi32>
    %and3A_77 = arith.constant 15 : i32
    %and3A_78 = vector.broadcast %and3A_77 : i32 to vector<16xi32>
    %and3A_79 = arith.andi %add3A_76, %and3A_78 : vector<16xi32>
    %add3A_80 = arith.constant 13 : i32
    %add3A_81 = vector.broadcast %add3A_80 : i32 to vector<16xi32>
    %add3A_82 = arith.addi %iota3A, %add3A_81 : vector<16xi32>
    %and3A_83 = arith.constant 15 : i32
    %and3A_84 = vector.broadcast %and3A_83 : i32 to vector<16xi32>
    %and3A_85 = arith.andi %add3A_82, %and3A_84 : vector<16xi32>
    %add3A_86 = arith.constant 14 : i32
    %add3A_87 = vector.broadcast %add3A_86 : i32 to vector<16xi32>
    %add3A_88 = arith.addi %iota3A, %add3A_87 : vector<16xi32>
    %and3A_89 = arith.constant 15 : i32
    %and3A_90 = vector.broadcast %and3A_89 : i32 to vector<16xi32>
    %and3A_91 = arith.andi %add3A_88, %and3A_90 : vector<16xi32>
    %add3A_92 = arith.constant 15 : i32
    %add3A_93 = vector.broadcast %add3A_92 : i32 to vector<16xi32>
    %add3A_94 = arith.addi %iota3A, %add3A_93 : vector<16xi32>
    %and3A_95 = arith.constant 15 : i32
    %and3A_96 = vector.broadcast %and3A_95 : i32 to vector<16xi32>
    %and3A_97 = arith.andi %add3A_94, %and3A_96 : vector<16xi32>
    %shift_right_arithmetic3A = arith.constant 3 : i32
    %shift_right_arithmetic3A_98 = vector.broadcast %shift_right_arithmetic3A : i32 to vector<16xi32>
    %shift_right_arithmetic3A_99 = arith.shrsi %and3A_7, %shift_right_arithmetic3A_98 : vector<16xi32>
    %mul3A_100 = arith.constant 16384 : i32
    %mul3A_101 = vector.broadcast %mul3A_100 : i32 to vector<16xi32>
    %mul3A_102 = arith.muli %shift_right_arithmetic3A_99, %mul3A_101 : vector<16xi32>
    %and3A_103 = arith.constant 7 : i32
    %and3A_104 = vector.broadcast %and3A_103 : i32 to vector<16xi32>
    %and3A_105 = arith.andi %and3A_7, %and3A_104 : vector<16xi32>
    %mul3A_106 = arith.constant 128 : i32
    %mul3A_107 = vector.broadcast %mul3A_106 : i32 to vector<16xi32>
    %mul3A_108 = arith.muli %and3A_105, %mul3A_107 : vector<16xi32>
    %add3A_109 = arith.addi %mul3A_102, %mul3A_108 : vector<16xi32>
    %add3A_110 = arith.addi %add3A_109, %iota3A : vector<16xi32>
    %shift_right_arithmetic3A_111 = arith.constant 3 : i32
    %shift_right_arithmetic3A_112 = vector.broadcast %shift_right_arithmetic3A_111 : i32 to vector<16xi32>
    %shift_right_arithmetic3A_113 = arith.shrsi %and3A_13, %shift_right_arithmetic3A_112 : vector<16xi32>
    %mul3A_114 = arith.constant 16384 : i32
    %mul3A_115 = vector.broadcast %mul3A_114 : i32 to vector<16xi32>
    %mul3A_116 = arith.muli %shift_right_arithmetic3A_113, %mul3A_115 : vector<16xi32>
    %and3A_117 = arith.constant 7 : i32
    %and3A_118 = vector.broadcast %and3A_117 : i32 to vector<16xi32>
    %and3A_119 = arith.andi %and3A_13, %and3A_118 : vector<16xi32>
    %mul3A_120 = arith.constant 128 : i32
    %mul3A_121 = vector.broadcast %mul3A_120 : i32 to vector<16xi32>
    %mul3A_122 = arith.muli %and3A_119, %mul3A_121 : vector<16xi32>
    %add3A_123 = arith.addi %mul3A_116, %mul3A_122 : vector<16xi32>
    %add3A_124 = arith.addi %add3A_123, %iota3A : vector<16xi32>
    %shift_right_arithmetic3A_125 = arith.constant 3 : i32
    %shift_right_arithmetic3A_126 = vector.broadcast %shift_right_arithmetic3A_125 : i32 to vector<16xi32>
    %shift_right_arithmetic3A_127 = arith.shrsi %and3A_19, %shift_right_arithmetic3A_126 : vector<16xi32>
    %mul3A_128 = arith.constant 16384 : i32
    %mul3A_129 = vector.broadcast %mul3A_128 : i32 to vector<16xi32>
    %mul3A_130 = arith.muli %shift_right_arithmetic3A_127, %mul3A_129 : vector<16xi32>
    %and3A_131 = arith.constant 7 : i32
    %and3A_132 = vector.broadcast %and3A_131 : i32 to vector<16xi32>
    %and3A_133 = arith.andi %and3A_19, %and3A_132 : vector<16xi32>
    %mul3A_134 = arith.constant 128 : i32
    %mul3A_135 = vector.broadcast %mul3A_134 : i32 to vector<16xi32>
    %mul3A_136 = arith.muli %and3A_133, %mul3A_135 : vector<16xi32>
    %add3A_137 = arith.addi %mul3A_130, %mul3A_136 : vector<16xi32>
    %add3A_138 = arith.addi %add3A_137, %iota3A : vector<16xi32>
    %shift_right_arithmetic3A_139 = arith.constant 3 : i32
    %shift_right_arithmetic3A_140 = vector.broadcast %shift_right_arithmetic3A_139 : i32 to vector<16xi32>
    %shift_right_arithmetic3A_141 = arith.shrsi %and3A_25, %shift_right_arithmetic3A_140 : vector<16xi32>
    %mul3A_142 = arith.constant 16384 : i32
    %mul3A_143 = vector.broadcast %mul3A_142 : i32 to vector<16xi32>
    %mul3A_144 = arith.muli %shift_right_arithmetic3A_141, %mul3A_143 : vector<16xi32>
    %and3A_145 = arith.constant 7 : i32
    %and3A_146 = vector.broadcast %and3A_145 : i32 to vector<16xi32>
    %and3A_147 = arith.andi %and3A_25, %and3A_146 : vector<16xi32>
    %mul3A_148 = arith.constant 128 : i32
    %mul3A_149 = vector.broadcast %mul3A_148 : i32 to vector<16xi32>
    %mul3A_150 = arith.muli %and3A_147, %mul3A_149 : vector<16xi32>
    %add3A_151 = arith.addi %mul3A_144, %mul3A_150 : vector<16xi32>
    %add3A_152 = arith.addi %add3A_151, %iota3A : vector<16xi32>
    %shift_right_arithmetic3A_153 = arith.constant 3 : i32
    %shift_right_arithmetic3A_154 = vector.broadcast %shift_right_arithmetic3A_153 : i32 to vector<16xi32>
    %shift_right_arithmetic3A_155 = arith.shrsi %and3A_31, %shift_right_arithmetic3A_154 : vector<16xi32>
    %mul3A_156 = arith.constant 16384 : i32
    %mul3A_157 = vector.broadcast %mul3A_156 : i32 to vector<16xi32>
    %mul3A_158 = arith.muli %shift_right_arithmetic3A_155, %mul3A_157 : vector<16xi32>
    %and3A_159 = arith.constant 7 : i32
    %and3A_160 = vector.broadcast %and3A_159 : i32 to vector<16xi32>
    %and3A_161 = arith.andi %and3A_31, %and3A_160 : vector<16xi32>
    %mul3A_162 = arith.constant 128 : i32
    %mul3A_163 = vector.broadcast %mul3A_162 : i32 to vector<16xi32>
    %mul3A_164 = arith.muli %and3A_161, %mul3A_163 : vector<16xi32>
    %add3A_165 = arith.addi %mul3A_158, %mul3A_164 : vector<16xi32>
    %add3A_166 = arith.addi %add3A_165, %iota3A : vector<16xi32>
    %shift_right_arithmetic3A_167 = arith.constant 3 : i32
    %shift_right_arithmetic3A_168 = vector.broadcast %shift_right_arithmetic3A_167 : i32 to vector<16xi32>
    %shift_right_arithmetic3A_169 = arith.shrsi %and3A_37, %shift_right_arithmetic3A_168 : vector<16xi32>
    %mul3A_170 = arith.constant 16384 : i32
    %mul3A_171 = vector.broadcast %mul3A_170 : i32 to vector<16xi32>
    %mul3A_172 = arith.muli %shift_right_arithmetic3A_169, %mul3A_171 : vector<16xi32>
    %and3A_173 = arith.constant 7 : i32
    %and3A_174 = vector.broadcast %and3A_173 : i32 to vector<16xi32>
    %and3A_175 = arith.andi %and3A_37, %and3A_174 : vector<16xi32>
    %mul3A_176 = arith.constant 128 : i32
    %mul3A_177 = vector.broadcast %mul3A_176 : i32 to vector<16xi32>
    %mul3A_178 = arith.muli %and3A_175, %mul3A_177 : vector<16xi32>
    %add3A_179 = arith.addi %mul3A_172, %mul3A_178 : vector<16xi32>
    %add3A_180 = arith.addi %add3A_179, %iota3A : vector<16xi32>
    %shift_right_arithmetic3A_181 = arith.constant 3 : i32
    %shift_right_arithmetic3A_182 = vector.broadcast %shift_right_arithmetic3A_181 : i32 to vector<16xi32>
    %shift_right_arithmetic3A_183 = arith.shrsi %and3A_43, %shift_right_arithmetic3A_182 : vector<16xi32>
    %mul3A_184 = arith.constant 16384 : i32
    %mul3A_185 = vector.broadcast %mul3A_184 : i32 to vector<16xi32>
    %mul3A_186 = arith.muli %shift_right_arithmetic3A_183, %mul3A_185 : vector<16xi32>
    %and3A_187 = arith.constant 7 : i32
    %and3A_188 = vector.broadcast %and3A_187 : i32 to vector<16xi32>
    %and3A_189 = arith.andi %and3A_43, %and3A_188 : vector<16xi32>
    %mul3A_190 = arith.constant 128 : i32
    %mul3A_191 = vector.broadcast %mul3A_190 : i32 to vector<16xi32>
    %mul3A_192 = arith.muli %and3A_189, %mul3A_191 : vector<16xi32>
    %add3A_193 = arith.addi %mul3A_186, %mul3A_192 : vector<16xi32>
    %add3A_194 = arith.addi %add3A_193, %iota3A : vector<16xi32>
    %shift_right_arithmetic3A_195 = arith.constant 3 : i32
    %shift_right_arithmetic3A_196 = vector.broadcast %shift_right_arithmetic3A_195 : i32 to vector<16xi32>
    %shift_right_arithmetic3A_197 = arith.shrsi %and3A_49, %shift_right_arithmetic3A_196 : vector<16xi32>
    %mul3A_198 = arith.constant 16384 : i32
    %mul3A_199 = vector.broadcast %mul3A_198 : i32 to vector<16xi32>
    %mul3A_200 = arith.muli %shift_right_arithmetic3A_197, %mul3A_199 : vector<16xi32>
    %and3A_201 = arith.constant 7 : i32
    %and3A_202 = vector.broadcast %and3A_201 : i32 to vector<16xi32>
    %and3A_203 = arith.andi %and3A_49, %and3A_202 : vector<16xi32>
    %mul3A_204 = arith.constant 128 : i32
    %mul3A_205 = vector.broadcast %mul3A_204 : i32 to vector<16xi32>
    %mul3A_206 = arith.muli %and3A_203, %mul3A_205 : vector<16xi32>
    %add3A_207 = arith.addi %mul3A_200, %mul3A_206 : vector<16xi32>
    %add3A_208 = arith.addi %add3A_207, %iota3A : vector<16xi32>
    %shift_right_arithmetic3A_209 = arith.constant 3 : i32
    %shift_right_arithmetic3A_210 = vector.broadcast %shift_right_arithmetic3A_209 : i32 to vector<16xi32>
    %shift_right_arithmetic3A_211 = arith.shrsi %and3A_55, %shift_right_arithmetic3A_210 : vector<16xi32>
    %mul3A_212 = arith.constant 16384 : i32
    %mul3A_213 = vector.broadcast %mul3A_212 : i32 to vector<16xi32>
    %mul3A_214 = arith.muli %shift_right_arithmetic3A_211, %mul3A_213 : vector<16xi32>
    %and3A_215 = arith.constant 7 : i32
    %and3A_216 = vector.broadcast %and3A_215 : i32 to vector<16xi32>
    %and3A_217 = arith.andi %and3A_55, %and3A_216 : vector<16xi32>
    %mul3A_218 = arith.constant 128 : i32
    %mul3A_219 = vector.broadcast %mul3A_218 : i32 to vector<16xi32>
    %mul3A_220 = arith.muli %and3A_217, %mul3A_219 : vector<16xi32>
    %add3A_221 = arith.addi %mul3A_214, %mul3A_220 : vector<16xi32>
    %add3A_222 = arith.addi %add3A_221, %iota3A : vector<16xi32>
    %shift_right_arithmetic3A_223 = arith.constant 3 : i32
    %shift_right_arithmetic3A_224 = vector.broadcast %shift_right_arithmetic3A_223 : i32 to vector<16xi32>
    %shift_right_arithmetic3A_225 = arith.shrsi %and3A_61, %shift_right_arithmetic3A_224 : vector<16xi32>
    %mul3A_226 = arith.constant 16384 : i32
    %mul3A_227 = vector.broadcast %mul3A_226 : i32 to vector<16xi32>
    %mul3A_228 = arith.muli %shift_right_arithmetic3A_225, %mul3A_227 : vector<16xi32>
    %and3A_229 = arith.constant 7 : i32
    %and3A_230 = vector.broadcast %and3A_229 : i32 to vector<16xi32>
    %and3A_231 = arith.andi %and3A_61, %and3A_230 : vector<16xi32>
    %mul3A_232 = arith.constant 128 : i32
    %mul3A_233 = vector.broadcast %mul3A_232 : i32 to vector<16xi32>
    %mul3A_234 = arith.muli %and3A_231, %mul3A_233 : vector<16xi32>
    %add3A_235 = arith.addi %mul3A_228, %mul3A_234 : vector<16xi32>
    %add3A_236 = arith.addi %add3A_235, %iota3A : vector<16xi32>
    %shift_right_arithmetic3A_237 = arith.constant 3 : i32
    %shift_right_arithmetic3A_238 = vector.broadcast %shift_right_arithmetic3A_237 : i32 to vector<16xi32>
    %shift_right_arithmetic3A_239 = arith.shrsi %and3A_67, %shift_right_arithmetic3A_238 : vector<16xi32>
    %mul3A_240 = arith.constant 16384 : i32
    %mul3A_241 = vector.broadcast %mul3A_240 : i32 to vector<16xi32>
    %mul3A_242 = arith.muli %shift_right_arithmetic3A_239, %mul3A_241 : vector<16xi32>
    %and3A_243 = arith.constant 7 : i32
    %and3A_244 = vector.broadcast %and3A_243 : i32 to vector<16xi32>
    %and3A_245 = arith.andi %and3A_67, %and3A_244 : vector<16xi32>
    %mul3A_246 = arith.constant 128 : i32
    %mul3A_247 = vector.broadcast %mul3A_246 : i32 to vector<16xi32>
    %mul3A_248 = arith.muli %and3A_245, %mul3A_247 : vector<16xi32>
    %add3A_249 = arith.addi %mul3A_242, %mul3A_248 : vector<16xi32>
    %add3A_250 = arith.addi %add3A_249, %iota3A : vector<16xi32>
    %shift_right_arithmetic3A_251 = arith.constant 3 : i32
    %shift_right_arithmetic3A_252 = vector.broadcast %shift_right_arithmetic3A_251 : i32 to vector<16xi32>
    %shift_right_arithmetic3A_253 = arith.shrsi %and3A_73, %shift_right_arithmetic3A_252 : vector<16xi32>
    %mul3A_254 = arith.constant 16384 : i32
    %mul3A_255 = vector.broadcast %mul3A_254 : i32 to vector<16xi32>
    %mul3A_256 = arith.muli %shift_right_arithmetic3A_253, %mul3A_255 : vector<16xi32>
    %and3A_257 = arith.constant 7 : i32
    %and3A_258 = vector.broadcast %and3A_257 : i32 to vector<16xi32>
    %and3A_259 = arith.andi %and3A_73, %and3A_258 : vector<16xi32>
    %mul3A_260 = arith.constant 128 : i32
    %mul3A_261 = vector.broadcast %mul3A_260 : i32 to vector<16xi32>
    %mul3A_262 = arith.muli %and3A_259, %mul3A_261 : vector<16xi32>
    %add3A_263 = arith.addi %mul3A_256, %mul3A_262 : vector<16xi32>
    %add3A_264 = arith.addi %add3A_263, %iota3A : vector<16xi32>
    %shift_right_arithmetic3A_265 = arith.constant 3 : i32
    %shift_right_arithmetic3A_266 = vector.broadcast %shift_right_arithmetic3A_265 : i32 to vector<16xi32>
    %shift_right_arithmetic3A_267 = arith.shrsi %and3A_79, %shift_right_arithmetic3A_266 : vector<16xi32>
    %mul3A_268 = arith.constant 16384 : i32
    %mul3A_269 = vector.broadcast %mul3A_268 : i32 to vector<16xi32>
    %mul3A_270 = arith.muli %shift_right_arithmetic3A_267, %mul3A_269 : vector<16xi32>
    %and3A_271 = arith.constant 7 : i32
    %and3A_272 = vector.broadcast %and3A_271 : i32 to vector<16xi32>
    %and3A_273 = arith.andi %and3A_79, %and3A_272 : vector<16xi32>
    %mul3A_274 = arith.constant 128 : i32
    %mul3A_275 = vector.broadcast %mul3A_274 : i32 to vector<16xi32>
    %mul3A_276 = arith.muli %and3A_273, %mul3A_275 : vector<16xi32>
    %add3A_277 = arith.addi %mul3A_270, %mul3A_276 : vector<16xi32>
    %add3A_278 = arith.addi %add3A_277, %iota3A : vector<16xi32>
    %shift_right_arithmetic3A_279 = arith.constant 3 : i32
    %shift_right_arithmetic3A_280 = vector.broadcast %shift_right_arithmetic3A_279 : i32 to vector<16xi32>
    %shift_right_arithmetic3A_281 = arith.shrsi %and3A_85, %shift_right_arithmetic3A_280 : vector<16xi32>
    %mul3A_282 = arith.constant 16384 : i32
    %mul3A_283 = vector.broadcast %mul3A_282 : i32 to vector<16xi32>
    %mul3A_284 = arith.muli %shift_right_arithmetic3A_281, %mul3A_283 : vector<16xi32>
    %and3A_285 = arith.constant 7 : i32
    %and3A_286 = vector.broadcast %and3A_285 : i32 to vector<16xi32>
    %and3A_287 = arith.andi %and3A_85, %and3A_286 : vector<16xi32>
    %mul3A_288 = arith.constant 128 : i32
    %mul3A_289 = vector.broadcast %mul3A_288 : i32 to vector<16xi32>
    %mul3A_290 = arith.muli %and3A_287, %mul3A_289 : vector<16xi32>
    %add3A_291 = arith.addi %mul3A_284, %mul3A_290 : vector<16xi32>
    %add3A_292 = arith.addi %add3A_291, %iota3A : vector<16xi32>
    %shift_right_arithmetic3A_293 = arith.constant 3 : i32
    %shift_right_arithmetic3A_294 = vector.broadcast %shift_right_arithmetic3A_293 : i32 to vector<16xi32>
    %shift_right_arithmetic3A_295 = arith.shrsi %and3A_91, %shift_right_arithmetic3A_294 : vector<16xi32>
    %mul3A_296 = arith.constant 16384 : i32
    %mul3A_297 = vector.broadcast %mul3A_296 : i32 to vector<16xi32>
    %mul3A_298 = arith.muli %shift_right_arithmetic3A_295, %mul3A_297 : vector<16xi32>
    %and3A_299 = arith.constant 7 : i32
    %and3A_300 = vector.broadcast %and3A_299 : i32 to vector<16xi32>
    %and3A_301 = arith.andi %and3A_91, %and3A_300 : vector<16xi32>
    %mul3A_302 = arith.constant 128 : i32
    %mul3A_303 = vector.broadcast %mul3A_302 : i32 to vector<16xi32>
    %mul3A_304 = arith.muli %and3A_301, %mul3A_303 : vector<16xi32>
    %add3A_305 = arith.addi %mul3A_298, %mul3A_304 : vector<16xi32>
    %add3A_306 = arith.addi %add3A_305, %iota3A : vector<16xi32>
    %shift_right_arithmetic3A_307 = arith.constant 3 : i32
    %shift_right_arithmetic3A_308 = vector.broadcast %shift_right_arithmetic3A_307 : i32 to vector<16xi32>
    %shift_right_arithmetic3A_309 = arith.shrsi %and3A_97, %shift_right_arithmetic3A_308 : vector<16xi32>
    %mul3A_310 = arith.constant 16384 : i32
    %mul3A_311 = vector.broadcast %mul3A_310 : i32 to vector<16xi32>
    %mul3A_312 = arith.muli %shift_right_arithmetic3A_309, %mul3A_311 : vector<16xi32>
    %and3A_313 = arith.constant 7 : i32
    %and3A_314 = vector.broadcast %and3A_313 : i32 to vector<16xi32>
    %and3A_315 = arith.andi %and3A_97, %and3A_314 : vector<16xi32>
    %mul3A_316 = arith.constant 128 : i32
    %mul3A_317 = vector.broadcast %mul3A_316 : i32 to vector<16xi32>
    %mul3A_318 = arith.muli %and3A_315, %mul3A_317 : vector<16xi32>
    %add3A_319 = arith.addi %mul3A_312, %mul3A_318 : vector<16xi32>
    %add3A_320 = arith.addi %add3A_319, %iota3A : vector<16xi32>
    %add3A_321 = arith.constant 0 : i32
    %add3A_322 = arith.addi %mul3A_2, %add3A_321 : i32
    %jit3A = arith.constant 8 : i32
    %div3A = arith.divsi %add3A_322, %jit3A : i32
    %sign3A = arith.constant 0 : i32
    %sign3A_323 = arith.cmpi sgt, %add3A_322, %sign3A : i32
    %sign3A_324 = arith.extui %sign3A_323 : i1 to i32
    %sign3A_325 = arith.constant 0 : i32
    %sign3A_326 = arith.cmpi slt, %add3A_322, %sign3A_325 : i32
    %sign3A_327 = arith.extui %sign3A_326 : i1 to i32
    %sign3A_328 = arith.subi %sign3A_324, %sign3A_327 : i32
    %sign3A_329 = arith.constant 0 : i32
    %sign3A_330 = arith.cmpi sgt, %jit3A, %sign3A_329 : i32
    %sign3A_331 = arith.extui %sign3A_330 : i1 to i32
    %sign3A_332 = arith.constant 0 : i32
    %sign3A_333 = arith.cmpi slt, %jit3A, %sign3A_332 : i32
    %sign3A_334 = arith.extui %sign3A_333 : i1 to i32
    %sign3A_335 = arith.subi %sign3A_331, %sign3A_334 : i32
    %ne3A = arith.cmpi ne, %sign3A_328, %sign3A_335 : i32
    %rem3A = arith.remsi %add3A_322, %jit3A : i32
    %ne3A_336 = arith.constant 0 : i32
    %ne3A_337 = arith.cmpi ne, %rem3A, %ne3A_336 : i32
    %and3A_338 = arith.andi %ne3A, %ne3A_337 : i1
    %sub3A = arith.constant 1 : i32
    %sub3A_339 = arith.subi %div3A, %sub3A : i32
    %select_n3A = arith.select %and3A_338, %sub3A_339, %div3A : i32
    %mul3A_340 = arith.constant 8 : i32
    %mul3A_341 = arith.muli %select_n3A, %mul3A_340 : i32
    %sub3A_342 = arith.subi %add3A_322, %mul3A_341 : i32
    %mul3A_343 = arith.constant 16384 : i32
    %mul3A_344 = arith.muli %select_n3A, %mul3A_343 : i32
    %mul3A_345 = arith.constant 2048 : i32
    %mul3A_346 = arith.muli %sub3A_342, %mul3A_345 : i32
    %add3A_347 = arith.addi %mul3A_344, %mul3A_346 : i32
    %multiple_of3A = tpu.assume_multiple %add3A_347, 2048 : i32
    %dma_start3A = tpu.memref_slice %arg2[%multiple_of3A] : memref<3276800xi32, #tpu.memory_space<hbm>> -> memref<2048xi32, #tpu.memory_space<hbm>>
    %dma_start3A_348 = tpu.memref_slice %arg2[%multiple_of3A] : memref<3276800xi32, #tpu.memory_space<hbm>> -> memref<2048xi32, #tpu.memory_space<hbm>>
    tpu.enqueue_dma source(%dma_start3A_348 : memref<2048xi32, #tpu.memory_space<hbm>>) target(%arg6 : memref<2048xi32, #tpu.memory_space<vmem>>) target_semaphore(%arg10 : memref<!tpu.dma_semaphore, #tpu.memory_space<semaphore_mem>>)
    %add3A_349 = arith.constant 1 : i32
    %add3A_350 = arith.addi %mul3A_2, %add3A_349 : i32
    %jit3A_351 = arith.constant 8 : i32
    %div3A_352 = arith.divsi %add3A_350, %jit3A_351 : i32
    %sign3A_353 = arith.constant 0 : i32
    %sign3A_354 = arith.cmpi sgt, %add3A_350, %sign3A_353 : i32
    %sign3A_355 = arith.extui %sign3A_354 : i1 to i32
    %sign3A_356 = arith.constant 0 : i32
    %sign3A_357 = arith.cmpi slt, %add3A_350, %sign3A_356 : i32
    %sign3A_358 = arith.extui %sign3A_357 : i1 to i32
    %sign3A_359 = arith.subi %sign3A_355, %sign3A_358 : i32
    %sign3A_360 = arith.constant 0 : i32
    %sign3A_361 = arith.cmpi sgt, %jit3A_351, %sign3A_360 : i32
    %sign3A_362 = arith.extui %sign3A_361 : i1 to i32
    %sign3A_363 = arith.constant 0 : i32
    %sign3A_364 = arith.cmpi slt, %jit3A_351, %sign3A_363 : i32
    %sign3A_365 = arith.extui %sign3A_364 : i1 to i32
    %sign3A_366 = arith.subi %sign3A_362, %sign3A_365 : i32
    %ne3A_367 = arith.cmpi ne, %sign3A_359, %sign3A_366 : i32
    %rem3A_368 = arith.remsi %add3A_350, %jit3A_351 : i32
    %ne3A_369 = arith.constant 0 : i32
    %ne3A_370 = arith.cmpi ne, %rem3A_368, %ne3A_369 : i32
    %and3A_371 = arith.andi %ne3A_367, %ne3A_370 : i1
    %sub3A_372 = arith.constant 1 : i32
    %sub3A_373 = arith.subi %div3A_352, %sub3A_372 : i32
    %select_n3A_374 = arith.select %and3A_371, %sub3A_373, %div3A_352 : i32
    %mul3A_375 = arith.constant 8 : i32
    %mul3A_376 = arith.muli %select_n3A_374, %mul3A_375 : i32
    %sub3A_377 = arith.subi %add3A_350, %mul3A_376 : i32
    %mul3A_378 = arith.constant 16384 : i32
    %mul3A_379 = arith.muli %select_n3A_374, %mul3A_378 : i32
    %mul3A_380 = arith.constant 2048 : i32
    %mul3A_381 = arith.muli %sub3A_377, %mul3A_380 : i32
    %add3A_382 = arith.addi %mul3A_379, %mul3A_381 : i32
    %multiple_of3A_383 = tpu.assume_multiple %add3A_382, 2048 : i32
    %dma_start3A_384 = tpu.memref_slice %arg2[%multiple_of3A_383] : memref<3276800xi32, #tpu.memory_space<hbm>> -> memref<2048xi32, #tpu.memory_space<hbm>>
    %dma_start3A_385 = tpu.memref_slice %arg2[%multiple_of3A_383] : memref<3276800xi32, #tpu.memory_space<hbm>> -> memref<2048xi32, #tpu.memory_space<hbm>>
    tpu.enqueue_dma source(%dma_start3A_385 : memref<2048xi32, #tpu.memory_space<hbm>>) target(%arg7 : memref<2048xi32, #tpu.memory_space<vmem>>) target_semaphore(%arg11 : memref<!tpu.dma_semaphore, #tpu.memory_space<semaphore_mem>>)
    %scan3A = arith.constant 0 : i32
    %scan3A_386 = arith.constant 0 : i32
    %scan3A_387 = arith.constant 25 : i32
    %scan3A_388 = arith.addi %scan3A_386, %scan3A_387 : i32
    %scan3A_389 = arith.constant 1 : i32
    scf.for %scan3A_562 = %scan3A_386 to %scan3A_388 step %scan3A_389  : i32 {
      %mul3A_563 = arith.constant 2 : i32
      %mul3A_564 = arith.muli %mul3A_563, %scan3A_562 : i32
      %add3A_565 = arith.constant 0 : i32
      %add3A_566 = arith.addi %mul3A_564, %add3A_565 : i32
      %gt3A = arith.constant 0 : i32
      %gt3A_567 = arith.cmpi sgt, %scan3A_562, %gt3A : i32
      %convert_element_type3A = arith.extui %gt3A_567 : i1 to i32
      %cond3A = arith.constant 0 : i32
      %cond3A_568 = arith.cmpi ne, %convert_element_type3A, %cond3A : i32
      scf.if %cond3A_568 {
        %sub3A_836 = arith.constant 2 : i32
        %sub3A_837 = arith.subi %add3A_566, %sub3A_836 : i32
        %add3A_838 = arith.addi %mul3A_2, %sub3A_837 : i32
        %jit3A_839 = arith.constant 8 : i32
        %div3A_840 = arith.divsi %add3A_838, %jit3A_839 : i32
        %sign3A_841 = arith.constant 0 : i32
        %sign3A_842 = arith.cmpi sgt, %add3A_838, %sign3A_841 : i32
        %sign3A_843 = arith.extui %sign3A_842 : i1 to i32
        %sign3A_844 = arith.constant 0 : i32
        %sign3A_845 = arith.cmpi slt, %add3A_838, %sign3A_844 : i32
        %sign3A_846 = arith.extui %sign3A_845 : i1 to i32
        %sign3A_847 = arith.subi %sign3A_843, %sign3A_846 : i32
        %sign3A_848 = arith.constant 0 : i32
        %sign3A_849 = arith.cmpi sgt, %jit3A_839, %sign3A_848 : i32
        %sign3A_850 = arith.extui %sign3A_849 : i1 to i32
        %sign3A_851 = arith.constant 0 : i32
        %sign3A_852 = arith.cmpi slt, %jit3A_839, %sign3A_851 : i32
        %sign3A_853 = arith.extui %sign3A_852 : i1 to i32
        %sign3A_854 = arith.subi %sign3A_850, %sign3A_853 : i32
        %ne3A_855 = arith.cmpi ne, %sign3A_847, %sign3A_854 : i32
        %rem3A_856 = arith.remsi %add3A_838, %jit3A_839 : i32
        %ne3A_857 = arith.constant 0 : i32
        %ne3A_858 = arith.cmpi ne, %rem3A_856, %ne3A_857 : i32
        %and3A_859 = arith.andi %ne3A_855, %ne3A_858 : i1
        %sub3A_860 = arith.constant 1 : i32
        %sub3A_861 = arith.subi %div3A_840, %sub3A_860 : i32
        %select_n3A_862 = arith.select %and3A_859, %sub3A_861, %div3A_840 : i32
        %mul3A_863 = arith.constant 8 : i32
        %mul3A_864 = arith.muli %select_n3A_862, %mul3A_863 : i32
        %sub3A_865 = arith.subi %add3A_838, %mul3A_864 : i32
        %mul3A_866 = arith.constant 262144 : i32
        %mul3A_867 = arith.muli %select_n3A_862, %mul3A_866 : i32
        %add3A_868 = arith.constant 0 : i32
        %add3A_869 = arith.addi %mul3A_867, %add3A_868 : i32
        %mul3A_870 = arith.constant 16384 : i32
        %mul3A_871 = arith.muli %sub3A_865, %mul3A_870 : i32
        %add3A_872 = arith.addi %add3A_869, %mul3A_871 : i32
        %multiple_of3A_873 = tpu.assume_multiple %add3A_872, 16384 : i32
        %dma_wait3A_874 = arith.constant 0 : i32
        %dma_wait3A_875 = tpu.memref_slice %arg8[%dma_wait3A_874] : memref<32768xf32, #tpu.memory_space<vmem>> -> memref<16384xf32, #tpu.memory_space<vmem>>
        %dma_wait3A_876 = tpu.memref_slice %arg4[%multiple_of3A_873] : memref<52428800xf32, #tpu.memory_space<hbm>> -> memref<16384xf32, #tpu.memory_space<hbm>>
        %dma_wait3A_877 = tpu.memref_slice %arg4[%multiple_of3A_873] : memref<52428800xf32, #tpu.memory_space<hbm>> -> memref<16384xf32, #tpu.memory_space<hbm>>
        %dma_wait3A_878 = arith.constant 0 : i32
        %dma_wait3A_879 = tpu.memref_slice %arg8[%dma_wait3A_878] : memref<32768xf32, #tpu.memory_space<vmem>> -> memref<16384xf32, #tpu.memory_space<vmem>>
        tpu.wait_dma2 semaphore(%arg12 : memref<!tpu.dma_semaphore, #tpu.memory_space<semaphore_mem>>) src(%dma_wait3A_879 : memref<16384xf32, #tpu.memory_space<vmem>>) dst(%dma_wait3A_877 : memref<16384xf32, #tpu.memory_space<hbm>>)
        %sub3A_880 = arith.constant 2 : i32
        %sub3A_881 = arith.subi %add3A_566, %sub3A_880 : i32
        %add3A_882 = arith.addi %mul3A_2, %sub3A_881 : i32
        %jit3A_883 = arith.constant 8 : i32
        %div3A_884 = arith.divsi %add3A_882, %jit3A_883 : i32
        %sign3A_885 = arith.constant 0 : i32
        %sign3A_886 = arith.cmpi sgt, %add3A_882, %sign3A_885 : i32
        %sign3A_887 = arith.extui %sign3A_886 : i1 to i32
        %sign3A_888 = arith.constant 0 : i32
        %sign3A_889 = arith.cmpi slt, %add3A_882, %sign3A_888 : i32
        %sign3A_890 = arith.extui %sign3A_889 : i1 to i32
        %sign3A_891 = arith.subi %sign3A_887, %sign3A_890 : i32
        %sign3A_892 = arith.constant 0 : i32
        %sign3A_893 = arith.cmpi sgt, %jit3A_883, %sign3A_892 : i32
        %sign3A_894 = arith.extui %sign3A_893 : i1 to i32
        %sign3A_895 = arith.constant 0 : i32
        %sign3A_896 = arith.cmpi slt, %jit3A_883, %sign3A_895 : i32
        %sign3A_897 = arith.extui %sign3A_896 : i1 to i32
        %sign3A_898 = arith.subi %sign3A_894, %sign3A_897 : i32
        %ne3A_899 = arith.cmpi ne, %sign3A_891, %sign3A_898 : i32
        %rem3A_900 = arith.remsi %add3A_882, %jit3A_883 : i32
        %ne3A_901 = arith.constant 0 : i32
        %ne3A_902 = arith.cmpi ne, %rem3A_900, %ne3A_901 : i32
        %and3A_903 = arith.andi %ne3A_899, %ne3A_902 : i1
        %sub3A_904 = arith.constant 1 : i32
        %sub3A_905 = arith.subi %div3A_884, %sub3A_904 : i32
        %select_n3A_906 = arith.select %and3A_903, %sub3A_905, %div3A_884 : i32
        %mul3A_907 = arith.constant 8 : i32
        %mul3A_908 = arith.muli %select_n3A_906, %mul3A_907 : i32
        %sub3A_909 = arith.subi %add3A_882, %mul3A_908 : i32
        %mul3A_910 = arith.constant 262144 : i32
        %mul3A_911 = arith.muli %select_n3A_906, %mul3A_910 : i32
        %add3A_912 = arith.constant 131072 : i32
        %add3A_913 = arith.addi %mul3A_911, %add3A_912 : i32
        %mul3A_914 = arith.constant 16384 : i32
        %mul3A_915 = arith.muli %sub3A_909, %mul3A_914 : i32
        %add3A_916 = arith.addi %add3A_913, %mul3A_915 : i32
        %multiple_of3A_917 = tpu.assume_multiple %add3A_916, 16384 : i32
        %dma_wait3A_918 = arith.constant 16384 : i32
        %dma_wait3A_919 = tpu.memref_slice %arg8[%dma_wait3A_918] : memref<32768xf32, #tpu.memory_space<vmem>> -> memref<16384xf32, #tpu.memory_space<vmem>>
        %dma_wait3A_920 = tpu.memref_slice %arg4[%multiple_of3A_917] : memref<52428800xf32, #tpu.memory_space<hbm>> -> memref<16384xf32, #tpu.memory_space<hbm>>
        %dma_wait3A_921 = tpu.memref_slice %arg4[%multiple_of3A_917] : memref<52428800xf32, #tpu.memory_space<hbm>> -> memref<16384xf32, #tpu.memory_space<hbm>>
        %dma_wait3A_922 = arith.constant 16384 : i32
        %dma_wait3A_923 = tpu.memref_slice %arg8[%dma_wait3A_922] : memref<32768xf32, #tpu.memory_space<vmem>> -> memref<16384xf32, #tpu.memory_space<vmem>>
        tpu.wait_dma2 semaphore(%arg13 : memref<!tpu.dma_semaphore, #tpu.memory_space<semaphore_mem>>) src(%dma_wait3A_923 : memref<16384xf32, #tpu.memory_space<vmem>>) dst(%dma_wait3A_921 : memref<16384xf32, #tpu.memory_space<hbm>>)
      } else {
      }
      %add3A_569 = arith.addi %mul3A_2, %add3A_566 : i32
      %jit3A_570 = arith.constant 8 : i32
      %div3A_571 = arith.divsi %add3A_569, %jit3A_570 : i32
      %sign3A_572 = arith.constant 0 : i32
      %sign3A_573 = arith.cmpi sgt, %add3A_569, %sign3A_572 : i32
      %sign3A_574 = arith.extui %sign3A_573 : i1 to i32
      %sign3A_575 = arith.constant 0 : i32
      %sign3A_576 = arith.cmpi slt, %add3A_569, %sign3A_575 : i32
      %sign3A_577 = arith.extui %sign3A_576 : i1 to i32
      %sign3A_578 = arith.subi %sign3A_574, %sign3A_577 : i32
      %sign3A_579 = arith.constant 0 : i32
      %sign3A_580 = arith.cmpi sgt, %jit3A_570, %sign3A_579 : i32
      %sign3A_581 = arith.extui %sign3A_580 : i1 to i32
      %sign3A_582 = arith.constant 0 : i32
      %sign3A_583 = arith.cmpi slt, %jit3A_570, %sign3A_582 : i32
      %sign3A_584 = arith.extui %sign3A_583 : i1 to i32
      %sign3A_585 = arith.subi %sign3A_581, %sign3A_584 : i32
      %ne3A_586 = arith.cmpi ne, %sign3A_578, %sign3A_585 : i32
      %rem3A_587 = arith.remsi %add3A_569, %jit3A_570 : i32
      %ne3A_588 = arith.constant 0 : i32
      %ne3A_589 = arith.cmpi ne, %rem3A_587, %ne3A_588 : i32
      %and3A_590 = arith.andi %ne3A_586, %ne3A_589 : i1
      %sub3A_591 = arith.constant 1 : i32
      %sub3A_592 = arith.subi %div3A_571, %sub3A_591 : i32
      %select_n3A_593 = arith.select %and3A_590, %sub3A_592, %div3A_571 : i32
      %mul3A_594 = arith.constant 8 : i32
      %mul3A_595 = arith.muli %select_n3A_593, %mul3A_594 : i32
      %sub3A_596 = arith.subi %add3A_569, %mul3A_595 : i32
      %mul3A_597 = arith.constant 16384 : i32
      %mul3A_598 = arith.muli %select_n3A_593, %mul3A_597 : i32
      %mul3A_599 = arith.constant 2048 : i32
      %mul3A_600 = arith.muli %sub3A_596, %mul3A_599 : i32
      %add3A_601 = arith.addi %mul3A_598, %mul3A_600 : i32
      %multiple_of3A_602 = tpu.assume_multiple %add3A_601, 2048 : i32
      %dma_wait3A_603 = tpu.memref_slice %arg2[%multiple_of3A_602] : memref<3276800xi32, #tpu.memory_space<hbm>> -> memref<2048xi32, #tpu.memory_space<hbm>>
      %dma_wait3A_604 = tpu.memref_slice %arg2[%multiple_of3A_602] : memref<3276800xi32, #tpu.memory_space<hbm>> -> memref<2048xi32, #tpu.memory_space<hbm>>
      tpu.wait_dma2 semaphore(%arg10 : memref<!tpu.dma_semaphore, #tpu.memory_space<semaphore_mem>>) src(%dma_wait3A_604 : memref<2048xi32, #tpu.memory_space<hbm>>) dst(%arg6 : memref<2048xi32, #tpu.memory_space<vmem>>)
      %parallel_loop3A = arith.constant 0 : i32
      %parallel_loop3A_605 = arith.constant 128 : i32
      %parallel_loop3A_606 = arith.constant 1 : i32
      scf.for %parallel_loop3A_836 = %parallel_loop3A to %parallel_loop3A_605 step %parallel_loop3A_606  : i32 {
        %parallel_loop3A_837 = arith.constant 16 : i32
        %parallel_loop3A_838 = arith.muli %parallel_loop3A_836, %parallel_loop3A_837 : i32
        %parallel_loop3A_839 = arith.index_cast %parallel_loop3A_838 : i32 to index
        %parallel_loop3A_840 = tpu.vector_load %arg6[%parallel_loop3A_839] {strides = array<i32>} : memref<2048xi32, #tpu.memory_space<vmem>>, vector<16xi32>,
        %parallel_loop3A_841 = arith.constant 16 : i32
        %parallel_loop3A_842 = vector.broadcast %parallel_loop3A_841 : i32 to vector<16xi32>
        %parallel_loop3A_843 = arith.muli %parallel_loop3A_840, %parallel_loop3A_842 : vector<16xi32>
        %parallel_loop3A_844 = arith.constant 8 : i32
        %parallel_loop3A_845 = arith.divsi %parallel_loop3A_836, %parallel_loop3A_844 : i32
        %parallel_loop3A_846 = arith.constant 0 : i32
        %parallel_loop3A_847 = arith.cmpi sgt, %parallel_loop3A_836, %parallel_loop3A_846 : i32
        %parallel_loop3A_848 = arith.extui %parallel_loop3A_847 : i1 to i32
        %parallel_loop3A_849 = arith.constant 0 : i32
        %parallel_loop3A_850 = arith.cmpi slt, %parallel_loop3A_836, %parallel_loop3A_849 : i32
        %parallel_loop3A_851 = arith.extui %parallel_loop3A_850 : i1 to i32
        %parallel_loop3A_852 = arith.subi %parallel_loop3A_848, %parallel_loop3A_851 : i32
        %parallel_loop3A_853 = arith.constant 0 : i32
        %parallel_loop3A_854 = arith.cmpi sgt, %parallel_loop3A_844, %parallel_loop3A_853 : i32
        %parallel_loop3A_855 = arith.extui %parallel_loop3A_854 : i1 to i32
        %parallel_loop3A_856 = arith.constant 0 : i32
        %parallel_loop3A_857 = arith.cmpi slt, %parallel_loop3A_844, %parallel_loop3A_856 : i32
        %parallel_loop3A_858 = arith.extui %parallel_loop3A_857 : i1 to i32
        %parallel_loop3A_859 = arith.subi %parallel_loop3A_855, %parallel_loop3A_858 : i32
        %parallel_loop3A_860 = arith.cmpi ne, %parallel_loop3A_852, %parallel_loop3A_859 : i32
        %parallel_loop3A_861 = arith.remsi %parallel_loop3A_836, %parallel_loop3A_844 : i32
        %parallel_loop3A_862 = arith.constant 0 : i32
        %parallel_loop3A_863 = arith.cmpi ne, %parallel_loop3A_861, %parallel_loop3A_862 : i32
        %parallel_loop3A_864 = arith.andi %parallel_loop3A_860, %parallel_loop3A_863 : i1
        %parallel_loop3A_865 = arith.constant 1 : i32
        %parallel_loop3A_866 = arith.subi %parallel_loop3A_845, %parallel_loop3A_865 : i32
        %parallel_loop3A_867 = arith.select %parallel_loop3A_864, %parallel_loop3A_866, %parallel_loop3A_845 : i32
        %parallel_loop3A_868 = arith.constant 1024 : i32
        %parallel_loop3A_869 = arith.muli %parallel_loop3A_867, %parallel_loop3A_868 : i32
        %parallel_loop3A_870 = arith.constant 8 : i32
        %parallel_loop3A_871 = arith.muli %parallel_loop3A_867, %parallel_loop3A_870 : i32
        %parallel_loop3A_872 = arith.subi %parallel_loop3A_836, %parallel_loop3A_871 : i32
        %parallel_loop3A_873 = arith.constant 16 : i32
        %parallel_loop3A_874 = arith.muli %parallel_loop3A_872, %parallel_loop3A_873 : i32
        %parallel_loop3A_875 = arith.addi %parallel_loop3A_869, %parallel_loop3A_874 : i32
        %parallel_loop3A_876 = arith.addi %parallel_loop3A_843, %and3A_7 : vector<16xi32>
        %parallel_loop3A_877 = tpu.vector_load_idx %arg5[%parallel_loop3A_876] : memref<16000xf32, #tpu.memory_space<vmem>>[vector<16xi32>], vector<16xf32>,
        %parallel_loop3A_878 = vector.broadcast %parallel_loop3A_875 : i32 to vector<16xi32>
        %parallel_loop3A_879 = arith.addi %add3A_110, %parallel_loop3A_878 : vector<16xi32>
        tpu.vector_store_idx %arg8[%parallel_loop3A_879], %parallel_loop3A_877 : memref<32768xf32, #tpu.memory_space<vmem>>[vector<16xi32>], vector<16xf32>,
        %parallel_loop3A_880 = arith.addi %parallel_loop3A_843, %and3A_13 : vector<16xi32>
        %parallel_loop3A_881 = tpu.vector_load_idx %arg5[%parallel_loop3A_880] : memref<16000xf32, #tpu.memory_space<vmem>>[vector<16xi32>], vector<16xf32>,
        %parallel_loop3A_882 = vector.broadcast %parallel_loop3A_875 : i32 to vector<16xi32>
        %parallel_loop3A_883 = arith.addi %add3A_124, %parallel_loop3A_882 : vector<16xi32>
        tpu.vector_store_idx %arg8[%parallel_loop3A_883], %parallel_loop3A_881 : memref<32768xf32, #tpu.memory_space<vmem>>[vector<16xi32>], vector<16xf32>,
        %parallel_loop3A_884 = arith.addi %parallel_loop3A_843, %and3A_19 : vector<16xi32>
        %parallel_loop3A_885 = tpu.vector_load_idx %arg5[%parallel_loop3A_884] : memref<16000xf32, #tpu.memory_space<vmem>>[vector<16xi32>], vector<16xf32>,
        %parallel_loop3A_886 = vector.broadcast %parallel_loop3A_875 : i32 to vector<16xi32>
        %parallel_loop3A_887 = arith.addi %add3A_138, %parallel_loop3A_886 : vector<16xi32>
        tpu.vector_store_idx %arg8[%parallel_loop3A_887], %parallel_loop3A_885 : memref<32768xf32, #tpu.memory_space<vmem>>[vector<16xi32>], vector<16xf32>,
        %parallel_loop3A_888 = arith.addi %parallel_loop3A_843, %and3A_25 : vector<16xi32>
        %parallel_loop3A_889 = tpu.vector_load_idx %arg5[%parallel_loop3A_888] : memref<16000xf32, #tpu.memory_space<vmem>>[vector<16xi32>], vector<16xf32>,
        %parallel_loop3A_890 = vector.broadcast %parallel_loop3A_875 : i32 to vector<16xi32>
        %parallel_loop3A_891 = arith.addi %add3A_152, %parallel_loop3A_890 : vector<16xi32>
        tpu.vector_store_idx %arg8[%parallel_loop3A_891], %parallel_loop3A_889 : memref<32768xf32, #tpu.memory_space<vmem>>[vector<16xi32>], vector<16xf32>,
        %parallel_loop3A_892 = arith.addi %parallel_loop3A_843, %and3A_31 : vector<16xi32>
        %parallel_loop3A_893 = tpu.vector_load_idx %arg5[%parallel_loop3A_892] : memref<16000xf32, #tpu.memory_space<vmem>>[vector<16xi32>], vector<16xf32>,
        %parallel_loop3A_894 = vector.broadcast %parallel_loop3A_875 : i32 to vector<16xi32>
        %parallel_loop3A_895 = arith.addi %add3A_166, %parallel_loop3A_894 : vector<16xi32>
        tpu.vector_store_idx %arg8[%parallel_loop3A_895], %parallel_loop3A_893 : memref<32768xf32, #tpu.memory_space<vmem>>[vector<16xi32>], vector<16xf32>,
        %parallel_loop3A_896 = arith.addi %parallel_loop3A_843, %and3A_37 : vector<16xi32>
        %parallel_loop3A_897 = tpu.vector_load_idx %arg5[%parallel_loop3A_896] : memref<16000xf32, #tpu.memory_space<vmem>>[vector<16xi32>], vector<16xf32>,
        %parallel_loop3A_898 = vector.broadcast %parallel_loop3A_875 : i32 to vector<16xi32>
        %parallel_loop3A_899 = arith.addi %add3A_180, %parallel_loop3A_898 : vector<16xi32>
        tpu.vector_store_idx %arg8[%parallel_loop3A_899], %parallel_loop3A_897 : memref<32768xf32, #tpu.memory_space<vmem>>[vector<16xi32>], vector<16xf32>,
        %parallel_loop3A_900 = arith.addi %parallel_loop3A_843, %and3A_43 : vector<16xi32>
        %parallel_loop3A_901 = tpu.vector_load_idx %arg5[%parallel_loop3A_900] : memref<16000xf32, #tpu.memory_space<vmem>>[vector<16xi32>], vector<16xf32>,
        %parallel_loop3A_902 = vector.broadcast %parallel_loop3A_875 : i32 to vector<16xi32>
        %parallel_loop3A_903 = arith.addi %add3A_194, %parallel_loop3A_902 : vector<16xi32>
        tpu.vector_store_idx %arg8[%parallel_loop3A_903], %parallel_loop3A_901 : memref<32768xf32, #tpu.memory_space<vmem>>[vector<16xi32>], vector<16xf32>,
        %parallel_loop3A_904 = arith.addi %parallel_loop3A_843, %and3A_49 : vector<16xi32>
        %parallel_loop3A_905 = tpu.vector_load_idx %arg5[%parallel_loop3A_904] : memref<16000xf32, #tpu.memory_space<vmem>>[vector<16xi32>], vector<16xf32>,
        %parallel_loop3A_906 = vector.broadcast %parallel_loop3A_875 : i32 to vector<16xi32>
        %parallel_loop3A_907 = arith.addi %add3A_208, %parallel_loop3A_906 : vector<16xi32>
        tpu.vector_store_idx %arg8[%parallel_loop3A_907], %parallel_loop3A_905 : memref<32768xf32, #tpu.memory_space<vmem>>[vector<16xi32>], vector<16xf32>,
        %parallel_loop3A_908 = arith.addi %parallel_loop3A_843, %and3A_55 : vector<16xi32>
        %parallel_loop3A_909 = tpu.vector_load_idx %arg5[%parallel_loop3A_908] : memref<16000xf32, #tpu.memory_space<vmem>>[vector<16xi32>], vector<16xf32>,
        %parallel_loop3A_910 = vector.broadcast %parallel_loop3A_875 : i32 to vector<16xi32>
        %parallel_loop3A_911 = arith.addi %add3A_222, %parallel_loop3A_910 : vector<16xi32>
        tpu.vector_store_idx %arg8[%parallel_loop3A_911], %parallel_loop3A_909 : memref<32768xf32, #tpu.memory_space<vmem>>[vector<16xi32>], vector<16xf32>,
        %parallel_loop3A_912 = arith.addi %parallel_loop3A_843, %and3A_61 : vector<16xi32>
        %parallel_loop3A_913 = tpu.vector_load_idx %arg5[%parallel_loop3A_912] : memref<16000xf32, #tpu.memory_space<vmem>>[vector<16xi32>], vector<16xf32>,
        %parallel_loop3A_914 = vector.broadcast %parallel_loop3A_875 : i32 to vector<16xi32>
        %parallel_loop3A_915 = arith.addi %add3A_236, %parallel_loop3A_914 : vector<16xi32>
        tpu.vector_store_idx %arg8[%parallel_loop3A_915], %parallel_loop3A_913 : memref<32768xf32, #tpu.memory_space<vmem>>[vector<16xi32>], vector<16xf32>,
        %parallel_loop3A_916 = arith.addi %parallel_loop3A_843, %and3A_67 : vector<16xi32>
        %parallel_loop3A_917 = tpu.vector_load_idx %arg5[%parallel_loop3A_916] : memref<16000xf32, #tpu.memory_space<vmem>>[vector<16xi32>], vector<16xf32>,
        %parallel_loop3A_918 = vector.broadcast %parallel_loop3A_875 : i32 to vector<16xi32>
        %parallel_loop3A_919 = arith.addi %add3A_250, %parallel_loop3A_918 : vector<16xi32>
        tpu.vector_store_idx %arg8[%parallel_loop3A_919], %parallel_loop3A_917 : memref<32768xf32, #tpu.memory_space<vmem>>[vector<16xi32>], vector<16xf32>,
        %parallel_loop3A_920 = arith.addi %parallel_loop3A_843, %and3A_73 : vector<16xi32>
        %parallel_loop3A_921 = tpu.vector_load_idx %arg5[%parallel_loop3A_920] : memref<16000xf32, #tpu.memory_space<vmem>>[vector<16xi32>], vector<16xf32>,
        %parallel_loop3A_922 = vector.broadcast %parallel_loop3A_875 : i32 to vector<16xi32>
        %parallel_loop3A_923 = arith.addi %add3A_264, %parallel_loop3A_922 : vector<16xi32>
        tpu.vector_store_idx %arg8[%parallel_loop3A_923], %parallel_loop3A_921 : memref<32768xf32, #tpu.memory_space<vmem>>[vector<16xi32>], vector<16xf32>,
        %parallel_loop3A_924 = arith.addi %parallel_loop3A_843, %and3A_79 : vector<16xi32>
        %parallel_loop3A_925 = tpu.vector_load_idx %arg5[%parallel_loop3A_924] : memref<16000xf32, #tpu.memory_space<vmem>>[vector<16xi32>], vector<16xf32>,
        %parallel_loop3A_926 = vector.broadcast %parallel_loop3A_875 : i32 to vector<16xi32>
        %parallel_loop3A_927 = arith.addi %add3A_278, %parallel_loop3A_926 : vector<16xi32>
        tpu.vector_store_idx %arg8[%parallel_loop3A_927], %parallel_loop3A_925 : memref<32768xf32, #tpu.memory_space<vmem>>[vector<16xi32>], vector<16xf32>,
        %parallel_loop3A_928 = arith.addi %parallel_loop3A_843, %and3A_85 : vector<16xi32>
        %parallel_loop3A_929 = tpu.vector_load_idx %arg5[%parallel_loop3A_928] : memref<16000xf32, #tpu.memory_space<vmem>>[vector<16xi32>], vector<16xf32>,
        %parallel_loop3A_930 = vector.broadcast %parallel_loop3A_875 : i32 to vector<16xi32>
        %parallel_loop3A_931 = arith.addi %add3A_292, %parallel_loop3A_930 : vector<16xi32>
        tpu.vector_store_idx %arg8[%parallel_loop3A_931], %parallel_loop3A_929 : memref<32768xf32, #tpu.memory_space<vmem>>[vector<16xi32>], vector<16xf32>,
        %parallel_loop3A_932 = arith.addi %parallel_loop3A_843, %and3A_91 : vector<16xi32>
        %parallel_loop3A_933 = tpu.vector_load_idx %arg5[%parallel_loop3A_932] : memref<16000xf32, #tpu.memory_space<vmem>>[vector<16xi32>], vector<16xf32>,
        %parallel_loop3A_934 = vector.broadcast %parallel_loop3A_875 : i32 to vector<16xi32>
        %parallel_loop3A_935 = arith.addi %add3A_306, %parallel_loop3A_934 : vector<16xi32>
        tpu.vector_store_idx %arg8[%parallel_loop3A_935], %parallel_loop3A_933 : memref<32768xf32, #tpu.memory_space<vmem>>[vector<16xi32>], vector<16xf32>,
        %parallel_loop3A_936 = arith.addi %parallel_loop3A_843, %and3A_97 : vector<16xi32>
        %parallel_loop3A_937 = tpu.vector_load_idx %arg5[%parallel_loop3A_936] : memref<16000xf32, #tpu.memory_space<vmem>>[vector<16xi32>], vector<16xf32>,
        %parallel_loop3A_938 = vector.broadcast %parallel_loop3A_875 : i32 to vector<16xi32>
        %parallel_loop3A_939 = arith.addi %add3A_320, %parallel_loop3A_938 : vector<16xi32>
        tpu.vector_store_idx %arg8[%parallel_loop3A_939], %parallel_loop3A_937 : memref<32768xf32, #tpu.memory_space<vmem>>[vector<16xi32>], vector<16xf32>,
      } {sc.loop_unroll_factor = 2 : i64, sc.parallel_access}
      %add3A_607 = arith.addi %mul3A_2, %add3A_566 : i32
      %jit3A_608 = arith.constant 8 : i32
      %div3A_609 = arith.divsi %add3A_607, %jit3A_608 : i32
      %sign3A_610 = arith.constant 0 : i32
      %sign3A_611 = arith.cmpi sgt, %add3A_607, %sign3A_610 : i32
      %sign3A_612 = arith.extui %sign3A_611 : i1 to i32
      %sign3A_613 = arith.constant 0 : i32
      %sign3A_614 = arith.cmpi slt, %add3A_607, %sign3A_613 : i32
      %sign3A_615 = arith.extui %sign3A_614 : i1 to i32
      %sign3A_616 = arith.subi %sign3A_612, %sign3A_615 : i32
      %sign3A_617 = arith.constant 0 : i32
      %sign3A_618 = arith.cmpi sgt, %jit3A_608, %sign3A_617 : i32
      %sign3A_619 = arith.extui %sign3A_618 : i1 to i32
      %sign3A_620 = arith.constant 0 : i32
      %sign3A_621 = arith.cmpi slt, %jit3A_608, %sign3A_620 : i32
      %sign3A_622 = arith.extui %sign3A_621 : i1 to i32
      %sign3A_623 = arith.subi %sign3A_619, %sign3A_622 : i32
      %ne3A_624 = arith.cmpi ne, %sign3A_616, %sign3A_623 : i32
      %rem3A_625 = arith.remsi %add3A_607, %jit3A_608 : i32
      %ne3A_626 = arith.constant 0 : i32
      %ne3A_627 = arith.cmpi ne, %rem3A_625, %ne3A_626 : i32
      %and3A_628 = arith.andi %ne3A_624, %ne3A_627 : i1
      %sub3A_629 = arith.constant 1 : i32
      %sub3A_630 = arith.subi %div3A_609, %sub3A_629 : i32
      %select_n3A_631 = arith.select %and3A_628, %sub3A_630, %div3A_609 : i32
      %mul3A_632 = arith.constant 8 : i32
      %mul3A_633 = arith.muli %select_n3A_631, %mul3A_632 : i32
      %sub3A_634 = arith.subi %add3A_607, %mul3A_633 : i32
      %mul3A_635 = arith.constant 262144 : i32
      %mul3A_636 = arith.muli %select_n3A_631, %mul3A_635 : i32
      %add3A_637 = arith.constant 0 : i32
      %add3A_638 = arith.addi %mul3A_636, %add3A_637 : i32
      %mul3A_639 = arith.constant 16384 : i32
      %mul3A_640 = arith.muli %sub3A_634, %mul3A_639 : i32
      %add3A_641 = arith.addi %add3A_638, %mul3A_640 : i32
      %multiple_of3A_642 = tpu.assume_multiple %add3A_641, 16384 : i32
      %dma_start3A_643 = arith.constant 0 : i32
      %dma_start3A_644 = tpu.memref_slice %arg8[%dma_start3A_643] : memref<32768xf32, #tpu.memory_space<vmem>> -> memref<16384xf32, #tpu.memory_space<vmem>>
      %dma_start3A_645 = tpu.memref_slice %arg4[%multiple_of3A_642] : memref<52428800xf32, #tpu.memory_space<hbm>> -> memref<16384xf32, #tpu.memory_space<hbm>>
      %dma_start3A_646 = tpu.memref_slice %arg4[%multiple_of3A_642] : memref<52428800xf32, #tpu.memory_space<hbm>> -> memref<16384xf32, #tpu.memory_space<hbm>>
      %dma_start3A_647 = arith.constant 0 : i32
      %dma_start3A_648 = tpu.memref_slice %arg8[%dma_start3A_647] : memref<32768xf32, #tpu.memory_space<vmem>> -> memref<16384xf32, #tpu.memory_space<vmem>>
      tpu.enqueue_dma source(%dma_start3A_648 : memref<16384xf32, #tpu.memory_space<vmem>>) target(%dma_start3A_646 : memref<16384xf32, #tpu.memory_space<hbm>>) target_semaphore(%arg12 : memref<!tpu.dma_semaphore, #tpu.memory_space<semaphore_mem>>)
      %add3A_649 = arith.addi %mul3A_2, %add3A_566 : i32
      %jit3A_650 = arith.constant 8 : i32
      %div3A_651 = arith.divsi %add3A_649, %jit3A_650 : i32
      %sign3A_652 = arith.constant 0 : i32
      %sign3A_653 = arith.cmpi sgt, %add3A_649, %sign3A_652 : i32
      %sign3A_654 = arith.extui %sign3A_653 : i1 to i32
      %sign3A_655 = arith.constant 0 : i32
      %sign3A_656 = arith.cmpi slt, %add3A_649, %sign3A_655 : i32
      %sign3A_657 = arith.extui %sign3A_656 : i1 to i32
      %sign3A_658 = arith.subi %sign3A_654, %sign3A_657 : i32
      %sign3A_659 = arith.constant 0 : i32
      %sign3A_660 = arith.cmpi sgt, %jit3A_650, %sign3A_659 : i32
      %sign3A_661 = arith.extui %sign3A_660 : i1 to i32
      %sign3A_662 = arith.constant 0 : i32
      %sign3A_663 = arith.cmpi slt, %jit3A_650, %sign3A_662 : i32
      %sign3A_664 = arith.extui %sign3A_663 : i1 to i32
      %sign3A_665 = arith.subi %sign3A_661, %sign3A_664 : i32
      %ne3A_666 = arith.cmpi ne, %sign3A_658, %sign3A_665 : i32
      %rem3A_667 = arith.remsi %add3A_649, %jit3A_650 : i32
      %ne3A_668 = arith.constant 0 : i32
      %ne3A_669 = arith.cmpi ne, %rem3A_667, %ne3A_668 : i32
      %and3A_670 = arith.andi %ne3A_666, %ne3A_669 : i1
      %sub3A_671 = arith.constant 1 : i32
      %sub3A_672 = arith.subi %div3A_651, %sub3A_671 : i32
      %select_n3A_673 = arith.select %and3A_670, %sub3A_672, %div3A_651 : i32
      %mul3A_674 = arith.constant 8 : i32
      %mul3A_675 = arith.muli %select_n3A_673, %mul3A_674 : i32
      %sub3A_676 = arith.subi %add3A_649, %mul3A_675 : i32
      %mul3A_677 = arith.constant 262144 : i32
      %mul3A_678 = arith.muli %select_n3A_673, %mul3A_677 : i32
      %add3A_679 = arith.constant 131072 : i32
      %add3A_680 = arith.addi %mul3A_678, %add3A_679 : i32
      %mul3A_681 = arith.constant 16384 : i32
      %mul3A_682 = arith.muli %sub3A_676, %mul3A_681 : i32
      %add3A_683 = arith.addi %add3A_680, %mul3A_682 : i32
      %multiple_of3A_684 = tpu.assume_multiple %add3A_683, 16384 : i32
      %dma_start3A_685 = arith.constant 16384 : i32
      %dma_start3A_686 = tpu.memref_slice %arg8[%dma_start3A_685] : memref<32768xf32, #tpu.memory_space<vmem>> -> memref<16384xf32, #tpu.memory_space<vmem>>
      %dma_start3A_687 = tpu.memref_slice %arg4[%multiple_of3A_684] : memref<52428800xf32, #tpu.memory_space<hbm>> -> memref<16384xf32, #tpu.memory_space<hbm>>
      %dma_start3A_688 = tpu.memref_slice %arg4[%multiple_of3A_684] : memref<52428800xf32, #tpu.memory_space<hbm>> -> memref<16384xf32, #tpu.memory_space<hbm>>
      %dma_start3A_689 = arith.constant 16384 : i32
      %dma_start3A_690 = tpu.memref_slice %arg8[%dma_start3A_689] : memref<32768xf32, #tpu.memory_space<vmem>> -> memref<16384xf32, #tpu.memory_space<vmem>>
      tpu.enqueue_dma source(%dma_start3A_690 : memref<16384xf32, #tpu.memory_space<vmem>>) target(%dma_start3A_688 : memref<16384xf32, #tpu.memory_space<hbm>>) target_semaphore(%arg13 : memref<!tpu.dma_semaphore, #tpu.memory_space<semaphore_mem>>)
      %add3A_691 = arith.constant 2 : i32
      %add3A_692 = arith.addi %add3A_566, %add3A_691 : i32
      %lt3A = arith.constant 50 : i32
      %lt3A_693 = arith.cmpi slt, %add3A_692, %lt3A : i32
      %convert_element_type3A_694 = arith.extui %lt3A_693 : i1 to i32
      %cond3A_695 = arith.constant 0 : i32
      %cond3A_696 = arith.cmpi ne, %convert_element_type3A_694, %cond3A_695 : i32
      scf.if %cond3A_696 {
        %add3A_836 = arith.constant 2 : i32
        %add3A_837 = arith.addi %add3A_566, %add3A_836 : i32
        %add3A_838 = arith.addi %mul3A_2, %add3A_837 : i32
        %jit3A_839 = arith.constant 8 : i32
        %div3A_840 = arith.divsi %add3A_838, %jit3A_839 : i32
        %sign3A_841 = arith.constant 0 : i32
        %sign3A_842 = arith.cmpi sgt, %add3A_838, %sign3A_841 : i32
        %sign3A_843 = arith.extui %sign3A_842 : i1 to i32
        %sign3A_844 = arith.constant 0 : i32
        %sign3A_845 = arith.cmpi slt, %add3A_838, %sign3A_844 : i32
        %sign3A_846 = arith.extui %sign3A_845 : i1 to i32
        %sign3A_847 = arith.subi %sign3A_843, %sign3A_846 : i32
        %sign3A_848 = arith.constant 0 : i32
        %sign3A_849 = arith.cmpi sgt, %jit3A_839, %sign3A_848 : i32
        %sign3A_850 = arith.extui %sign3A_849 : i1 to i32
        %sign3A_851 = arith.constant 0 : i32
        %sign3A_852 = arith.cmpi slt, %jit3A_839, %sign3A_851 : i32
        %sign3A_853 = arith.extui %sign3A_852 : i1 to i32
        %sign3A_854 = arith.subi %sign3A_850, %sign3A_853 : i32
        %ne3A_855 = arith.cmpi ne, %sign3A_847, %sign3A_854 : i32
        %rem3A_856 = arith.remsi %add3A_838, %jit3A_839 : i32
        %ne3A_857 = arith.constant 0 : i32
        %ne3A_858 = arith.cmpi ne, %rem3A_856, %ne3A_857 : i32
        %and3A_859 = arith.andi %ne3A_855, %ne3A_858 : i1
        %sub3A_860 = arith.constant 1 : i32
        %sub3A_861 = arith.subi %div3A_840, %sub3A_860 : i32
        %select_n3A_862 = arith.select %and3A_859, %sub3A_861, %div3A_840 : i32
        %mul3A_863 = arith.constant 8 : i32
        %mul3A_864 = arith.muli %select_n3A_862, %mul3A_863 : i32
        %sub3A_865 = arith.subi %add3A_838, %mul3A_864 : i32
        %mul3A_866 = arith.constant 16384 : i32
        %mul3A_867 = arith.muli %select_n3A_862, %mul3A_866 : i32
        %mul3A_868 = arith.constant 2048 : i32
        %mul3A_869 = arith.muli %sub3A_865, %mul3A_868 : i32
        %add3A_870 = arith.addi %mul3A_867, %mul3A_869 : i32
        %multiple_of3A_871 = tpu.assume_multiple %add3A_870, 2048 : i32
        %dma_start3A_872 = tpu.memref_slice %arg2[%multiple_of3A_871] : memref<3276800xi32, #tpu.memory_space<hbm>> -> memref<2048xi32, #tpu.memory_space<hbm>>
        %dma_start3A_873 = tpu.memref_slice %arg2[%multiple_of3A_871] : memref<3276800xi32, #tpu.memory_space<hbm>> -> memref<2048xi32, #tpu.memory_space<hbm>>
        tpu.enqueue_dma source(%dma_start3A_873 : memref<2048xi32, #tpu.memory_space<hbm>>) target(%arg6 : memref<2048xi32, #tpu.memory_space<vmem>>) target_semaphore(%arg10 : memref<!tpu.dma_semaphore, #tpu.memory_space<semaphore_mem>>)
      } else {
      }
      %mul3A_697 = arith.constant 2 : i32
      %mul3A_698 = arith.muli %mul3A_697, %scan3A_562 : i32
      %add3A_699 = arith.constant 1 : i32
      %add3A_700 = arith.addi %mul3A_698, %add3A_699 : i32
      %gt3A_701 = arith.constant 0 : i32
      %gt3A_702 = arith.cmpi sgt, %scan3A_562, %gt3A_701 : i32
      %convert_element_type3A_703 = arith.extui %gt3A_702 : i1 to i32
      %cond3A_704 = arith.constant 0 : i32
      %cond3A_705 = arith.cmpi ne, %convert_element_type3A_703, %cond3A_704 : i32
      scf.if %cond3A_705 {
        %sub3A_836 = arith.constant 2 : i32
        %sub3A_837 = arith.subi %add3A_700, %sub3A_836 : i32
        %add3A_838 = arith.addi %mul3A_2, %sub3A_837 : i32
        %jit3A_839 = arith.constant 8 : i32
        %div3A_840 = arith.divsi %add3A_838, %jit3A_839 : i32
        %sign3A_841 = arith.constant 0 : i32
        %sign3A_842 = arith.cmpi sgt, %add3A_838, %sign3A_841 : i32
        %sign3A_843 = arith.extui %sign3A_842 : i1 to i32
        %sign3A_844 = arith.constant 0 : i32
        %sign3A_845 = arith.cmpi slt, %add3A_838, %sign3A_844 : i32
        %sign3A_846 = arith.extui %sign3A_845 : i1 to i32
        %sign3A_847 = arith.subi %sign3A_843, %sign3A_846 : i32
        %sign3A_848 = arith.constant 0 : i32
        %sign3A_849 = arith.cmpi sgt, %jit3A_839, %sign3A_848 : i32
        %sign3A_850 = arith.extui %sign3A_849 : i1 to i32
        %sign3A_851 = arith.constant 0 : i32
        %sign3A_852 = arith.cmpi slt, %jit3A_839, %sign3A_851 : i32
        %sign3A_853 = arith.extui %sign3A_852 : i1 to i32
        %sign3A_854 = arith.subi %sign3A_850, %sign3A_853 : i32
        %ne3A_855 = arith.cmpi ne, %sign3A_847, %sign3A_854 : i32
        %rem3A_856 = arith.remsi %add3A_838, %jit3A_839 : i32
        %ne3A_857 = arith.constant 0 : i32
        %ne3A_858 = arith.cmpi ne, %rem3A_856, %ne3A_857 : i32
        %and3A_859 = arith.andi %ne3A_855, %ne3A_858 : i1
        %sub3A_860 = arith.constant 1 : i32
        %sub3A_861 = arith.subi %div3A_840, %sub3A_860 : i32
        %select_n3A_862 = arith.select %and3A_859, %sub3A_861, %div3A_840 : i32
        %mul3A_863 = arith.constant 8 : i32
        %mul3A_864 = arith.muli %select_n3A_862, %mul3A_863 : i32
        %sub3A_865 = arith.subi %add3A_838, %mul3A_864 : i32
        %mul3A_866 = arith.constant 262144 : i32
        %mul3A_867 = arith.muli %select_n3A_862, %mul3A_866 : i32
        %add3A_868 = arith.constant 0 : i32
        %add3A_869 = arith.addi %mul3A_867, %add3A_868 : i32
        %mul3A_870 = arith.constant 16384 : i32
        %mul3A_871 = arith.muli %sub3A_865, %mul3A_870 : i32
        %add3A_872 = arith.addi %add3A_869, %mul3A_871 : i32
        %multiple_of3A_873 = tpu.assume_multiple %add3A_872, 16384 : i32
        %dma_wait3A_874 = arith.constant 0 : i32
        %dma_wait3A_875 = tpu.memref_slice %arg9[%dma_wait3A_874] : memref<32768xf32, #tpu.memory_space<vmem>> -> memref<16384xf32, #tpu.memory_space<vmem>>
        %dma_wait3A_876 = tpu.memref_slice %arg4[%multiple_of3A_873] : memref<52428800xf32, #tpu.memory_space<hbm>> -> memref<16384xf32, #tpu.memory_space<hbm>>
        %dma_wait3A_877 = tpu.memref_slice %arg4[%multiple_of3A_873] : memref<52428800xf32, #tpu.memory_space<hbm>> -> memref<16384xf32, #tpu.memory_space<hbm>>
        %dma_wait3A_878 = arith.constant 0 : i32
        %dma_wait3A_879 = tpu.memref_slice %arg9[%dma_wait3A_878] : memref<32768xf32, #tpu.memory_space<vmem>> -> memref<16384xf32, #tpu.memory_space<vmem>>
        tpu.wait_dma2 semaphore(%arg14 : memref<!tpu.dma_semaphore, #tpu.memory_space<semaphore_mem>>) src(%dma_wait3A_879 : memref<16384xf32, #tpu.memory_space<vmem>>) dst(%dma_wait3A_877 : memref<16384xf32, #tpu.memory_space<hbm>>)
        %sub3A_880 = arith.constant 2 : i32
        %sub3A_881 = arith.subi %add3A_700, %sub3A_880 : i32
        %add3A_882 = arith.addi %mul3A_2, %sub3A_881 : i32
        %jit3A_883 = arith.constant 8 : i32
        %div3A_884 = arith.divsi %add3A_882, %jit3A_883 : i32
        %sign3A_885 = arith.constant 0 : i32
        %sign3A_886 = arith.cmpi sgt, %add3A_882, %sign3A_885 : i32
        %sign3A_887 = arith.extui %sign3A_886 : i1 to i32
        %sign3A_888 = arith.constant 0 : i32
        %sign3A_889 = arith.cmpi slt, %add3A_882, %sign3A_888 : i32
        %sign3A_890 = arith.extui %sign3A_889 : i1 to i32
        %sign3A_891 = arith.subi %sign3A_887, %sign3A_890 : i32
        %sign3A_892 = arith.constant 0 : i32
        %sign3A_893 = arith.cmpi sgt, %jit3A_883, %sign3A_892 : i32
        %sign3A_894 = arith.extui %sign3A_893 : i1 to i32
        %sign3A_895 = arith.constant 0 : i32
        %sign3A_896 = arith.cmpi slt, %jit3A_883, %sign3A_895 : i32
        %sign3A_897 = arith.extui %sign3A_896 : i1 to i32
        %sign3A_898 = arith.subi %sign3A_894, %sign3A_897 : i32
        %ne3A_899 = arith.cmpi ne, %sign3A_891, %sign3A_898 : i32
        %rem3A_900 = arith.remsi %add3A_882, %jit3A_883 : i32
        %ne3A_901 = arith.constant 0 : i32
        %ne3A_902 = arith.cmpi ne, %rem3A_900, %ne3A_901 : i32
        %and3A_903 = arith.andi %ne3A_899, %ne3A_902 : i1
        %sub3A_904 = arith.constant 1 : i32
        %sub3A_905 = arith.subi %div3A_884, %sub3A_904 : i32
        %select_n3A_906 = arith.select %and3A_903, %sub3A_905, %div3A_884 : i32
        %mul3A_907 = arith.constant 8 : i32
        %mul3A_908 = arith.muli %select_n3A_906, %mul3A_907 : i32
        %sub3A_909 = arith.subi %add3A_882, %mul3A_908 : i32
        %mul3A_910 = arith.constant 262144 : i32
        %mul3A_911 = arith.muli %select_n3A_906, %mul3A_910 : i32
        %add3A_912 = arith.constant 131072 : i32
        %add3A_913 = arith.addi %mul3A_911, %add3A_912 : i32
        %mul3A_914 = arith.constant 16384 : i32
        %mul3A_915 = arith.muli %sub3A_909, %mul3A_914 : i32
        %add3A_916 = arith.addi %add3A_913, %mul3A_915 : i32
        %multiple_of3A_917 = tpu.assume_multiple %add3A_916, 16384 : i32
        %dma_wait3A_918 = arith.constant 16384 : i32
        %dma_wait3A_919 = tpu.memref_slice %arg9[%dma_wait3A_918] : memref<32768xf32, #tpu.memory_space<vmem>> -> memref<16384xf32, #tpu.memory_space<vmem>>
        %dma_wait3A_920 = tpu.memref_slice %arg4[%multiple_of3A_917] : memref<52428800xf32, #tpu.memory_space<hbm>> -> memref<16384xf32, #tpu.memory_space<hbm>>
        %dma_wait3A_921 = tpu.memref_slice %arg4[%multiple_of3A_917] : memref<52428800xf32, #tpu.memory_space<hbm>> -> memref<16384xf32, #tpu.memory_space<hbm>>
        %dma_wait3A_922 = arith.constant 16384 : i32
        %dma_wait3A_923 = tpu.memref_slice %arg9[%dma_wait3A_922] : memref<32768xf32, #tpu.memory_space<vmem>> -> memref<16384xf32, #tpu.memory_space<vmem>>
        tpu.wait_dma2 semaphore(%arg15 : memref<!tpu.dma_semaphore, #tpu.memory_space<semaphore_mem>>) src(%dma_wait3A_923 : memref<16384xf32, #tpu.memory_space<vmem>>) dst(%dma_wait3A_921 : memref<16384xf32, #tpu.memory_space<hbm>>)
      } else {
      }
      %add3A_706 = arith.addi %mul3A_2, %add3A_700 : i32
      %jit3A_707 = arith.constant 8 : i32
      %div3A_708 = arith.divsi %add3A_706, %jit3A_707 : i32
      %sign3A_709 = arith.constant 0 : i32
      %sign3A_710 = arith.cmpi sgt, %add3A_706, %sign3A_709 : i32
      %sign3A_711 = arith.extui %sign3A_710 : i1 to i32
      %sign3A_712 = arith.constant 0 : i32
      %sign3A_713 = arith.cmpi slt, %add3A_706, %sign3A_712 : i32
      %sign3A_714 = arith.extui %sign3A_713 : i1 to i32
      %sign3A_715 = arith.subi %sign3A_711, %sign3A_714 : i32
      %sign3A_716 = arith.constant 0 : i32
      %sign3A_717 = arith.cmpi sgt, %jit3A_707, %sign3A_716 : i32
      %sign3A_718 = arith.extui %sign3A_717 : i1 to i32
      %sign3A_719 = arith.constant 0 : i32
      %sign3A_720 = arith.cmpi slt, %jit3A_707, %sign3A_719 : i32
      %sign3A_721 = arith.extui %sign3A_720 : i1 to i32
      %sign3A_722 = arith.subi %sign3A_718, %sign3A_721 : i32
      %ne3A_723 = arith.cmpi ne, %sign3A_715, %sign3A_722 : i32
      %rem3A_724 = arith.remsi %add3A_706, %jit3A_707 : i32
      %ne3A_725 = arith.constant 0 : i32
      %ne3A_726 = arith.cmpi ne, %rem3A_724, %ne3A_725 : i32
      %and3A_727 = arith.andi %ne3A_723, %ne3A_726 : i1
      %sub3A_728 = arith.constant 1 : i32
      %sub3A_729 = arith.subi %div3A_708, %sub3A_728 : i32
      %select_n3A_730 = arith.select %and3A_727, %sub3A_729, %div3A_708 : i32
      %mul3A_731 = arith.constant 8 : i32
      %mul3A_732 = arith.muli %select_n3A_730, %mul3A_731 : i32
      %sub3A_733 = arith.subi %add3A_706, %mul3A_732 : i32
      %mul3A_734 = arith.constant 16384 : i32
      %mul3A_735 = arith.muli %select_n3A_730, %mul3A_734 : i32
      %mul3A_736 = arith.constant 2048 : i32
      %mul3A_737 = arith.muli %sub3A_733, %mul3A_736 : i32
      %add3A_738 = arith.addi %mul3A_735, %mul3A_737 : i32
      %multiple_of3A_739 = tpu.assume_multiple %add3A_738, 2048 : i32
      %dma_wait3A_740 = tpu.memref_slice %arg2[%multiple_of3A_739] : memref<3276800xi32, #tpu.memory_space<hbm>> -> memref<2048xi32, #tpu.memory_space<hbm>>
      %dma_wait3A_741 = tpu.memref_slice %arg2[%multiple_of3A_739] : memref<3276800xi32, #tpu.memory_space<hbm>> -> memref<2048xi32, #tpu.memory_space<hbm>>
      tpu.wait_dma2 semaphore(%arg11 : memref<!tpu.dma_semaphore, #tpu.memory_space<semaphore_mem>>) src(%dma_wait3A_741 : memref<2048xi32, #tpu.memory_space<hbm>>) dst(%arg7 : memref<2048xi32, #tpu.memory_space<vmem>>)
      %parallel_loop3A_742 = arith.constant 0 : i32
      %parallel_loop3A_743 = arith.constant 128 : i32
      %parallel_loop3A_744 = arith.constant 1 : i32
      scf.for %parallel_loop3A_836 = %parallel_loop3A_742 to %parallel_loop3A_743 step %parallel_loop3A_744  : i32 {
        %parallel_loop3A_837 = arith.constant 16 : i32
        %parallel_loop3A_838 = arith.muli %parallel_loop3A_836, %parallel_loop3A_837 : i32
        %parallel_loop3A_839 = arith.index_cast %parallel_loop3A_838 : i32 to index
        %parallel_loop3A_840 = tpu.vector_load %arg7[%parallel_loop3A_839] {strides = array<i32>} : memref<2048xi32, #tpu.memory_space<vmem>>, vector<16xi32>,
        %parallel_loop3A_841 = arith.constant 16 : i32
        %parallel_loop3A_842 = vector.broadcast %parallel_loop3A_841 : i32 to vector<16xi32>
        %parallel_loop3A_843 = arith.muli %parallel_loop3A_840, %parallel_loop3A_842 : vector<16xi32>
        %parallel_loop3A_844 = arith.constant 8 : i32
        %parallel_loop3A_845 = arith.divsi %parallel_loop3A_836, %parallel_loop3A_844 : i32
        %parallel_loop3A_846 = arith.constant 0 : i32
        %parallel_loop3A_847 = arith.cmpi sgt, %parallel_loop3A_836, %parallel_loop3A_846 : i32
        %parallel_loop3A_848 = arith.extui %parallel_loop3A_847 : i1 to i32
        %parallel_loop3A_849 = arith.constant 0 : i32
        %parallel_loop3A_850 = arith.cmpi slt, %parallel_loop3A_836, %parallel_loop3A_849 : i32
        %parallel_loop3A_851 = arith.extui %parallel_loop3A_850 : i1 to i32
        %parallel_loop3A_852 = arith.subi %parallel_loop3A_848, %parallel_loop3A_851 : i32
        %parallel_loop3A_853 = arith.constant 0 : i32
        %parallel_loop3A_854 = arith.cmpi sgt, %parallel_loop3A_844, %parallel_loop3A_853 : i32
        %parallel_loop3A_855 = arith.extui %parallel_loop3A_854 : i1 to i32
        %parallel_loop3A_856 = arith.constant 0 : i32
        %parallel_loop3A_857 = arith.cmpi slt, %parallel_loop3A_844, %parallel_loop3A_856 : i32
        %parallel_loop3A_858 = arith.extui %parallel_loop3A_857 : i1 to i32
        %parallel_loop3A_859 = arith.subi %parallel_loop3A_855, %parallel_loop3A_858 : i32
        %parallel_loop3A_860 = arith.cmpi ne, %parallel_loop3A_852, %parallel_loop3A_859 : i32
        %parallel_loop3A_861 = arith.remsi %parallel_loop3A_836, %parallel_loop3A_844 : i32
        %parallel_loop3A_862 = arith.constant 0 : i32
        %parallel_loop3A_863 = arith.cmpi ne, %parallel_loop3A_861, %parallel_loop3A_862 : i32
        %parallel_loop3A_864 = arith.andi %parallel_loop3A_860, %parallel_loop3A_863 : i1
        %parallel_loop3A_865 = arith.constant 1 : i32
        %parallel_loop3A_866 = arith.subi %parallel_loop3A_845, %parallel_loop3A_865 : i32
        %parallel_loop3A_867 = arith.select %parallel_loop3A_864, %parallel_loop3A_866, %parallel_loop3A_845 : i32
        %parallel_loop3A_868 = arith.constant 1024 : i32
        %parallel_loop3A_869 = arith.muli %parallel_loop3A_867, %parallel_loop3A_868 : i32
        %parallel_loop3A_870 = arith.constant 8 : i32
        %parallel_loop3A_871 = arith.muli %parallel_loop3A_867, %parallel_loop3A_870 : i32
        %parallel_loop3A_872 = arith.subi %parallel_loop3A_836, %parallel_loop3A_871 : i32
        %parallel_loop3A_873 = arith.constant 16 : i32
        %parallel_loop3A_874 = arith.muli %parallel_loop3A_872, %parallel_loop3A_873 : i32
        %parallel_loop3A_875 = arith.addi %parallel_loop3A_869, %parallel_loop3A_874 : i32
        %parallel_loop3A_876 = arith.addi %parallel_loop3A_843, %and3A_7 : vector<16xi32>
        %parallel_loop3A_877 = tpu.vector_load_idx %arg5[%parallel_loop3A_876] : memref<16000xf32, #tpu.memory_space<vmem>>[vector<16xi32>], vector<16xf32>,
        %parallel_loop3A_878 = vector.broadcast %parallel_loop3A_875 : i32 to vector<16xi32>
        %parallel_loop3A_879 = arith.addi %add3A_110, %parallel_loop3A_878 : vector<16xi32>
        tpu.vector_store_idx %arg9[%parallel_loop3A_879], %parallel_loop3A_877 : memref<32768xf32, #tpu.memory_space<vmem>>[vector<16xi32>], vector<16xf32>,
        %parallel_loop3A_880 = arith.addi %parallel_loop3A_843, %and3A_13 : vector<16xi32>
        %parallel_loop3A_881 = tpu.vector_load_idx %arg5[%parallel_loop3A_880] : memref<16000xf32, #tpu.memory_space<vmem>>[vector<16xi32>], vector<16xf32>,
        %parallel_loop3A_882 = vector.broadcast %parallel_loop3A_875 : i32 to vector<16xi32>
        %parallel_loop3A_883 = arith.addi %add3A_124, %parallel_loop3A_882 : vector<16xi32>
        tpu.vector_store_idx %arg9[%parallel_loop3A_883], %parallel_loop3A_881 : memref<32768xf32, #tpu.memory_space<vmem>>[vector<16xi32>], vector<16xf32>,
        %parallel_loop3A_884 = arith.addi %parallel_loop3A_843, %and3A_19 : vector<16xi32>
        %parallel_loop3A_885 = tpu.vector_load_idx %arg5[%parallel_loop3A_884] : memref<16000xf32, #tpu.memory_space<vmem>>[vector<16xi32>], vector<16xf32>,
        %parallel_loop3A_886 = vector.broadcast %parallel_loop3A_875 : i32 to vector<16xi32>
        %parallel_loop3A_887 = arith.addi %add3A_138, %parallel_loop3A_886 : vector<16xi32>
        tpu.vector_store_idx %arg9[%parallel_loop3A_887], %parallel_loop3A_885 : memref<32768xf32, #tpu.memory_space<vmem>>[vector<16xi32>], vector<16xf32>,
        %parallel_loop3A_888 = arith.addi %parallel_loop3A_843, %and3A_25 : vector<16xi32>
        %parallel_loop3A_889 = tpu.vector_load_idx %arg5[%parallel_loop3A_888] : memref<16000xf32, #tpu.memory_space<vmem>>[vector<16xi32>], vector<16xf32>,
        %parallel_loop3A_890 = vector.broadcast %parallel_loop3A_875 : i32 to vector<16xi32>
        %parallel_loop3A_891 = arith.addi %add3A_152, %parallel_loop3A_890 : vector<16xi32>
        tpu.vector_store_idx %arg9[%parallel_loop3A_891], %parallel_loop3A_889 : memref<32768xf32, #tpu.memory_space<vmem>>[vector<16xi32>], vector<16xf32>,
        %parallel_loop3A_892 = arith.addi %parallel_loop3A_843, %and3A_31 : vector<16xi32>
        %parallel_loop3A_893 = tpu.vector_load_idx %arg5[%parallel_loop3A_892] : memref<16000xf32, #tpu.memory_space<vmem>>[vector<16xi32>], vector<16xf32>,
        %parallel_loop3A_894 = vector.broadcast %parallel_loop3A_875 : i32 to vector<16xi32>
        %parallel_loop3A_895 = arith.addi %add3A_166, %parallel_loop3A_894 : vector<16xi32>
        tpu.vector_store_idx %arg9[%parallel_loop3A_895], %parallel_loop3A_893 : memref<32768xf32, #tpu.memory_space<vmem>>[vector<16xi32>], vector<16xf32>,
        %parallel_loop3A_896 = arith.addi %parallel_loop3A_843, %and3A_37 : vector<16xi32>
        %parallel_loop3A_897 = tpu.vector_load_idx %arg5[%parallel_loop3A_896] : memref<16000xf32, #tpu.memory_space<vmem>>[vector<16xi32>], vector<16xf32>,
        %parallel_loop3A_898 = vector.broadcast %parallel_loop3A_875 : i32 to vector<16xi32>
        %parallel_loop3A_899 = arith.addi %add3A_180, %parallel_loop3A_898 : vector<16xi32>
        tpu.vector_store_idx %arg9[%parallel_loop3A_899], %parallel_loop3A_897 : memref<32768xf32, #tpu.memory_space<vmem>>[vector<16xi32>], vector<16xf32>,
        %parallel_loop3A_900 = arith.addi %parallel_loop3A_843, %and3A_43 : vector<16xi32>
        %parallel_loop3A_901 = tpu.vector_load_idx %arg5[%parallel_loop3A_900] : memref<16000xf32, #tpu.memory_space<vmem>>[vector<16xi32>], vector<16xf32>,
        %parallel_loop3A_902 = vector.broadcast %parallel_loop3A_875 : i32 to vector<16xi32>
        %parallel_loop3A_903 = arith.addi %add3A_194, %parallel_loop3A_902 : vector<16xi32>
        tpu.vector_store_idx %arg9[%parallel_loop3A_903], %parallel_loop3A_901 : memref<32768xf32, #tpu.memory_space<vmem>>[vector<16xi32>], vector<16xf32>,
        %parallel_loop3A_904 = arith.addi %parallel_loop3A_843, %and3A_49 : vector<16xi32>
        %parallel_loop3A_905 = tpu.vector_load_idx %arg5[%parallel_loop3A_904] : memref<16000xf32, #tpu.memory_space<vmem>>[vector<16xi32>], vector<16xf32>,
        %parallel_loop3A_906 = vector.broadcast %parallel_loop3A_875 : i32 to vector<16xi32>
        %parallel_loop3A_907 = arith.addi %add3A_208, %parallel_loop3A_906 : vector<16xi32>
        tpu.vector_store_idx %arg9[%parallel_loop3A_907], %parallel_loop3A_905 : memref<32768xf32, #tpu.memory_space<vmem>>[vector<16xi32>], vector<16xf32>,
        %parallel_loop3A_908 = arith.addi %parallel_loop3A_843, %and3A_55 : vector<16xi32>
        %parallel_loop3A_909 = tpu.vector_load_idx %arg5[%parallel_loop3A_908] : memref<16000xf32, #tpu.memory_space<vmem>>[vector<16xi32>], vector<16xf32>,
        %parallel_loop3A_910 = vector.broadcast %parallel_loop3A_875 : i32 to vector<16xi32>
        %parallel_loop3A_911 = arith.addi %add3A_222, %parallel_loop3A_910 : vector<16xi32>
        tpu.vector_store_idx %arg9[%parallel_loop3A_911], %parallel_loop3A_909 : memref<32768xf32, #tpu.memory_space<vmem>>[vector<16xi32>], vector<16xf32>,
        %parallel_loop3A_912 = arith.addi %parallel_loop3A_843, %and3A_61 : vector<16xi32>
        %parallel_loop3A_913 = tpu.vector_load_idx %arg5[%parallel_loop3A_912] : memref<16000xf32, #tpu.memory_space<vmem>>[vector<16xi32>], vector<16xf32>,
        %parallel_loop3A_914 = vector.broadcast %parallel_loop3A_875 : i32 to vector<16xi32>
        %parallel_loop3A_915 = arith.addi %add3A_236, %parallel_loop3A_914 : vector<16xi32>
        tpu.vector_store_idx %arg9[%parallel_loop3A_915], %parallel_loop3A_913 : memref<32768xf32, #tpu.memory_space<vmem>>[vector<16xi32>], vector<16xf32>,
        %parallel_loop3A_916 = arith.addi %parallel_loop3A_843, %and3A_67 : vector<16xi32>
        %parallel_loop3A_917 = tpu.vector_load_idx %arg5[%parallel_loop3A_916] : memref<16000xf32, #tpu.memory_space<vmem>>[vector<16xi32>], vector<16xf32>,
        %parallel_loop3A_918 = vector.broadcast %parallel_loop3A_875 : i32 to vector<16xi32>
        %parallel_loop3A_919 = arith.addi %add3A_250, %parallel_loop3A_918 : vector<16xi32>
        tpu.vector_store_idx %arg9[%parallel_loop3A_919], %parallel_loop3A_917 : memref<32768xf32, #tpu.memory_space<vmem>>[vector<16xi32>], vector<16xf32>,
        %parallel_loop3A_920 = arith.addi %parallel_loop3A_843, %and3A_73 : vector<16xi32>
        %parallel_loop3A_921 = tpu.vector_load_idx %arg5[%parallel_loop3A_920] : memref<16000xf32, #tpu.memory_space<vmem>>[vector<16xi32>], vector<16xf32>,
        %parallel_loop3A_922 = vector.broadcast %parallel_loop3A_875 : i32 to vector<16xi32>
        %parallel_loop3A_923 = arith.addi %add3A_264, %parallel_loop3A_922 : vector<16xi32>
        tpu.vector_store_idx %arg9[%parallel_loop3A_923], %parallel_loop3A_921 : memref<32768xf32, #tpu.memory_space<vmem>>[vector<16xi32>], vector<16xf32>,
        %parallel_loop3A_924 = arith.addi %parallel_loop3A_843, %and3A_79 : vector<16xi32>
        %parallel_loop3A_925 = tpu.vector_load_idx %arg5[%parallel_loop3A_924] : memref<16000xf32, #tpu.memory_space<vmem>>[vector<16xi32>], vector<16xf32>,
        %parallel_loop3A_926 = vector.broadcast %parallel_loop3A_875 : i32 to vector<16xi32>
        %parallel_loop3A_927 = arith.addi %add3A_278, %parallel_loop3A_926 : vector<16xi32>
        tpu.vector_store_idx %arg9[%parallel_loop3A_927], %parallel_loop3A_925 : memref<32768xf32, #tpu.memory_space<vmem>>[vector<16xi32>], vector<16xf32>,
        %parallel_loop3A_928 = arith.addi %parallel_loop3A_843, %and3A_85 : vector<16xi32>
        %parallel_loop3A_929 = tpu.vector_load_idx %arg5[%parallel_loop3A_928] : memref<16000xf32, #tpu.memory_space<vmem>>[vector<16xi32>], vector<16xf32>,
        %parallel_loop3A_930 = vector.broadcast %parallel_loop3A_875 : i32 to vector<16xi32>
        %parallel_loop3A_931 = arith.addi %add3A_292, %parallel_loop3A_930 : vector<16xi32>
        tpu.vector_store_idx %arg9[%parallel_loop3A_931], %parallel_loop3A_929 : memref<32768xf32, #tpu.memory_space<vmem>>[vector<16xi32>], vector<16xf32>,
        %parallel_loop3A_932 = arith.addi %parallel_loop3A_843, %and3A_91 : vector<16xi32>
        %parallel_loop3A_933 = tpu.vector_load_idx %arg5[%parallel_loop3A_932] : memref<16000xf32, #tpu.memory_space<vmem>>[vector<16xi32>], vector<16xf32>,
        %parallel_loop3A_934 = vector.broadcast %parallel_loop3A_875 : i32 to vector<16xi32>
        %parallel_loop3A_935 = arith.addi %add3A_306, %parallel_loop3A_934 : vector<16xi32>
        tpu.vector_store_idx %arg9[%parallel_loop3A_935], %parallel_loop3A_933 : memref<32768xf32, #tpu.memory_space<vmem>>[vector<16xi32>], vector<16xf32>,
        %parallel_loop3A_936 = arith.addi %parallel_loop3A_843, %and3A_97 : vector<16xi32>
        %parallel_loop3A_937 = tpu.vector_load_idx %arg5[%parallel_loop3A_936] : memref<16000xf32, #tpu.memory_space<vmem>>[vector<16xi32>], vector<16xf32>,
        %parallel_loop3A_938 = vector.broadcast %parallel_loop3A_875 : i32 to vector<16xi32>
        %parallel_loop3A_939 = arith.addi %add3A_320, %parallel_loop3A_938 : vector<16xi32>
        tpu.vector_store_idx %arg9[%parallel_loop3A_939], %parallel_loop3A_937 : memref<32768xf32, #tpu.memory_space<vmem>>[vector<16xi32>], vector<16xf32>,
      } {sc.loop_unroll_factor = 2 : i64, sc.parallel_access}
      %add3A_745 = arith.addi %mul3A_2, %add3A_700 : i32
      %jit3A_746 = arith.constant 8 : i32
      %div3A_747 = arith.divsi %add3A_745, %jit3A_746 : i32
      %sign3A_748 = arith.constant 0 : i32
      %sign3A_749 = arith.cmpi sgt, %add3A_745, %sign3A_748 : i32
      %sign3A_750 = arith.extui %sign3A_749 : i1 to i32
      %sign3A_751 = arith.constant 0 : i32
      %sign3A_752 = arith.cmpi slt, %add3A_745, %sign3A_751 : i32
      %sign3A_753 = arith.extui %sign3A_752 : i1 to i32
      %sign3A_754 = arith.subi %sign3A_750, %sign3A_753 : i32
      %sign3A_755 = arith.constant 0 : i32
      %sign3A_756 = arith.cmpi sgt, %jit3A_746, %sign3A_755 : i32
      %sign3A_757 = arith.extui %sign3A_756 : i1 to i32
      %sign3A_758 = arith.constant 0 : i32
      %sign3A_759 = arith.cmpi slt, %jit3A_746, %sign3A_758 : i32
      %sign3A_760 = arith.extui %sign3A_759 : i1 to i32
      %sign3A_761 = arith.subi %sign3A_757, %sign3A_760 : i32
      %ne3A_762 = arith.cmpi ne, %sign3A_754, %sign3A_761 : i32
      %rem3A_763 = arith.remsi %add3A_745, %jit3A_746 : i32
      %ne3A_764 = arith.constant 0 : i32
      %ne3A_765 = arith.cmpi ne, %rem3A_763, %ne3A_764 : i32
      %and3A_766 = arith.andi %ne3A_762, %ne3A_765 : i1
      %sub3A_767 = arith.constant 1 : i32
      %sub3A_768 = arith.subi %div3A_747, %sub3A_767 : i32
      %select_n3A_769 = arith.select %and3A_766, %sub3A_768, %div3A_747 : i32
      %mul3A_770 = arith.constant 8 : i32
      %mul3A_771 = arith.muli %select_n3A_769, %mul3A_770 : i32
      %sub3A_772 = arith.subi %add3A_745, %mul3A_771 : i32
      %mul3A_773 = arith.constant 262144 : i32
      %mul3A_774 = arith.muli %select_n3A_769, %mul3A_773 : i32
      %add3A_775 = arith.constant 0 : i32
      %add3A_776 = arith.addi %mul3A_774, %add3A_775 : i32
      %mul3A_777 = arith.constant 16384 : i32
      %mul3A_778 = arith.muli %sub3A_772, %mul3A_777 : i32
      %add3A_779 = arith.addi %add3A_776, %mul3A_778 : i32
      %multiple_of3A_780 = tpu.assume_multiple %add3A_779, 16384 : i32
      %dma_start3A_781 = arith.constant 0 : i32
      %dma_start3A_782 = tpu.memref_slice %arg9[%dma_start3A_781] : memref<32768xf32, #tpu.memory_space<vmem>> -> memref<16384xf32, #tpu.memory_space<vmem>>
      %dma_start3A_783 = tpu.memref_slice %arg4[%multiple_of3A_780] : memref<52428800xf32, #tpu.memory_space<hbm>> -> memref<16384xf32, #tpu.memory_space<hbm>>
      %dma_start3A_784 = tpu.memref_slice %arg4[%multiple_of3A_780] : memref<52428800xf32, #tpu.memory_space<hbm>> -> memref<16384xf32, #tpu.memory_space<hbm>>
      %dma_start3A_785 = arith.constant 0 : i32
      %dma_start3A_786 = tpu.memref_slice %arg9[%dma_start3A_785] : memref<32768xf32, #tpu.memory_space<vmem>> -> memref<16384xf32, #tpu.memory_space<vmem>>
      tpu.enqueue_dma source(%dma_start3A_786 : memref<16384xf32, #tpu.memory_space<vmem>>) target(%dma_start3A_784 : memref<16384xf32, #tpu.memory_space<hbm>>) target_semaphore(%arg14 : memref<!tpu.dma_semaphore, #tpu.memory_space<semaphore_mem>>)
      %add3A_787 = arith.addi %mul3A_2, %add3A_700 : i32
      %jit3A_788 = arith.constant 8 : i32
      %div3A_789 = arith.divsi %add3A_787, %jit3A_788 : i32
      %sign3A_790 = arith.constant 0 : i32
      %sign3A_791 = arith.cmpi sgt, %add3A_787, %sign3A_790 : i32
      %sign3A_792 = arith.extui %sign3A_791 : i1 to i32
      %sign3A_793 = arith.constant 0 : i32
      %sign3A_794 = arith.cmpi slt, %add3A_787, %sign3A_793 : i32
      %sign3A_795 = arith.extui %sign3A_794 : i1 to i32
      %sign3A_796 = arith.subi %sign3A_792, %sign3A_795 : i32
      %sign3A_797 = arith.constant 0 : i32
      %sign3A_798 = arith.cmpi sgt, %jit3A_788, %sign3A_797 : i32
      %sign3A_799 = arith.extui %sign3A_798 : i1 to i32
      %sign3A_800 = arith.constant 0 : i32
      %sign3A_801 = arith.cmpi slt, %jit3A_788, %sign3A_800 : i32
      %sign3A_802 = arith.extui %sign3A_801 : i1 to i32
      %sign3A_803 = arith.subi %sign3A_799, %sign3A_802 : i32
      %ne3A_804 = arith.cmpi ne, %sign3A_796, %sign3A_803 : i32
      %rem3A_805 = arith.remsi %add3A_787, %jit3A_788 : i32
      %ne3A_806 = arith.constant 0 : i32
      %ne3A_807 = arith.cmpi ne, %rem3A_805, %ne3A_806 : i32
      %and3A_808 = arith.andi %ne3A_804, %ne3A_807 : i1
      %sub3A_809 = arith.constant 1 : i32
      %sub3A_810 = arith.subi %div3A_789, %sub3A_809 : i32
      %select_n3A_811 = arith.select %and3A_808, %sub3A_810, %div3A_789 : i32
      %mul3A_812 = arith.constant 8 : i32
      %mul3A_813 = arith.muli %select_n3A_811, %mul3A_812 : i32
      %sub3A_814 = arith.subi %add3A_787, %mul3A_813 : i32
      %mul3A_815 = arith.constant 262144 : i32
      %mul3A_816 = arith.muli %select_n3A_811, %mul3A_815 : i32
      %add3A_817 = arith.constant 131072 : i32
      %add3A_818 = arith.addi %mul3A_816, %add3A_817 : i32
      %mul3A_819 = arith.constant 16384 : i32
      %mul3A_820 = arith.muli %sub3A_814, %mul3A_819 : i32
      %add3A_821 = arith.addi %add3A_818, %mul3A_820 : i32
      %multiple_of3A_822 = tpu.assume_multiple %add3A_821, 16384 : i32
      %dma_start3A_823 = arith.constant 16384 : i32
      %dma_start3A_824 = tpu.memref_slice %arg9[%dma_start3A_823] : memref<32768xf32, #tpu.memory_space<vmem>> -> memref<16384xf32, #tpu.memory_space<vmem>>
      %dma_start3A_825 = tpu.memref_slice %arg4[%multiple_of3A_822] : memref<52428800xf32, #tpu.memory_space<hbm>> -> memref<16384xf32, #tpu.memory_space<hbm>>
      %dma_start3A_826 = tpu.memref_slice %arg4[%multiple_of3A_822] : memref<52428800xf32, #tpu.memory_space<hbm>> -> memref<16384xf32, #tpu.memory_space<hbm>>
      %dma_start3A_827 = arith.constant 16384 : i32
      %dma_start3A_828 = tpu.memref_slice %arg9[%dma_start3A_827] : memref<32768xf32, #tpu.memory_space<vmem>> -> memref<16384xf32, #tpu.memory_space<vmem>>
      tpu.enqueue_dma source(%dma_start3A_828 : memref<16384xf32, #tpu.memory_space<vmem>>) target(%dma_start3A_826 : memref<16384xf32, #tpu.memory_space<hbm>>) target_semaphore(%arg15 : memref<!tpu.dma_semaphore, #tpu.memory_space<semaphore_mem>>)
      %add3A_829 = arith.constant 2 : i32
      %add3A_830 = arith.addi %add3A_700, %add3A_829 : i32
      %lt3A_831 = arith.constant 50 : i32
      %lt3A_832 = arith.cmpi slt, %add3A_830, %lt3A_831 : i32
      %convert_element_type3A_833 = arith.extui %lt3A_832 : i1 to i32
      %cond3A_834 = arith.constant 0 : i32
      %cond3A_835 = arith.cmpi ne, %convert_element_type3A_833, %cond3A_834 : i32
      scf.if %cond3A_835 {
        %add3A_836 = arith.constant 2 : i32
        %add3A_837 = arith.addi %add3A_700, %add3A_836 : i32
        %add3A_838 = arith.addi %mul3A_2, %add3A_837 : i32
        %jit3A_839 = arith.constant 8 : i32
        %div3A_840 = arith.divsi %add3A_838, %jit3A_839 : i32
        %sign3A_841 = arith.constant 0 : i32
        %sign3A_842 = arith.cmpi sgt, %add3A_838, %sign3A_841 : i32
        %sign3A_843 = arith.extui %sign3A_842 : i1 to i32
        %sign3A_844 = arith.constant 0 : i32
        %sign3A_845 = arith.cmpi slt, %add3A_838, %sign3A_844 : i32
        %sign3A_846 = arith.extui %sign3A_845 : i1 to i32
        %sign3A_847 = arith.subi %sign3A_843, %sign3A_846 : i32
        %sign3A_848 = arith.constant 0 : i32
        %sign3A_849 = arith.cmpi sgt, %jit3A_839, %sign3A_848 : i32
        %sign3A_850 = arith.extui %sign3A_849 : i1 to i32
        %sign3A_851 = arith.constant 0 : i32
        %sign3A_852 = arith.cmpi slt, %jit3A_839, %sign3A_851 : i32
        %sign3A_853 = arith.extui %sign3A_852 : i1 to i32
        %sign3A_854 = arith.subi %sign3A_850, %sign3A_853 : i32
        %ne3A_855 = arith.cmpi ne, %sign3A_847, %sign3A_854 : i32
        %rem3A_856 = arith.remsi %add3A_838, %jit3A_839 : i32
        %ne3A_857 = arith.constant 0 : i32
        %ne3A_858 = arith.cmpi ne, %rem3A_856, %ne3A_857 : i32
        %and3A_859 = arith.andi %ne3A_855, %ne3A_858 : i1
        %sub3A_860 = arith.constant 1 : i32
        %sub3A_861 = arith.subi %div3A_840, %sub3A_860 : i32
        %select_n3A_862 = arith.select %and3A_859, %sub3A_861, %div3A_840 : i32
        %mul3A_863 = arith.constant 8 : i32
        %mul3A_864 = arith.muli %select_n3A_862, %mul3A_863 : i32
        %sub3A_865 = arith.subi %add3A_838, %mul3A_864 : i32
        %mul3A_866 = arith.constant 16384 : i32
        %mul3A_867 = arith.muli %select_n3A_862, %mul3A_866 : i32
        %mul3A_868 = arith.constant 2048 : i32
        %mul3A_869 = arith.muli %sub3A_865, %mul3A_868 : i32
        %add3A_870 = arith.addi %mul3A_867, %mul3A_869 : i32
        %multiple_of3A_871 = tpu.assume_multiple %add3A_870, 2048 : i32
        %dma_start3A_872 = tpu.memref_slice %arg2[%multiple_of3A_871] : memref<3276800xi32, #tpu.memory_space<hbm>> -> memref<2048xi32, #tpu.memory_space<hbm>>
        %dma_start3A_873 = tpu.memref_slice %arg2[%multiple_of3A_871] : memref<3276800xi32, #tpu.memory_space<hbm>> -> memref<2048xi32, #tpu.memory_space<hbm>>
        tpu.enqueue_dma source(%dma_start3A_873 : memref<2048xi32, #tpu.memory_space<hbm>>) target(%arg7 : memref<2048xi32, #tpu.memory_space<vmem>>) target_semaphore(%arg11 : memref<!tpu.dma_semaphore, #tpu.memory_space<semaphore_mem>>)
      } else {
      }
    }
    %scan3A_390 = arith.constant 25 : i32
    %add3A_391 = arith.constant 48 : i32
    %add3A_392 = arith.addi %mul3A_2, %add3A_391 : i32
    %jit3A_393 = arith.constant 8 : i32
    %div3A_394 = arith.divsi %add3A_392, %jit3A_393 : i32
    %sign3A_395 = arith.constant 0 : i32
    %sign3A_396 = arith.cmpi sgt, %add3A_392, %sign3A_395 : i32
    %sign3A_397 = arith.extui %sign3A_396 : i1 to i32
    %sign3A_398 = arith.constant 0 : i32
    %sign3A_399 = arith.cmpi slt, %add3A_392, %sign3A_398 : i32
    %sign3A_400 = arith.extui %sign3A_399 : i1 to i32
    %sign3A_401 = arith.subi %sign3A_397, %sign3A_400 : i32
    %sign3A_402 = arith.constant 0 : i32
    %sign3A_403 = arith.cmpi sgt, %jit3A_393, %sign3A_402 : i32
    %sign3A_404 = arith.extui %sign3A_403 : i1 to i32
    %sign3A_405 = arith.constant 0 : i32
    %sign3A_406 = arith.cmpi slt, %jit3A_393, %sign3A_405 : i32
    %sign3A_407 = arith.extui %sign3A_406 : i1 to i32
    %sign3A_408 = arith.subi %sign3A_404, %sign3A_407 : i32
    %ne3A_409 = arith.cmpi ne, %sign3A_401, %sign3A_408 : i32
    %rem3A_410 = arith.remsi %add3A_392, %jit3A_393 : i32
    %ne3A_411 = arith.constant 0 : i32
    %ne3A_412 = arith.cmpi ne, %rem3A_410, %ne3A_411 : i32
    %and3A_413 = arith.andi %ne3A_409, %ne3A_412 : i1
    %sub3A_414 = arith.constant 1 : i32
    %sub3A_415 = arith.subi %div3A_394, %sub3A_414 : i32
    %select_n3A_416 = arith.select %and3A_413, %sub3A_415, %div3A_394 : i32
    %mul3A_417 = arith.constant 8 : i32
    %mul3A_418 = arith.muli %select_n3A_416, %mul3A_417 : i32
    %sub3A_419 = arith.subi %add3A_392, %mul3A_418 : i32
    %mul3A_420 = arith.constant 262144 : i32
    %mul3A_421 = arith.muli %select_n3A_416, %mul3A_420 : i32
    %add3A_422 = arith.constant 0 : i32
    %add3A_423 = arith.addi %mul3A_421, %add3A_422 : i32
    %mul3A_424 = arith.constant 16384 : i32
    %mul3A_425 = arith.muli %sub3A_419, %mul3A_424 : i32
    %add3A_426 = arith.addi %add3A_423, %mul3A_425 : i32
    %multiple_of3A_427 = tpu.assume_multiple %add3A_426, 16384 : i32
    %dma_wait3A = arith.constant 0 : i32
    %dma_wait3A_428 = tpu.memref_slice %arg8[%dma_wait3A] : memref<32768xf32, #tpu.memory_space<vmem>> -> memref<16384xf32, #tpu.memory_space<vmem>>
    %dma_wait3A_429 = tpu.memref_slice %arg4[%multiple_of3A_427] : memref<52428800xf32, #tpu.memory_space<hbm>> -> memref<16384xf32, #tpu.memory_space<hbm>>
    %dma_wait3A_430 = tpu.memref_slice %arg4[%multiple_of3A_427] : memref<52428800xf32, #tpu.memory_space<hbm>> -> memref<16384xf32, #tpu.memory_space<hbm>>
    %dma_wait3A_431 = arith.constant 0 : i32
    %dma_wait3A_432 = tpu.memref_slice %arg8[%dma_wait3A_431] : memref<32768xf32, #tpu.memory_space<vmem>> -> memref<16384xf32, #tpu.memory_space<vmem>>
    tpu.wait_dma2 semaphore(%arg12 : memref<!tpu.dma_semaphore, #tpu.memory_space<semaphore_mem>>) src(%dma_wait3A_432 : memref<16384xf32, #tpu.memory_space<vmem>>) dst(%dma_wait3A_430 : memref<16384xf32, #tpu.memory_space<hbm>>)
    %add3A_433 = arith.constant 48 : i32
    %add3A_434 = arith.addi %mul3A_2, %add3A_433 : i32
    %jit3A_435 = arith.constant 8 : i32
    %div3A_436 = arith.divsi %add3A_434, %jit3A_435 : i32
    %sign3A_437 = arith.constant 0 : i32
    %sign3A_438 = arith.cmpi sgt, %add3A_434, %sign3A_437 : i32
    %sign3A_439 = arith.extui %sign3A_438 : i1 to i32
    %sign3A_440 = arith.constant 0 : i32
    %sign3A_441 = arith.cmpi slt, %add3A_434, %sign3A_440 : i32
    %sign3A_442 = arith.extui %sign3A_441 : i1 to i32
    %sign3A_443 = arith.subi %sign3A_439, %sign3A_442 : i32
    %sign3A_444 = arith.constant 0 : i32
    %sign3A_445 = arith.cmpi sgt, %jit3A_435, %sign3A_444 : i32
    %sign3A_446 = arith.extui %sign3A_445 : i1 to i32
    %sign3A_447 = arith.constant 0 : i32
    %sign3A_448 = arith.cmpi slt, %jit3A_435, %sign3A_447 : i32
    %sign3A_449 = arith.extui %sign3A_448 : i1 to i32
    %sign3A_450 = arith.subi %sign3A_446, %sign3A_449 : i32
    %ne3A_451 = arith.cmpi ne, %sign3A_443, %sign3A_450 : i32
    %rem3A_452 = arith.remsi %add3A_434, %jit3A_435 : i32
    %ne3A_453 = arith.constant 0 : i32
    %ne3A_454 = arith.cmpi ne, %rem3A_452, %ne3A_453 : i32
    %and3A_455 = arith.andi %ne3A_451, %ne3A_454 : i1
    %sub3A_456 = arith.constant 1 : i32
    %sub3A_457 = arith.subi %div3A_436, %sub3A_456 : i32
    %select_n3A_458 = arith.select %and3A_455, %sub3A_457, %div3A_436 : i32
    %mul3A_459 = arith.constant 8 : i32
    %mul3A_460 = arith.muli %select_n3A_458, %mul3A_459 : i32
    %sub3A_461 = arith.subi %add3A_434, %mul3A_460 : i32
    %mul3A_462 = arith.constant 262144 : i32
    %mul3A_463 = arith.muli %select_n3A_458, %mul3A_462 : i32
    %add3A_464 = arith.constant 131072 : i32
    %add3A_465 = arith.addi %mul3A_463, %add3A_464 : i32
    %mul3A_466 = arith.constant 16384 : i32
    %mul3A_467 = arith.muli %sub3A_461, %mul3A_466 : i32
    %add3A_468 = arith.addi %add3A_465, %mul3A_467 : i32
    %multiple_of3A_469 = tpu.assume_multiple %add3A_468, 16384 : i32
    %dma_wait3A_470 = arith.constant 16384 : i32
    %dma_wait3A_471 = tpu.memref_slice %arg8[%dma_wait3A_470] : memref<32768xf32, #tpu.memory_space<vmem>> -> memref<16384xf32, #tpu.memory_space<vmem>>
    %dma_wait3A_472 = tpu.memref_slice %arg4[%multiple_of3A_469] : memref<52428800xf32, #tpu.memory_space<hbm>> -> memref<16384xf32, #tpu.memory_space<hbm>>
    %dma_wait3A_473 = tpu.memref_slice %arg4[%multiple_of3A_469] : memref<52428800xf32, #tpu.memory_space<hbm>> -> memref<16384xf32, #tpu.memory_space<hbm>>
    %dma_wait3A_474 = arith.constant 16384 : i32
    %dma_wait3A_475 = tpu.memref_slice %arg8[%dma_wait3A_474] : memref<32768xf32, #tpu.memory_space<vmem>> -> memref<16384xf32, #tpu.memory_space<vmem>>
    tpu.wait_dma2 semaphore(%arg13 : memref<!tpu.dma_semaphore, #tpu.memory_space<semaphore_mem>>) src(%dma_wait3A_475 : memref<16384xf32, #tpu.memory_space<vmem>>) dst(%dma_wait3A_473 : memref<16384xf32, #tpu.memory_space<hbm>>)
    %add3A_476 = arith.constant 49 : i32
    %add3A_477 = arith.addi %mul3A_2, %add3A_476 : i32
    %jit3A_478 = arith.constant 8 : i32
    %div3A_479 = arith.divsi %add3A_477, %jit3A_478 : i32
    %sign3A_480 = arith.constant 0 : i32
    %sign3A_481 = arith.cmpi sgt, %add3A_477, %sign3A_480 : i32
    %sign3A_482 = arith.extui %sign3A_481 : i1 to i32
    %sign3A_483 = arith.constant 0 : i32
    %sign3A_484 = arith.cmpi slt, %add3A_477, %sign3A_483 : i32
    %sign3A_485 = arith.extui %sign3A_484 : i1 to i32
    %sign3A_486 = arith.subi %sign3A_482, %sign3A_485 : i32
    %sign3A_487 = arith.constant 0 : i32
    %sign3A_488 = arith.cmpi sgt, %jit3A_478, %sign3A_487 : i32
    %sign3A_489 = arith.extui %sign3A_488 : i1 to i32
    %sign3A_490 = arith.constant 0 : i32
    %sign3A_491 = arith.cmpi slt, %jit3A_478, %sign3A_490 : i32
    %sign3A_492 = arith.extui %sign3A_491 : i1 to i32
    %sign3A_493 = arith.subi %sign3A_489, %sign3A_492 : i32
    %ne3A_494 = arith.cmpi ne, %sign3A_486, %sign3A_493 : i32
    %rem3A_495 = arith.remsi %add3A_477, %jit3A_478 : i32
    %ne3A_496 = arith.constant 0 : i32
    %ne3A_497 = arith.cmpi ne, %rem3A_495, %ne3A_496 : i32
    %and3A_498 = arith.andi %ne3A_494, %ne3A_497 : i1
    %sub3A_499 = arith.constant 1 : i32
    %sub3A_500 = arith.subi %div3A_479, %sub3A_499 : i32
    %select_n3A_501 = arith.select %and3A_498, %sub3A_500, %div3A_479 : i32
    %mul3A_502 = arith.constant 8 : i32
    %mul3A_503 = arith.muli %select_n3A_501, %mul3A_502 : i32
    %sub3A_504 = arith.subi %add3A_477, %mul3A_503 : i32
    %mul3A_505 = arith.constant 262144 : i32
    %mul3A_506 = arith.muli %select_n3A_501, %mul3A_505 : i32
    %add3A_507 = arith.constant 0 : i32
    %add3A_508 = arith.addi %mul3A_506, %add3A_507 : i32
    %mul3A_509 = arith.constant 16384 : i32
    %mul3A_510 = arith.muli %sub3A_504, %mul3A_509 : i32
    %add3A_511 = arith.addi %add3A_508, %mul3A_510 : i32
    %multiple_of3A_512 = tpu.assume_multiple %add3A_511, 16384 : i32
    %dma_wait3A_513 = arith.constant 0 : i32
    %dma_wait3A_514 = tpu.memref_slice %arg9[%dma_wait3A_513] : memref<32768xf32, #tpu.memory_space<vmem>> -> memref<16384xf32, #tpu.memory_space<vmem>>
    %dma_wait3A_515 = tpu.memref_slice %arg4[%multiple_of3A_512] : memref<52428800xf32, #tpu.memory_space<hbm>> -> memref<16384xf32, #tpu.memory_space<hbm>>
    %dma_wait3A_516 = tpu.memref_slice %arg4[%multiple_of3A_512] : memref<52428800xf32, #tpu.memory_space<hbm>> -> memref<16384xf32, #tpu.memory_space<hbm>>
    %dma_wait3A_517 = arith.constant 0 : i32
    %dma_wait3A_518 = tpu.memref_slice %arg9[%dma_wait3A_517] : memref<32768xf32, #tpu.memory_space<vmem>> -> memref<16384xf32, #tpu.memory_space<vmem>>
    tpu.wait_dma2 semaphore(%arg14 : memref<!tpu.dma_semaphore, #tpu.memory_space<semaphore_mem>>) src(%dma_wait3A_518 : memref<16384xf32, #tpu.memory_space<vmem>>) dst(%dma_wait3A_516 : memref<16384xf32, #tpu.memory_space<hbm>>)
    %add3A_519 = arith.constant 49 : i32
    %add3A_520 = arith.addi %mul3A_2, %add3A_519 : i32
    %jit3A_521 = arith.constant 8 : i32
    %div3A_522 = arith.divsi %add3A_520, %jit3A_521 : i32
    %sign3A_523 = arith.constant 0 : i32
    %sign3A_524 = arith.cmpi sgt, %add3A_520, %sign3A_523 : i32
    %sign3A_525 = arith.extui %sign3A_524 : i1 to i32
    %sign3A_526 = arith.constant 0 : i32
    %sign3A_527 = arith.cmpi slt, %add3A_520, %sign3A_526 : i32
    %sign3A_528 = arith.extui %sign3A_527 : i1 to i32
    %sign3A_529 = arith.subi %sign3A_525, %sign3A_528 : i32
    %sign3A_530 = arith.constant 0 : i32
    %sign3A_531 = arith.cmpi sgt, %jit3A_521, %sign3A_530 : i32
    %sign3A_532 = arith.extui %sign3A_531 : i1 to i32
    %sign3A_533 = arith.constant 0 : i32
    %sign3A_534 = arith.cmpi slt, %jit3A_521, %sign3A_533 : i32
    %sign3A_535 = arith.extui %sign3A_534 : i1 to i32
    %sign3A_536 = arith.subi %sign3A_532, %sign3A_535 : i32
    %ne3A_537 = arith.cmpi ne, %sign3A_529, %sign3A_536 : i32
    %rem3A_538 = arith.remsi %add3A_520, %jit3A_521 : i32
    %ne3A_539 = arith.constant 0 : i32
    %ne3A_540 = arith.cmpi ne, %rem3A_538, %ne3A_539 : i32
    %and3A_541 = arith.andi %ne3A_537, %ne3A_540 : i1
    %sub3A_542 = arith.constant 1 : i32
    %sub3A_543 = arith.subi %div3A_522, %sub3A_542 : i32
    %select_n3A_544 = arith.select %and3A_541, %sub3A_543, %div3A_522 : i32
    %mul3A_545 = arith.constant 8 : i32
    %mul3A_546 = arith.muli %select_n3A_544, %mul3A_545 : i32
    %sub3A_547 = arith.subi %add3A_520, %mul3A_546 : i32
    %mul3A_548 = arith.constant 262144 : i32
    %mul3A_549 = arith.muli %select_n3A_544, %mul3A_548 : i32
    %add3A_550 = arith.constant 131072 : i32
    %add3A_551 = arith.addi %mul3A_549, %add3A_550 : i32
    %mul3A_552 = arith.constant 16384 : i32
    %mul3A_553 = arith.muli %sub3A_547, %mul3A_552 : i32
    %add3A_554 = arith.addi %add3A_551, %mul3A_553 : i32
    %multiple_of3A_555 = tpu.assume_multiple %add3A_554, 16384 : i32
    %dma_wait3A_556 = arith.constant 16384 : i32
    %dma_wait3A_557 = tpu.memref_slice %arg9[%dma_wait3A_556] : memref<32768xf32, #tpu.memory_space<vmem>> -> memref<16384xf32, #tpu.memory_space<vmem>>
    %dma_wait3A_558 = tpu.memref_slice %arg4[%multiple_of3A_555] : memref<52428800xf32, #tpu.memory_space<hbm>> -> memref<16384xf32, #tpu.memory_space<hbm>>
    %dma_wait3A_559 = tpu.memref_slice %arg4[%multiple_of3A_555] : memref<52428800xf32, #tpu.memory_space<hbm>> -> memref<16384xf32, #tpu.memory_space<hbm>>
    %dma_wait3A_560 = arith.constant 16384 : i32
    %dma_wait3A_561 = tpu.memref_slice %arg9[%dma_wait3A_560] : memref<32768xf32, #tpu.memory_space<vmem>> -> memref<16384xf32, #tpu.memory_space<vmem>>
    tpu.wait_dma2 semaphore(%arg15 : memref<!tpu.dma_semaphore, #tpu.memory_space<semaphore_mem>>) src(%dma_wait3A_561 : memref<16384xf32, #tpu.memory_space<vmem>>) dst(%dma_wait3A_559 : memref<16384xf32, #tpu.memory_space<hbm>>)
    return
  }
}

</mosaic_0001>

<sc_bundles>
// kernel: kernel.3.cloned.1.call-start
scs
__scs_entry_jumppad:
0x0: {  	(pc) =	sbr.rel $0x88, $3  }
0x1: {  	(tag) =	ssettag $0x0;
	lr =	simm.s32 $0x1  }
0x2: {  	[smem:$0x3F9F] =	sst lr;
	_ =	strace $0xD0000000  }
0x3: {  	_ = 	snop  }
0x4: {  	_ = 	snop  }
0x5: {  	_ = 	snop  }
0x6: {  	_ = 	snop  }
0x7: {  	_ = 	snop  }
__scs_overlays_trampoline_lowered:
0x8: {  	[smem:$0x3FAE] =	sst s0  }
0x9: {  	[smem:$0x3FAF] =	sst s1  }
0xa: {  	[smem:$0x3FB0] =	sst s2  }
0xb: {  	[smem:$0x3FB1] =	sst s3  }
0xc: {  	[smem:$0x3FB2] =	sst s4  }
0xd: {  	[smem:$0x3FB3] =	sst s5  }
0xe: {  	[smem:$0x3FB4] =	sst s6  }
0xf: {  	[smem:$0x3FB5] =	sst s7  }
0x10: {  	[smem:$0x3FB6] =	sst s8  }
0x11: {  	[smem:$0x3FB7] =	sst s9;
	s0 =	simm.s32 @!p0 $0x0  }
0x12: {  	s1 =	sld [smem:$0x3F9D];
	s0 =	simm.s32 @p0 $0x1  }
0x13: {  	[smem:$0x3FB8] =	sst s0;
	s0 =	simm.s32 @!p1 $0x0  }
0x14: {  	s2 =	sld [smem:$0x3F9C];
	s0 =	simm.s32 @p1 $0x1  }
0x15: {  	[smem:$0x3FB9] =	sst s0;
	s0 =	simm.s32 @!p2 $0x0  }
0x16: {  	s3 =	sld [smem:$0x3FDB];
	s0 =	simm.s32 @p2 $0x1  }
0x17: {  	s4 =	simm.s32 $0x1BF5;
	[smem:$0x3FBB] =	sst s0  }
0x18: {  	s0 =	sld [smem:$0x3F9E];
	_ =	swait.ge [sflag:s4], $0x0  }
0x19: {  	s7 =	sld [smem:$0x3F9F]  }
0x1a: {  	s8 =	sadd.s32 $0xFFFFE003, lr  }
0x1b: {  	s9 =	sadd.s32 $0xFFFFFEF7, lr;
	s5 =	simm.s32 $0xFFFFFFFF;
	p2 =	slt.u32 s8, $0xFFFFF086  }
0x1c: {  	p1 =	slt.u32 s9, $0xF7A;
	s5 =	simm.s32 @!p2 $0x0  }
0x1d: {  	s5 =	simm.s32 @p1 $0x1;
	p0 =	seq.s32 s7, s2  }
0x1e: {  	s7 =	smul.u32 @!p0 $0xF7A, s2;
	p2 =	seq.s32 @!p0 s5, $0x0  }
0x1f: {  	s9 =	smul.u32 $0xF7A, s1;
	s8 =	simm.s32 @!p0 $0x1BF5;
	p2 =	por !p2, p0  }
0x20: {  	[sflag:s8] =	ssyncset.s32 @!p0 $0xFFFFF086;
	s6 =	sadd.s32 @!p0 s3, s7;
	s7 =	simm.s32 @!p0 $0x108  }
0x21: {  	s3 =	sadd.s32 s3, s9;
	s6 =	sadd.s32 @!p0 $0x88, s6;
	s7 =	simm.s32 @p2 $0x1082  }
0x22: {  	[simem:s7], [sflag:s8] =	dma.local @!p0 [hbm:s6], $0xF7A  }
0x23: {  	s9 =	sor.u32 $0xD0000000, s2;
	s6 =	simm.s32 $0x108;
	_ =	swait.ge @!p0 [sflag:s8], $0x0  }
0x24: {  	s3 =	sadd.s32 $0x88, s3;
	s6 =	simm.s32 @!p1 $0x1082;
	[sflag:s4] =	ssyncset.s32 $0xFFFFF086  }
0x25: {  	[simem:s6], [sflag:s4] =	dma.local [hbm:s3], $0xF7A  }
0x26: {  	[smem:$0x3F9F] =	sst s1;
	(tag) =	ssettag s2;
	_ =	strace s9  }
0x27: {  	s1 =	sld [smem:$0x3FAF]  }
0x28: {  	s2 =	sld [smem:$0x3FB0]  }
0x29: {  	s4 =	sld [smem:$0x3FB2]  }
0x2a: {  	p0 =	seq.s32 s5, $0x0;
	s5 =	sld [smem:$0x3FB3]  }
0x2b: {  	s6 =	sld [smem:$0x3FB4]  }
0x2c: {  	s7 =	sld [smem:$0x3FB5]  }
0x2d: {  	s3 =	simm.s32 $0x108;
	s8 =	sld [smem:$0x3FB6]  }
0x2e: {  	s3 =	simm.s32 @!p0 $0x1082;
	s9 =	sld [smem:$0x3FB7]  }
0x2f: {  	lr =	sadd.s32 s0, s3;
	s0 =	sld [smem:$0x3FAE]  }
0x30: {  	s3 =	sld [smem:$0x3FB1]  }
0x31: {  	[smem:$0x3FBA] =	sst s10  }
0x32: {  	s10 =	sld [smem:$0x3FB8];
	_ =	sdelay $0x3  }
0x33: {  	p0 =	seq.s32 s10, $0x1;
	s10 =	sld [smem:$0x3FBA];
	_ =	sdelay $0x3  }
0x34: {  	[smem:$0x3FBA] =	sst s10  }
0x35: {  	s10 =	sld [smem:$0x3FB9];
	_ =	sdelay $0x3  }
0x36: {  	p1 =	seq.s32 s10, $0x1;
	s10 =	sld [smem:$0x3FBA];
	_ =	sdelay $0x3  }
0x37: {  	[smem:$0x3FBA] =	sst s10  }
0x38: {  	s10 =	sld [smem:$0x3FBB]  }
0x39: {  	_ = 	snop;
	(pc) =	sbr.ind lr, $3  }
0x3a: {  	_ = 	snop  }
0x3b: {  	_ = 	snop  }
0x3c: {  	p2 =	seq.s32 s10, $0x1;
	s10 =	sld [smem:$0x3FBA]  }
0x3d: {  	_ =	shalt  }
0x3e: {  	_ =	shalt  }
0x3f: {  	_ =	shalt  }
0x40: {  	_ =	shalt  }
0x41: {  	_ =	shalt  }
0x42: {  	_ =	shalt  }
0x43: {  	_ =	shalt  }
0x44: {  	_ =	shalt  }
0x45: {  	_ =	shalt  }
0x46: {  	_ =	shalt  }
0x47: {  	_ =	shalt  }
0x48: {  	_ =	shalt  }
0x49: {  	_ =	shalt  }
0x4a: {  	_ =	shalt  }
0x4b: {  	_ =	shalt  }
0x4c: {  	_ =	shalt  }
0x4d: {  	_ =	shalt  }
0x4e: {  	_ =	shalt  }
0x4f: {  	_ =	shalt  }
0x50: {  	_ =	shalt  }
0x51: {  	_ =	shalt  }
0x52: {  	_ =	shalt  }
0x53: {  	_ =	shalt  }
0x54: {  	_ =	shalt  }
0x55: {  	_ =	shalt  }
0x56: {  	_ =	shalt  }
0x57: {  	_ =	shalt  }
0x58: {  	_ =	shalt  }
0x59: {  	_ =	shalt  }
0x5a: {  	_ =	shalt  }
0x5b: {  	_ =	shalt  }
0x5c: {  	_ =	shalt  }
0x5d: {  	_ =	shalt  }
0x5e: {  	_ =	shalt  }
0x5f: {  	_ =	shalt  }
0x60: {  	_ =	shalt  }
0x61: {  	_ =	shalt  }
0x62: {  	_ =	shalt  }
0x63: {  	_ =	shalt  }
0x64: {  	_ =	shalt  }
0x65: {  	_ =	shalt  }
0x66: {  	_ =	shalt  }
0x67: {  	_ =	shalt  }
0x68: {  	_ =	shalt  }
0x69: {  	_ =	shalt  }
0x6a: {  	_ =	shalt  }
0x6b: {  	_ =	shalt  }
0x6c: {  	_ =	shalt  }
0x6d: {  	_ =	shalt  }
0x6e: {  	_ =	shalt  }
0x6f: {  	_ =	shalt  }
0x70: {  	_ =	shalt  }
0x71: {  	_ =	shalt  }
0x72: {  	_ =	shalt  }
0x73: {  	_ =	shalt  }
0x74: {  	_ =	shalt  }
0x75: {  	_ =	shalt  }
0x76: {  	_ =	shalt  }
0x77: {  	_ =	shalt  }
0x78: {  	_ =	shalt  }
0x79: {  	_ =	shalt  }
0x7a: {  	_ =	shalt  }
0x7b: {  	_ =	shalt  }
0x7c: {  	_ =	shalt  }
0x7d: {  	_ =	shalt  }
0x7e: {  	_ =	shalt  }
0x7f: {  	_ =	shalt  }
0x80: {  	_ =	shalt  }
0x81: {  	_ =	shalt  }
0x82: {  	_ =	shalt  }
0x83: {  	_ =	shalt  }
0x84: {  	_ =	shalt  }
0x85: {  	_ =	shalt  }
0x86: {  	_ =	shalt  }
0x87: {  	_ =	shalt  }
.Lfunc_end0:
.L_simem_size_0:
called_computation_lowered:
.L_overlay_start_0:
0x88: {  	s2 =	sld [smem:$0x3FD9]  }
0x89: {  	s3 =	sld [smem:$0x3FFE];
	_ =	sdelay $0x1  }
0x8a: {  	s1 =	srdreg.scid  }
0x8b: {  	s0 =	sand.u32 $0x1, s1  }
0x8c: {  	s17 =	sshll.u32 s0, $0xA;
	s2 =	sadd.s32 s3, s2  }
0x8d: {  	s2 =	sadd.s32 s2, s17  }
0x8e: {  	[smem:$0x3FC6] =	sst s2  }
0x8f: {  	_ = 	snop  }
0x90: {  	s2 =	sld [smem:$0x3FD0];
	(tm) =	ssettm $0x1  }
0x91: {  	s18 =	sld [smem:$0x3FFB];
	_ =	sdelay $0x3  }
0x92: {  	_ =	strace s18  }
0x93: {  	s3 =	sld [smem:$0x3FFC];
	_ =	sdelay $0x3  }
0x94: {  	_ =	strace s3  }
0x95: {  	s3 =	sld [smem:$0x3FFD];
	_ =	sdelay $0x3  }
0x96: {  	_ =	strace s3  }
0x97: {  	_ =	strace $0x8FFFFFFF  }
0x98: {  	s19 =	sld [smem:$0x3FDB];
	_ =	sdelay $0x1  }
0x99: {  	s4 =	simm.s32 $_scs_section_size  }
0x9a: {  	s5 =	simm.s32 $_size__tile_overlayer_lowered;
	s6 =	simm.s32 $_tile_overlayer_lowered  }
0x9b: {  	s22 =	simm.s32 $0x1BFF;
	s21 =	sshll.u32 s6, $0x1;
	s3 =	sadd.s32 s4, s19  }
0x9c: {  	s7 =	simm.s32 $0x0;
	s20 =	sshll.u32 s5, $0x1;
	s5 =	sadd.s32 s21, s3  }
0x9d: {  	[timem:s7], [sflag:s22] =	dma.local [hbm:s5], s20  }
0x9e: {  	_ =	swait.ge [sflag:s22], s20  }
0x9f: {  	s4 =	ssub.s32 $0x0, s20;
	[sflag:s22] =	ssyncset.done $0x0  }
0xa0: {  	[sflag:s22] =	ssyncadd.s32 s4;
	_ =	sdelay $0x1  }
0xa1: {  	s23 =	simm.s32 $0x1B8B  }
0xa2: {  	_ =	swait.ge [sflag:s23], $0x1  }
0xa3: {  	[sflag:s23] =	ssyncset.done $0x0  }
0xa4: {  	s25 =	simm.s32 $0x1B8E;
	s24 =	sld [smem:$0x3FFE];
	[sflag:s23] =	ssyncadd.s32 $0xFFFFFFFF  }
0xa5: {  	s26 =	simm.s32 $execute0_lowered;
	[smem:$0x3FD2] =	sst s25  }
0xa6: {  	s5 =	sshll.u32 s26, $0x1;
	_ =	strace $0x80000046;
	[dreg:$0x1] =	wrdreg $0xFFFFFFFF  }
0xa7: {  	s28 =	simm.s32 $_size_execute0_lowered;
	s3 =	sadd.s32 s3, s5;
	[dreg:$0x0] =	wrdreg $0x0  }
0xa8: {  	s5 =	sshll.u32 s28, $0x1;
	[dreg:$0x2] =	wrdreg s3  }
0xa9: {  	[dreg:$0x3] =	wrdreg s5  }
0xaa: {  	[dreg:$0x4] =	wrdreg $0xC0  }
0xab: {  	_ =	task [dreg:s7], $0x5FFFF  }
0xac: {  	[dreg:$0x1] =	wrdreg $0xFFFFFFFF  }
0xad: {  	[dreg:$0x0] =	wrdreg $0x60  }
0xae: {  	[dreg:$0x2] =	wrdreg s24  }
0xaf: {  	[dreg:$0x3] =	wrdreg s2  }
0xb0: {  	[dreg:$0x4] =	wrdreg $0x9  }
0xb1: {  	_ =	task.clear_ibuf [dreg:s7], $0x5FFFF;
	_ =	strace $0x90000046  }
0xb2: {  	s29 =	simm.s32 $0x9;
	_ =	strace $0x80000048  }
0xb3: {  	_ =	swait.ge [sflag:s29], $0x1  }
0xb4: {  	[sflag:s29] =	ssyncadd.s32 $0xFFFFFFFF  }
0xb5: {  	_ =	strace $0x90000048  }
0xb6: {  	_ =	sfence  }
0xb7: {  	s30 =	sld [smem:$0x0];
	_ =	sdelay $0x2  }
0xb8: {  	s31 =	sshll.u32 s1, $0xD;
	s1 =	sshrl.u32 s1, $0x2  }
0xb9: {  	s3 =	sand.u32 $0x4000, s31;
	s1 =	sadd.s32 s1, s30  }
0xba: {  	s0 =	sor.u32 s3, s0;
	s1 =	sshll.u32 s1, $0x11  }
0xbb: {  	s0 =	sor.u32 s1, s0  }
0xbc: {  	s0 =	sadd.s32 $0x8F2B, s0  }
0xbd: {  	[sflag:s0] =	ssyncadd.remote.s32 $0x1  }
0xbe: {  	_ =	sfence.sel $0xFFFF  }
0xbf: {  	[dreg:$0x0] =	wrdreg $0xFFFFFFFF;
	(pc) =	sbr.abs _section_cstart, $3  }
0xc0: {  	[dreg:$0x1] =	wrdreg $0xFFFFFFFF  }
0xc1: {  	_ =	task.clear_ibuf [dreg:s7], $0x2FFFF;
	_ =	strace $0x9FFFFFFF  }
0xc2: {  	(tm) =	ssettm $0x7FFFFFFF  }
0xc3: {  	_ =	shalt  }
tec
execute0_lowered:
.L_overlay_start_1:
0x0: {  	(tag) =	ssettag $0x1  }
0x1: {  	v0 =	vimm.s32 $0x438F;
	vm14 =	vcmask $0x300  }
0x2: {  	vm13 =	vcmask $0x704;
	vm12 =	vcmask $0xB08;
	vm11 =	vcmask $0xF0C  }
0x3: {  	vm10 =	vcmask $0x1310;
	vm9 =	vcmask $0x1714;
	vm8 =	vcmask $0x1B18  }
0x4: {  	vm7 =	vcmask $0x1F1C;
	vm6 =	vcmask $0x2320;
	vm4 =	vcmask $0x2724  }
0x5: {  	vm3 =	vcmask $0x2B28;
	v1 =	vimm.s32 $0xF;
	vm1 =	vcmask $0x2F2C  }
0x6: {  	vm2 =	vcmask $0x3330;
	vm0 =	vcmask $0x3734;
	v3 =	vimm.s32 $0xFEDCBA9  }
0x7: {  	v4 =	vimm.s32 $0x87654321;
	vm5 =	vcmask $0x3B38;
	v54 =	vimm.s32 $0x10FEDCBA  }
0x8: {  	v6 =	vimm.s32 $0x98765432;
	v7 =	vimm.s32 $0x10F;
	v59 =	vimm.s32 $0x210FEDCB  }
0x9: {  	v8 =	vimm.s32 $0x18F;
	v9 =	vimm.s32 $0xA9876543;
	v62 =	vimm.s32 $0x3210FEDC  }
0xa: {  	v63 =	vimm.s32 $0xBA987654;
	v15 =	vimm.s32 $0x20F;
	v30 =	vimm.s32 $0x43210FED  }
0xb: {  	v35 =	vimm.s32 $0x543210FE;
	v37 =	vimm.s32 $0x6543210F;
	v38 =	vimm.s32 $0xEDCBA987  }
0xc: {  	v39 =	vimm.s32 $0xFEDCBA98;
	v26 =	vimm.s32 $0x76543210;
	v42 =	vimm.s32 $0x30F  }
0xd: {  	v43 =	vimm.s32 $0x38F;
	v46 =	vimm.s32 $0x400F;
	v51 =	vimm.s32 $0x410F  }
0xe: {  	v0 =	vsel vm14, $0x0, v0;
	v1 =	vsel vm14, $0x80, v1;
	v3 =	vunpack.c.l.s4.s8 v3  }
0xf: {  	v4 =	vunpack.c.l.s4.s8 v4;
	v6 =	vunpack.c.l.s4.s8 v6;
	v55 =	vsel vm14, $0x180, v7  }
0x10: {  	v8 =	vsel vm14, $0x200, v8;
	v9 =	vunpack.c.l.s4.s8 v9;
	v26 =	vunpack.c.l.s4.s8 v26  }
0x11: {  	v44 =	vsel vm14, $0x4000, v43;
	v0 =	vsel vm13, $0x81, v0;
	v1 =	vsel vm13, $0x101, v1  }
0x12: {  	v8 =	vsel vm13, $0x281, v8;
	v0 =	vsel vm12, $0x102, v0;
	v1 =	vsel vm12, $0x182, v1  }
0x13: {  	v16 =	vunpack.c.0.s8.s32 v3;
	v3 =	vimm.s32 $0x8F;
	v17 =	vunpack.c.0.s8.s32 v4  }
0x14: {  	v19 =	vunpack.c.0.s8.s32 v6;
	v61 =	vsel vm12, $0x302, v8;
	v21 =	vunpack.c.0.s8.s32 v9  }
0x15: {  	v8 =	vunpack.c.l.s4.s8 v62;
	v9 =	vunpack.c.l.s4.s8 v63;
	v41 =	vunpack.c.0.s8.s32 v26  }
0x16: {  	v0 =	vsel vm11, $0x183, v0;
	v1 =	vsel vm11, $0x203, v1;
	v3 =	vsel vm14, $0x100, v3  }
0x17: {  	v0 =	vsel vm10, $0x204, v0;
	v1 =	vsel vm10, $0x284, v1;
	v3 =	vsel vm13, $0x181, v3  }
0x18: {  	v4 =	vcombine.low v17, v16;
	v22 =	vunpack.c.0.s8.s32 v8;
	v23 =	vunpack.c.0.s8.s32 v9  }
0x19: {  	v45 =	vcombine.low v16, v17;
	v16 =	vsel vm14, $0x4080, v46;
	v0 =	vsel vm9, $0x285, v0  }
0x1a: {  	v1 =	vsel vm9, $0x305, v1;
	v3 =	vsel vm12, $0x202, v3;
	v16 =	vsel vm13, $0x4101, v16  }
0x1b: {  	v0 =	vsel vm8, $0x306, v0;
	v1 =	vsel vm8, $0x386, v1;
	v3 =	vsel vm11, $0x283, v3  }
0x1c: {  	v9 =	vcombine.low v23, v22;
	v16 =	vsel vm12, $0x4182, v16;
	v52 =	vcombine.low v22, v23  }
0x1d: {  	v0 =	vsel vm7, $0x387, v0;
	v1 =	vsel vm7, $0x4007, v1;
	v3 =	vsel vm10, $0x304, v3  }
0x1e: {  	v16 =	vsel vm11, $0x4203, v16;
	v0 =	vsel vm6, $0x4008, v0;
	v1 =	vsel vm6, $0x4088, v1  }
0x1f: {  	v3 =	vsel vm9, $0x385, v3;
	v16 =	vsel vm10, $0x4284, v16;
	v0 =	vsel vm4, $0x4089, v0  }
0x20: {  	v5 =	vsel vm4, $0x4109, v1;
	v1 =	vand.u32 $0xF, v4;
	v3 =	vsel vm8, $0x4006, v3  }
0x21: {  	v16 =	vsel vm9, $0x4305, v16;
	v0 =	vsel vm3, $0x410A, v0;
	v5 =	vsel vm3, $0x418A, v5  }
0x22: {  	v3 =	vsel vm7, $0x4087, v3;
	v16 =	vsel vm8, $0x4386, v16;
	v2 =	vsel vm1, $0x418B, v0  }
0x23: {  	v53 =	vsel vm1, $0x420B, v5;
	v5 =	vunpack.c.l.s4.s8 v54;
	v3 =	vsel vm6, $0x4108, v3  }
0x24: {  	v16 =	vsel vm7, $0x7, v16;
	v2 =	vsel vm2, $0x420C, v2;
	v4 =	vsel vm2, $0x428C, v53  }
0x25: {  	v3 =	vsel vm4, $0x4189, v3;
	v16 =	vsel vm6, $0x88, v16;
	v53 =	vimm.s32 $0x418F  }
0x26: {  	v2 =	vsel vm0, $0x428D, v2;
	v18 =	vunpack.c.0.s8.s32 v5;
	v5 =	vsel vm13, $0x201, v55  }
0x27: {  	v4 =	vsel vm0, $0x430D, v4;
	v3 =	vsel vm3, $0x420A, v3;
	v16 =	vsel vm4, $0x109, v16  }
0x28: {  	v22 =	vsel vm14, $0x4200, v53;
	v0 =	vsel vm5, $0x430E, v2;
	v5 =	vsel vm12, $0x282, v5  }
0x29: {  	v56 =	vsel vm1, $0x428B, v3;
	v2 =	vsel vm5, $0x438E, v4;
	v16 =	vsel vm3, $0x18A, v16  }
0x2a: {  	v22 =	vsel vm13, $0x4281, v22;
	v6 =	vcombine.low v19, v18;
	v5 =	vsel vm11, $0x303, v5  }
0x2b: {  	v7 =	vsel vm2, $0x430C, v56;
	v48 =	vsel vm1, $0x20B, v16;
	v49 =	vcombine.low v18, v19  }
0x2c: {  	v22 =	vsel vm12, $0x4302, v22;
	v5 =	vsel vm10, $0x384, v5;
	v57 =	vsel vm0, $0x438D, v7  }
0x2d: {  	[tilespmem:$0x1FE30] =	vst v2;
	v22 =	vsel vm11, $0x4383, v22;
	v2 =	vmovc v0;
	v0 =	vand.u32 $0xF, v6;
	v58 =	vsel vm9, $0x4005, v5  }
0x2e: {  	v6 =	vunpack.c.l.s4.s8 v59;
	v22 =	vsel vm10, $0x4, v22;
	[tilespmem:$0x1FE40] =	vst v0;
	v0 =	vsel vm5, $0xE, v57  }
0x2f: {  	v7 =	vsel vm8, $0x4086, v58;
	v22 =	vsel vm9, $0x85, v22;
	v57 =	vimm.s32 $0x420F  }
0x30: {  	v7 =	vsel vm7, $0x4107, v7;
	v20 =	vunpack.c.0.s8.s32 v6;
	v22 =	vsel vm8, $0x106, v22  }
0x31: {  	v58 =	vsel vm14, $0x4280, v57;
	v7 =	vsel vm6, $0x4188, v7;
	v22 =	vsel vm7, $0x187, v22  }
0x32: {  	v7 =	vsel vm4, $0x4209, v7;
	v10 =	vcombine.low v21, v20;
	v50 =	vcombine.low v20, v21  }
0x33: {  	v21 =	vsel vm14, $0x4180, v51;
	v60 =	vsel vm3, $0x428A, v7;
	v7 =	vsel vm11, $0x383, v61  }
0x34: {  	v22 =	vsel vm6, $0x208, v22;
	v6 =	vsel vm1, $0x430B, v60;
	v7 =	vsel vm10, $0x4004, v7  }
0x35: {  	v21 =	vsel vm13, $0x4201, v21;
	v7 =	vsel vm9, $0x4085, v7;
	v11 =	vsel vm2, $0x438C, v6  }
0x36: {  	[tilespmem:$0x1FE50] =	vst v0;
	v0 =	vand.u32 $0xF, v10;
	v12 =	vsel vm8, $0x4106, v7;
	v13 =	vsel vm0, $0xD, v11  }
0x37: {  	[tilespmem:$0x1FE60] =	vst v0;
	v11 =	vsel vm14, $0x280, v15;
	v7 =	vsel vm7, $0x4187, v12;
	v0 =	vsel vm5, $0x8E, v13  }
0x38: {  	v29 =	vsel vm13, $0x301, v11;
	v11 =	vunpack.c.l.s4.s8 v30;
	v12 =	vimm.s32 $0x28F  }
0x39: {  	v13 =	vimm.s32 $0xCBA98765;
	v7 =	vsel vm6, $0x4208, v7;
	[tilespmem:$0x1FE70] =	vst v0;
	v0 =	vand.u32 $0xF, v9  }
0x3a: {  	v12 =	vsel vm14, $0x300, v12;
	v13 =	vunpack.c.l.s4.s8 v13;
	v14 =	vsel vm4, $0x4289, v7  }
0x3b: {  	v12 =	vsel vm13, $0x381, v12;
	v24 =	vunpack.c.0.s8.s32 v11;
	v10 =	vsel vm3, $0x430A, v14  }
0x3c: {  	v31 =	vsel vm12, $0x4002, v12;
	v25 =	vunpack.c.0.s8.s32 v13;
	v13 =	vunpack.c.l.s4.s8 v35  }
0x3d: {  	v14 =	vimm.s32 $0xDCBA9876;
	v28 =	vsel vm1, $0x438B, v10;
	v10 =	vsel vm12, $0x382, v29  }
0x3e: {  	v11 =	vsel vm11, $0x4083, v31;
	v14 =	vunpack.c.l.s4.s8 v14;
	v10 =	vsel vm11, $0x4003, v10  }
0x3f: {  	v9 =	vsel vm2, $0xC, v28;
	v11 =	vsel vm10, $0x4104, v11;
	v10 =	vsel vm10, $0x4084, v10  }
0x40: {  	v32 =	vcombine.low v25, v24;
	v27 =	vunpack.c.0.s8.s32 v13;
	v10 =	vsel vm9, $0x4105, v10  }
0x41: {  	v13 =	vunpack.c.l.s4.s8 v37;
	v11 =	vsel vm9, $0x4185, v11;
	v10 =	vsel vm8, $0x4186, v10  }
0x42: {  	v9 =	vsel vm0, $0x8D, v9;
	v11 =	vsel vm8, $0x4206, v11;
	v10 =	vsel vm7, $0x4207, v10  }
0x43: {  	v28 =	vunpack.c.0.s8.s32 v14;
	v11 =	vsel vm7, $0x4287, v11;
	v10 =	vsel vm6, $0x4288, v10  }
0x44: {  	v14 =	vunpack.c.l.s4.s8 v38;
	v11 =	vsel vm6, $0x4308, v11;
	v10 =	vsel vm4, $0x4309, v10  }
0x45: {  	[tilespmem:$0x1FE80] =	vst v0;
	v0 =	vsel vm5, $0x10E, v9;
	v11 =	vsel vm4, $0x4389, v11;
	v33 =	vsel vm3, $0x438A, v10  }
0x46: {  	v31 =	vunpack.c.0.s8.s32 v13;
	v15 =	vsel vm3, $0xA, v11;
	v34 =	vsel vm1, $0xB, v33  }
0x47: {  	v36 =	vsel vm1, $0x8B, v15;
	v15 =	vunpack.c.l.s4.s8 v39;
	v12 =	vsel vm2, $0x8C, v34  }
0x48: {  	[tilespmem:$0x1FE90] =	vst v0;
	v0 =	vand.u32 $0xF, v32;
	v29 =	vcombine.low v28, v27;
	v12 =	vsel vm0, $0x10D, v12  }
0x49: {  	[tilespmem:$0x1FEA0] =	vst v0;
	v40 =	vunpack.c.0.s8.s32 v15;
	v0 =	vsel vm5, $0x18E, v12;
	v12 =	vsel vm2, $0x10C, v36  }
0x4a: {  	v32 =	vunpack.c.0.s8.s32 v14;
	[tilespmem:$0x1FEB0] =	vst v0;
	v30 =	vsel vm0, $0x18D, v12;
	v0 =	vand.u32 $0xF, v29  }
0x4b: {  	v22 =	vsel vm4, $0x289, v22;
	v14 =	vand.u32 $0xF, v40;
	[tilespmem:$0x1FEC0] =	vst v0;
	v0 =	vsel vm5, $0x20E, v30  }
0x4c: {  	v61 =	vimm.s32 $0x430F;
	v26 =	vcombine.low v32, v31;
	[tilespmem:$0x1FED0] =	vst v0;
	v0 =	vcombine.low v14, v41  }
0x4d: {  	v21 =	vsel vm12, $0x4282, v21;
	v22 =	vsel vm3, $0x30A, v22;
	v29 =	vsel vm14, $0x380, v42  }
0x4e: {  	v21 =	vsel vm11, $0x4303, v21;
	[tilespmem:$0x1FEE0] =	vst v0;
	v0 =	vand.u32 $0xF, v26;
	v26 =	vsel vm13, $0x4001, v29  }
0x4f: {  	v21 =	vsel vm10, $0x4384, v21;
	v29 =	vsel vm13, $0x4081, v44;
	v47 =	vsel vm12, $0x4082, v26  }
0x50: {  	v21 =	vsel vm9, $0x5, v21;
	v26 =	vsel vm12, $0x4102, v29;
	v17 =	vsel vm11, $0x4103, v47  }
0x51: {  	v21 =	vsel vm8, $0x86, v21;
	v26 =	vsel vm11, $0x4183, v26;
	v17 =	vsel vm10, $0x4184, v17  }
0x52: {  	v21 =	vsel vm7, $0x107, v21;
	v26 =	vsel vm10, $0x4204, v26;
	v17 =	vsel vm9, $0x4205, v17  }
0x53: {  	v21 =	vsel vm6, $0x188, v21;
	v26 =	vsel vm9, $0x4285, v26;
	v17 =	vsel vm8, $0x4286, v17  }
0x54: {  	v21 =	vsel vm4, $0x209, v21;
	v26 =	vsel vm8, $0x4306, v26;
	v17 =	vsel vm7, $0x4307, v17  }
0x55: {  	v21 =	vsel vm3, $0x28A, v21;
	v26 =	vsel vm7, $0x4387, v26;
	v17 =	vsel vm6, $0x4388, v17  }
0x56: {  	v56 =	vcombine.low v24, v25;
	v26 =	vsel vm6, $0x8, v26;
	v17 =	vsel vm4, $0x9, v17  }
0x57: {  	v21 =	vsel vm1, $0x30B, v21;
	v26 =	vsel vm4, $0x89, v26;
	v17 =	vsel vm3, $0x8A, v17  }
0x58: {  	v28 =	vcombine.low v27, v28;
	v26 =	vsel vm3, $0x10A, v26;
	v17 =	vsel vm1, $0x10B, v17  }
0x59: {  	v27 =	vimm.s32 $0x428F;
	v26 =	vsel vm1, $0x18B, v26;
	v17 =	vsel vm2, $0x18C, v17  }
0x5a: {  	v27 =	vsel vm14, $0x4300, v27;
	v26 =	vsel vm2, $0x20C, v26;
	v17 =	vsel vm0, $0x20D, v17  }
0x5b: {  	v59 =	vcombine.low v31, v32;
	[tilespmem:$0x1FEF0] =	vst v0;
	v26 =	vsel vm0, $0x28D, v26;
	v0 =	vsel vm5, $0x28E, v17  }
0x5c: {  	v31 =	vsel vm14, $0x4380, v61;
	[tilespmem:$0x1FF00] =	vst v0;
	v0 =	vsel vm5, $0x30E, v26;
	v26 =	vsel vm2, $0x28C, v48  }
0x5d: {  	v33 =	vimm.s32 $0x408F;
	[tilespmem:$0x1FF10] =	vst v0;
	v26 =	vsel vm0, $0x30D, v26;
	v0 =	vand.u32 $0xF, v45  }
0x5e: {  	v27 =	vsel vm13, $0x4381, v27;
	[tilespmem:$0x1FF20] =	vst v0;
	v0 =	vsel vm5, $0x38E, v26;
	v26 =	vsel vm14, $0x4100, v33  }
0x5f: {  	v24 =	vand.u32 $0xF, v28;
	v31 =	vsel vm13, $0x1, v31;
	v26 =	vsel vm13, $0x4181, v26  }
0x60: {  	v27 =	vsel vm12, $0x2, v27;
	v31 =	vsel vm12, $0x82, v31;
	v26 =	vsel vm12, $0x4202, v26  }
0x61: {  	v27 =	vsel vm11, $0x83, v27;
	v31 =	vsel vm11, $0x103, v31;
	v54 =	vsel vm11, $0x4283, v26  }
0x62: {  	v27 =	vsel vm10, $0x104, v27;
	v31 =	vsel vm10, $0x184, v31;
	v23 =	vsel vm10, $0x4304, v54  }
0x63: {  	v27 =	vsel vm9, $0x185, v27;
	v31 =	vsel vm9, $0x205, v31;
	v23 =	vsel vm9, $0x4385, v23  }
0x64: {  	v27 =	vsel vm8, $0x206, v27;
	v29 =	vsel vm13, $0x4301, v58;
	v23 =	vsel vm8, $0x6, v23  }
0x65: {  	v31 =	vsel vm8, $0x286, v31;
	v29 =	vsel vm12, $0x4382, v29;
	v23 =	vsel vm7, $0x87, v23  }
0x66: {  	v27 =	vsel vm7, $0x287, v27;
	v29 =	vsel vm11, $0x3, v29;
	v23 =	vsel vm6, $0x108, v23  }
0x67: {  	v31 =	vsel vm7, $0x307, v31;
	v29 =	vsel vm10, $0x84, v29;
	v23 =	vsel vm4, $0x189, v23  }
0x68: {  	v27 =	vsel vm6, $0x308, v27;
	v29 =	vsel vm9, $0x105, v29;
	v23 =	vsel vm3, $0x20A, v23  }
0x69: {  	v31 =	vsel vm6, $0x388, v31;
	v29 =	vsel vm8, $0x186, v29;
	v23 =	vsel vm1, $0x28B, v23  }
0x6a: {  	s0 =	rddreg [dreg:$0x0];
	v27 =	vsel vm4, $0x389, v27;
	v29 =	vsel vm7, $0x207, v29;
	v23 =	vsel vm2, $0x30C, v23  }
0x6b: {  	s1 =	rddreg [dreg:$0x1];
	v29 =	vsel vm6, $0x288, v29;
	[tilespmem:$0x1FF30] =	vst v0;
	v0 =	vand.u32 $0xF, v49;
	v23 =	vsel vm0, $0x38D, v23  }
0x6c: {  	s2 =	srdreg.scid;
	s4 =	stileid.u32;
	v29 =	vsel vm4, $0x309, v29;
	[tilespmem:$0x1FF40] =	vst v0;
	v26 =	vsel vm2, $0x38C, v21;
	v0 =	vsel vm5, $0x400E, v23  }
0x6d: {  	s3 =	simm.s32 $0x0;
	s14 =	simm.s32 $0x4680;
	s15 =	simm.s32 $0x1;
	v55 =	vsel vm0, $0x400D, v26;
	v26 =	vsel vm1, $0x38B, v22;
	[tilespmem:$0x1FF50] =	vst v0;
	v0 =	vand.u32 $0xF, v50  }
0x6e: {  	s16 =	simm.s32 $0x4E80;
	s17 =	simm.s32 $0x8E80;
	s18 =	simm.s32 $0x2;
	v29 =	vsel vm3, $0x38A, v29;
	v26 =	vsel vm2, $0x400C, v26;
	[tilespmem:$0x1FF60] =	vst v0;
	v0 =	vsel vm5, $0x408E, v55  }
0x6f: {  	s19 =	simm.s32 $0xCE80;
	s20 =	simm.s32 $0x10E80;
	s23 =	simm.s32 $0x5;
	v29 =	vsel vm1, $0x400B, v29;
	v26 =	vsel vm0, $0x408D, v26;
	[tilespmem:$0x1FF70] =	vst v0;
	v0 =	vand.u32 $0xF, v52  }
0x70: {  	s24 =	simm.s32 $0x6;
	s2 =	sand.u32 $0x1, s2;
	s4 =	sshll.u32 s4, $0x1;
	v31 =	vsel vm4, $0x4009, v31;
	v29 =	vsel vm2, $0x408C, v29;
	[tilespmem:$0x1FF80] =	vst v0;
	v0 =	vsel vm5, $0x410E, v26  }
0x71: {  	[smem:$0x7FF] =	sst s3;
	s5 =	sor.u32 s2, s4;
	s4 =	sadd.s32 $0xC00, s0;
	v31 =	vsel vm3, $0x408A, v31;
	v29 =	vsel vm0, $0x410D, v29;
	[tilespmem:$0x1FF90] =	vst v0;
	v0 =	vand.u32 $0xF, v56  }
0x72: {  	s2 =	ssub.s32 $0x2, s2;
	s0 =	sadd.s32 $0x400, s0;
	s6 =	smul.u32 $0x3200, s5;
	v27 =	vsel vm3, $0x400A, v27;
	v31 =	vsel vm1, $0x410B, v31;
	[tilespmem:$0x1FFA0] =	vst v0;
	v0 =	vsel vm5, $0x418E, v29  }
.Ltmp0:
0x73: {  	s7 =	sshrl.u32 s2, $0x1;
	v62 =	vsel vm1, $0x408B, v27;
	v31 =	vsel vm2, $0x418C, v31;
	_ =	strace $0x80000047;
	[tilespmem:$0x1FFB0] =	vst v0;
	(pc) =	sbr.rel .LBB2_1-.Ltmp0, $4  }
0x74: {  	s5 =	smul.u32 $0x32, s5;
	s31 =	sadd.s32 s4, s6;
	v63 =	vsel vm2, $0x410C, v62;
	v62 =	vand.u32 $0xF, v59;
	v31 =	vsel vm0, $0x420D, v31;
	[dreg:$0x3] =	wrdreg s0;
	[tilespmem:$0x1FFC0] =	vst v24  }
0x75: {  	s30 =	ssub.s32 s2, s7;
	s2 =	sadd.s32 $0x100, s31;
	v29 =	vsel vm0, $0x418D, v63;
	v63 =	vsel vm5, $0x428E, v31;
	[dreg:$0x4] =	wrdreg s31;
	[tilespmem:$0x1FFE0] =	vst v62  }
0x76: {  	s25 =	simm.s32 $0x0;
	[dreg:$0x5] =	wrdreg s2;
	s0 =	smax.u32 s30, $0x1;
	v61 =	vsel vm5, $0x420E, v29;
	[tilespmem:$0x1FFF0] =	vst v63  }
0x77: {  	s9 =	sadd.s32 $0x2, s5;
	s10 =	sadd.s32 $0x3, s5;
	[dreg:$0x6] =	wrdreg s0;
	[tilespmem:$0x1FFD0] =	vst v61;
	v0 =	vmov v2  }
.LBB2_11:
0x78: {  	s0 =	simm.s32 $0x3  }
0x79: {  	_ =	swait.ge [sflag:s0], $0x4000  }
0x7a: {  	[sflag:s0] =	ssyncset.done $0x0  }
0x7b: {  	s30 =	simm.s32 $0x4;
	[sflag:s0] =	ssyncadd.s32 $0xFFFFC000  }
0x7c: {  	_ =	swait.ge [sflag:s30], $0x4000  }
0x7d: {  	[sflag:s30] =	ssyncset.done $0x0  }
0x7e: {  	[sflag:s30] =	ssyncadd.s32 $0xFFFFC000  }
0x7f: {  	_ =	swait.ge [sflag:s23], $0x4000  }
0x80: {  	[sflag:s23] =	ssyncset.done $0x0  }
0x81: {  	[sflag:s23] =	ssyncadd.s32 $0xFFFFC000  }
0x82: {  	_ =	swait.ge [sflag:s24], $0x4000  }
0x83: {  	s25 =	sadd.s32 $0x1, s25;
	s31 =	rddreg [dreg:$0x6]  }
0x84: {  	p0 =	sne.s32 s25, s31  }
.Ltmp1:
0x85: {  	_ = 	snop;
	(pc) =	sbr.rel @!p0 .LBB2_12-.Ltmp1, $3  }
0x86: {  	_ =	sdelay $0x1  }
0x87: {  	[sflag:s24] =	ssyncset.done $0x0  }
0x88: {  	v0 =	vmov v4;
	[sflag:s24] =	ssyncadd.s32 $0xFFFFC000  }
.LBB2_1:
0x89: {  	s0 =	rddreg [dreg:$0x3];
	s29 =	simm.s32 $0x7  }
0x8a: {  	[tilespmem:s3], [sflag:$0x7] =	stream.linear.gather [hbm4b:s0+s3], $0x3E80, $0x38;
	[tilespmem:$0x14E80] =	vst v63  }
0x8b: {  	_ =	swait.ge [sflag:s29], $0x3E80  }
0x8c: {  	[sflag:s29] =	ssyncset.done $0x0  }
0x8d: {  	s2 =	simm.s32 $0x3E80;
	s30 =	rddreg [dreg:$0x4];
	[sflag:s29] =	ssyncadd.s32 $0xFFFFC180  }
0x8e: {  	[tilespmem:s2], [sflag:$0x1] =	stream.linear.gather [hbm4b:s30+s3], $0x800, $0x38;
	[tilespmem:$0x14E80] =	vst v63  }
0x8f: {  	s26 =	simm.s32 $0x0;
	s31 =	rddreg [dreg:$0x5]  }
0x90: {  	[tilespmem:s14], [sflag:$0x2] =	stream.linear.gather [hbm4b:s31+s3], $0x800, $0x38;
	[tilespmem:$0x14E80] =	vst v63  }
.LBB2_2:
0x91: {  	p0 =	seq.s32 s26, $0x0  }
0x92: {  	s0 =	simm.s32 @!p0 $0x3  }
0x93: {  	_ =	swait.ge @!p0 [sflag:s0], $0x4000  }
0x94: {  	[sflag:s0] =	ssyncset.done @!p0 $0x0  }
0x95: {  	[sflag:s0] =	ssyncadd.s32 @!p0 $0xFFFFC000;
	s0 =	simm.s32 @!p0 $0x4  }
0x96: {  	_ =	swait.ge @!p0 [sflag:s0], $0x4000  }
0x97: {  	[sflag:s0] =	ssyncset.done @!p0 $0x0  }
0x98: {  	[sflag:s0] =	ssyncadd.s32 @!p0 $0xFFFFC000  }
0x99: {  	_ =	swait.ge [sflag:s15], $0x800  }
0x9a: {  	[sflag:s15] =	ssyncset.done $0x0  }
0x9b: {  	s7 =	simm.s32 $0x3E90;
	[sflag:s15] =	ssyncadd.s32 $0xFFFFF800  }
0x9c: {  	v32 =	vld [tilespmem:s7+$0x0];
	_ =	sdelay $0x4  }
0x9d: {  	v16 =	vlaneseq.u32;
	v33 =	vld [tilespmem:s7+$0xFFFFFFF0];
	v35 =	vshll.u32 v32, $0x4  }
0x9e: {  	s8 =	simm.s32 $0x0;
	v32 =	vor.u32 v16, v35  }
0x9f: {  	s0 =	smul.u32 $0x380, s8;
	_ =	sdelay $0x1  }
0xa0: {  	s13 =	sadd.s32 $0x0, s0  }
0xa1: {  	s31 =	sadd.s32 $0x10, s13;
	v37 =	vshll.u32 v33, $0x4  }
0xa2: {  	v34 =	vadd.s32 s31, v0;
	v33 =	vor.u32 v16, v37;
	v32 =	vld.idx.msk [tilespmem:v32+s3+$0x0], $0xffff;
	_ =	sdelay $0x4  }
0xa3: {  	v38 =	vadd.s32 s13, v0;
	v36 =	vor.u32 v1, v35;
	v33 =	vld.idx.msk [tilespmem:v33+s3+$0x0], $0xffff;
	[tilespmem:v34+s16+$0x0] =	vst.idx.msk $0xffff, v32  }
0xa4: {  	v2 =	vld [tilespmem:$0x1FE30];
	_ =	sdelay $0x3  }
0xa5: {  	v34 =	vld.idx.msk [tilespmem:v36+s3+$0x0], $0xffff;
	[tilespmem:v38+s16+$0x0] =	vst.idx.msk $0xffff, v33  }
0xa6: {  	v39 =	vor.u32 v1, v37;
	v4 =	vld [tilespmem:$0x1FE40];
	v59 =	vadd.s32 s31, v2;
	_ =	sdelay $0x4  }
0xa7: {  	v61 =	vld.idx.msk [tilespmem:v39+s3+$0x0], $0xffff;
	v62 =	vadd.s32 s13, v2;
	v60 =	vor.u32 v4, v35;
	[tilespmem:v59+s16+$0x0] =	vst.idx.msk $0xffff, v34  }
0xa8: {  	v5 =	vld [tilespmem:$0x1FE50];
	_ =	sdelay $0x3  }
0xa9: {  	v32 =	vld.idx.msk [tilespmem:v60+s3+$0x0], $0xffff;
	[tilespmem:v62+s16+$0x0] =	vst.idx.msk $0xffff, v61  }
0xaa: {  	v63 =	vor.u32 v4, v37;
	v6 =	vld [tilespmem:$0x1FE60];
	v44 =	vadd.s32 s31, v5;
	_ =	sdelay $0x4  }
0xab: {  	v36 =	vld.idx.msk [tilespmem:v63+s3+$0x0], $0xffff;
	v46 =	vadd.s32 s13, v5;
	v45 =	vor.u32 v6, v35;
	[tilespmem:v44+s16+$0x0] =	vst.idx.msk $0xffff, v32  }
0xac: {  	v7 =	vld [tilespmem:$0x1FE70];
	_ =	sdelay $0x1  }
0xad: {  	s11 =	simm.s32 $0x3EB0  }
0xae: {  	v40 =	vld [tilespmem:s11+$0x0]  }
0xaf: {  	v49 =	vld.idx.msk [tilespmem:v45+s3+$0x0], $0xffff;
	[tilespmem:v46+s16+$0x0] =	vst.idx.msk $0xffff, v36  }
0xb0: {  	v47 =	vor.u32 v6, v37;
	v8 =	vld [tilespmem:$0x1FE80];
	v41 =	vadd.s32 s31, v7;
	_ =	sdelay $0x2  }
0xb1: {  	v32 =	vshll.u32 v40, $0x4  }
0xb2: {  	v42 =	vor.u32 v16, v32  }
0xb3: {  	s12 =	simm.s32 $0x0;
	v38 =	vld.idx.msk [tilespmem:v47+s3+$0x0], $0xffff;
	v51 =	vadd.s32 s13, v7;
	v50 =	vor.u32 v8, v35;
	[tilespmem:v41+s16+$0x0] =	vst.idx.msk $0xffff, v49  }
0xb4: {  	s0 =	smul.u32 $0x380, s12;
	v9 =	vld [tilespmem:$0x1FE90]  }
0xb5: {  	v43 =	vor.u32 v8, v37  }
0xb6: {  	v48 =	vld [tilespmem:s11+$0xFFFFFFF0];
	s30 =	sadd.s32 $0x20, s0  }
0xb7: {  	s29 =	sadd.s32 $0x10, s30;
	v52 =	vld.idx.msk [tilespmem:v42+s3+$0x0], $0xffff  }
0xb8: {  	v53 =	vadd.s32 s29, v0;
	v36 =	vld.idx.msk [tilespmem:v50+s3+$0x0], $0xffff;
	[tilespmem:v51+s16+$0x0] =	vst.idx.msk $0xffff, v38  }
0xb9: {  	v15 =	vld [tilespmem:$0x1FEA0];
	v54 =	vadd.s32 s31, v9  }
0xba: {  	v39 =	vld.idx.msk [tilespmem:v43+s3+$0x0], $0xffff;
	v56 =	vadd.s32 s13, v9;
	_ =	sdelay $0x1  }
0xbb: {  	v34 =	vshll.u32 v48, $0x4  }
0xbc: {  	v33 =	vor.u32 v16, v34;
	[tilespmem:v53+s16+$0x0] =	vst.idx.msk $0xffff, v52  }
0xbd: {  	v44 =	vor.u32 v1, v32;
	[tilespmem:v54+s16+$0x0] =	vst.idx.msk $0xffff, v36  }
0xbe: {  	v55 =	vor.u32 v15, v35;
	[tilespmem:v56+s16+$0x0] =	vst.idx.msk $0xffff, v39  }
0xbf: {  	v45 =	vor.u32 v15, v37;
	v10 =	vld [tilespmem:$0x1FEB0];
	_ =	sdelay $0x1  }
0xc0: {  	v33 =	vld.idx.msk [tilespmem:v33+s3+$0x0], $0xffff  }
0xc1: {  	v57 =	vadd.s32 s30, v0;
	v59 =	vld.idx.msk [tilespmem:v44+s3+$0x0], $0xffff  }
0xc2: {  	v58 =	vadd.s32 s29, v2;
	v38 =	vld.idx.msk [tilespmem:v55+s3+$0x0], $0xffff  }
0xc3: {  	v43 =	vld.idx.msk [tilespmem:v45+s3+$0x0], $0xffff;
	v62 =	vadd.s32 s31, v10  }
0xc4: {  	v11 =	vld [tilespmem:$0x1FEC0];
	v63 =	vadd.s32 s13, v10;
	_ =	sdelay $0x1  }
0xc5: {  	[tilespmem:v57+s16+$0x0] =	vst.idx.msk $0xffff, v33  }
0xc6: {  	v60 =	vor.u32 v1, v34;
	[tilespmem:v58+s16+$0x0] =	vst.idx.msk $0xffff, v59  }
0xc7: {  	v61 =	vor.u32 v4, v32;
	[tilespmem:v62+s16+$0x0] =	vst.idx.msk $0xffff, v38  }
0xc8: {  	v46 =	vor.u32 v11, v35;
	[tilespmem:v63+s16+$0x0] =	vst.idx.msk $0xffff, v43  }
0xc9: {  	v47 =	vor.u32 v11, v37;
	v12 =	vld [tilespmem:$0x1FED0];
	_ =	sdelay $0x1  }
0xca: {  	v33 =	vld.idx.msk [tilespmem:v60+s3+$0x0], $0xffff  }
0xcb: {  	v50 =	vadd.s32 s30, v2;
	v51 =	vld.idx.msk [tilespmem:v61+s3+$0x0], $0xffff  }
0xcc: {  	v52 =	vadd.s32 s29, v5;
	v55 =	vld.idx.msk [tilespmem:v46+s3+$0x0], $0xffff  }
0xcd: {  	v57 =	vld.idx.msk [tilespmem:v47+s3+$0x0], $0xffff;
	v56 =	vadd.s32 s31, v12  }
0xce: {  	v13 =	vld [tilespmem:$0x1FEF0];
	v58 =	vadd.s32 s13, v12;
	_ =	sdelay $0x1  }
0xcf: {  	[tilespmem:v50+s16+$0x0] =	vst.idx.msk $0xffff, v33  }
0xd0: {  	v53 =	vor.u32 v4, v34;
	[tilespmem:v52+s16+$0x0] =	vst.idx.msk $0xffff, v51  }
0xd1: {  	v54 =	vor.u32 v6, v32;
	[tilespmem:v56+s16+$0x0] =	vst.idx.msk $0xffff, v55  }
0xd2: {  	v59 =	vor.u32 v13, v35;
	[tilespmem:v58+s16+$0x0] =	vst.idx.msk $0xffff, v57  }
0xd3: {  	s21 =	simm.s32 $0x3ED0;
	v60 =	vor.u32 v13, v37;
	v20 =	vld [tilespmem:$0x1FF00]  }
0xd4: {  	v48 =	vld [tilespmem:s21+$0x0]  }
0xd5: {  	v38 =	vld.idx.msk [tilespmem:v53+s3+$0x0], $0xffff  }
0xd6: {  	v62 =	vadd.s32 s30, v5;
	v39 =	vld.idx.msk [tilespmem:v54+s3+$0x0], $0xffff  }
0xd7: {  	v54 =	vadd.s32 s29, v7;
	v43 =	vld.idx.msk [tilespmem:v59+s3+$0x0], $0xffff  }
0xd8: {  	v45 =	vld.idx.msk [tilespmem:v60+s3+$0x0], $0xffff;
	v56 =	vadd.s32 s31, v20  }
0xd9: {  	v21 =	vld [tilespmem:$0x1FEE0];
	v57 =	vadd.s32 s13, v20  }
0xda: {  	v33 =	vshll.u32 v48, $0x4  }
0xdb: {  	v63 =	vor.u32 v16, v33;
	[tilespmem:v62+s16+$0x0] =	vst.idx.msk $0xffff, v38  }
0xdc: {  	s22 =	simm.s32 $0x0;
	v49 =	vor.u32 v6, v34;
	[tilespmem:v54+s16+$0x0] =	vst.idx.msk $0xffff, v39  }
0xdd: {  	s0 =	smul.u32 $0x380, s22;
	v61 =	vld [tilespmem:s21+$0xFFFFFFF0];
	v55 =	vor.u32 v8, v32;
	[tilespmem:v56+s16+$0x0] =	vst.idx.msk $0xffff, v43  }
0xde: {  	v58 =	vor.u32 v21, v35;
	[tilespmem:v57+s16+$0x0] =	vst.idx.msk $0xffff, v45  }
0xdf: {  	s0 =	sadd.s32 $0x40, s0;
	v50 =	vor.u32 v21, v37;
	v22 =	vld [tilespmem:$0x1FF10]  }
0xe0: {  	s2 =	sadd.s32 $0x10, s0;
	v38 =	vld.idx.msk [tilespmem:v63+s3+$0x0], $0xffff  }
0xe1: {  	v59 =	vadd.s32 s2, v0;
	v60 =	vld.idx.msk [tilespmem:v49+s3+$0x0], $0xffff  }
0xe2: {  	v36 =	vshll.u32 v61, $0x4;
	v61 =	vadd.s32 s30, v7;
	v42 =	vld.idx.msk [tilespmem:v55+s3+$0x0], $0xffff  }
0xe3: {  	v63 =	vadd.s32 s29, v9;
	v44 =	vld.idx.msk [tilespmem:v58+s3+$0x0], $0xffff  }
0xe4: {  	v46 =	vld.idx.msk [tilespmem:v50+s3+$0x0], $0xffff;
	v56 =	vadd.s32 s31, v22  }
0xe5: {  	v51 =	vor.u32 v16, v36;
	v3 =	vld [tilespmem:$0x1FF20];
	v57 =	vadd.s32 s13, v22  }
0xe6: {  	[tilespmem:v59+s16+$0x0] =	vst.idx.msk $0xffff, v38  }
0xe7: {  	v62 =	vor.u32 v1, v33;
	[tilespmem:v61+s16+$0x0] =	vst.idx.msk $0xffff, v60  }
0xe8: {  	v52 =	vor.u32 v8, v34;
	[tilespmem:v63+s16+$0x0] =	vst.idx.msk $0xffff, v42  }
0xe9: {  	v43 =	vor.u32 v15, v32;
	[tilespmem:v56+s16+$0x0] =	vst.idx.msk $0xffff, v44  }
0xea: {  	v51 =	vld.idx.msk [tilespmem:v51+s3+$0x0], $0xffff;
	v58 =	vor.u32 v3, v35;
	[tilespmem:v57+s16+$0x0] =	vst.idx.msk $0xffff, v46  }
0xeb: {  	v59 =	vor.u32 v3, v37;
	v23 =	vld [tilespmem:$0x1FF30]  }
0xec: {  	v40 =	vadd.s32 s2, v2;
	v60 =	vld.idx.msk [tilespmem:v62+s3+$0x0], $0xffff  }
0xed: {  	v61 =	vadd.s32 s30, v9;
	v41 =	vld.idx.msk [tilespmem:v52+s3+$0x0], $0xffff  }
0xee: {  	v63 =	vadd.s32 s0, v0;
	v43 =	vld.idx.msk [tilespmem:v43+s3+$0x0], $0xffff  }
0xef: {  	v54 =	vadd.s32 s29, v10;
	v45 =	vld.idx.msk [tilespmem:v58+s3+$0x0], $0xffff  }
0xf0: {  	v38 =	vld.idx.msk [tilespmem:v59+s3+$0x0], $0xffff;
	v57 =	vadd.s32 s31, v23  }
0xf1: {  	v62 =	vor.u32 v4, v33;
	v25 =	vld [tilespmem:$0x1FF40];
	[tilespmem:v40+s16+$0x0] =	vst.idx.msk $0xffff, v60;
	v58 =	vadd.s32 s13, v23  }
0xf2: {  	[tilespmem:v61+s16+$0x0] =	vst.idx.msk $0xffff, v41  }
0xf3: {  	[tilespmem:v63+s16+$0x0] =	vst.idx.msk $0xffff, v51  }
0xf4: {  	v49 =	vor.u32 v15, v34;
	[tilespmem:v54+s16+$0x0] =	vst.idx.msk $0xffff, v43  }
0xf5: {  	v44 =	vor.u32 v1, v36;
	[tilespmem:v57+s16+$0x0] =	vst.idx.msk $0xffff, v45  }
0xf6: {  	v61 =	vadd.s32 s2, v5;
	v40 =	vld.idx.msk [tilespmem:v62+s3+$0x0], $0xffff;
	v59 =	vor.u32 v25, v35;
	[tilespmem:v58+s16+$0x0] =	vst.idx.msk $0xffff, v38  }
0xf7: {  	v26 =	vld [tilespmem:$0x1FF50]  }
0xf8: {  	v60 =	vor.u32 v25, v37  }
0xf9: {  	v63 =	vld.idx.msk [tilespmem:v49+s3+$0x0], $0xffff  }
0xfa: {  	v56 =	vadd.s32 s30, v10;
	v44 =	vld.idx.msk [tilespmem:v44+s3+$0x0], $0xffff  }
0xfb: {  	v57 =	vadd.s32 s0, v2;
	v38 =	vld.idx.msk [tilespmem:v59+s3+$0x0], $0xffff;
	[tilespmem:v61+s16+$0x0] =	vst.idx.msk $0xffff, v40  }
0xfc: {  	v55 =	vor.u32 v6, v33;
	v27 =	vld [tilespmem:$0x1FF60];
	v47 =	vadd.s32 s31, v26  }
0xfd: {  	v62 =	vor.u32 v11, v32;
	v39 =	vld.idx.msk [tilespmem:v60+s3+$0x0], $0xffff;
	v60 =	vadd.s32 s13, v26  }
0xfe: {  	s11 =	simm.s32 $0x3EF0  }
0xff: {  	v53 =	vld [tilespmem:s11+$0x0];
	v58 =	vor.u32 v11, v34;
	[tilespmem:v56+s16+$0x0] =	vst.idx.msk $0xffff, v63  }
0x100: {  	v51 =	vld [tilespmem:s11+$0xFFFFFFF0];
	v59 =	vor.u32 v4, v36;
	[tilespmem:v57+s16+$0x0] =	vst.idx.msk $0xffff, v44  }
0x101: {  	v50 =	vadd.s32 s2, v7;
	v49 =	vld.idx.msk [tilespmem:v55+s3+$0x0], $0xffff;
	v61 =	vor.u32 v27, v35;
	[tilespmem:v47+s16+$0x0] =	vst.idx.msk $0xffff, v38  }
0x102: {  	v54 =	vor.u32 v8, v33;
	v40 =	vld.idx.msk [tilespmem:v62+s3+$0x0], $0xffff;
	v63 =	vadd.s32 s29, v12;
	[tilespmem:v60+s16+$0x0] =	vst.idx.msk $0xffff, v39  }
0x103: {  	v28 =	vld [tilespmem:$0x1FF70]  }
0x104: {  	v44 =	vld.idx.msk [tilespmem:v58+s3+$0x0], $0xffff;
	v62 =	vor.u32 v27, v37  }
0x105: {  	v45 =	vadd.s32 s30, v12;
	v43 =	vld.idx.msk [tilespmem:v59+s3+$0x0], $0xffff  }
0x106: {  	v56 =	vadd.s32 s0, v5;
	v41 =	vld.idx.msk [tilespmem:v61+s3+$0x0], $0xffff;
	[tilespmem:v50+s16+$0x0] =	vst.idx.msk $0xffff, v49  }
0x107: {  	v46 =	vor.u32 v13, v32;
	v39 =	vshll.u32 v51, $0x4;
	v51 =	vadd.s32 s2, v9;
	[tilespmem:v63+s16+$0x0] =	vst.idx.msk $0xffff, v40;
	v48 =	vld.idx.msk [tilespmem:v54+s3+$0x0], $0xffff  }
0x108: {  	v55 =	vor.u32 v13, v34;
	v14 =	vld [tilespmem:$0x1FF80];
	v61 =	vadd.s32 s31, v28  }
0x109: {  	v60 =	vor.u32 v6, v36;
	v62 =	vld.idx.msk [tilespmem:v62+s3+$0x0], $0xffff;
	v63 =	vadd.s32 s13, v28  }
0x10a: {  	v38 =	vshll.u32 v53, $0x4;
	[tilespmem:v45+s16+$0x0] =	vst.idx.msk $0xffff, v44  }
0x10b: {  	v53 =	vor.u32 v16, v38;
	[tilespmem:v56+s16+$0x0] =	vst.idx.msk $0xffff, v43  }
0x10c: {  	v52 =	vor.u32 v16, v39;
	v44 =	vld.idx.msk [tilespmem:v46+s3+$0x0], $0xffff;
	[tilespmem:v51+s16+$0x0] =	vst.idx.msk $0xffff, v48  }
0x10d: {  	v43 =	vld.idx.msk [tilespmem:v55+s3+$0x0], $0xffff;
	v50 =	vor.u32 v14, v35;
	[tilespmem:v61+s16+$0x0] =	vst.idx.msk $0xffff, v41  }
0x10e: {  	s6 =	simm.s32 $0x0;
	v55 =	vadd.s32 s30, v20;
	v42 =	vld.idx.msk [tilespmem:v60+s3+$0x0], $0xffff;
	v45 =	vor.u32 v14, v37;
	[tilespmem:v63+s16+$0x0] =	vst.idx.msk $0xffff, v62  }
0x10f: {  	s6 =	smul.u32 $0x380, s6;
	v10 =	vmov v5;
	v5 =	vor.u32 v15, v33;
	v58 =	vadd.s32 s0, v7;
	v31 =	vld [tilespmem:$0x1FF90]  }
0x110: {  	v59 =	vor.u32 v21, v34;
	v54 =	vadd.s32 s29, v20;
	v57 =	vld.idx.msk [tilespmem:v53+s3+$0x0], $0xffff  }
0x111: {  	s8 =	sadd.s32 $0x60, s6;
	v53 =	vld.idx.msk [tilespmem:v52+s3+$0x0], $0xffff  }
0x112: {  	s6 =	sadd.s32 $0x10, s8;
	v17 =	vmov v4;
	v56 =	vor.u32 v21, v32;
	v4 =	vld.idx.msk [tilespmem:v50+s3+$0x0], $0xffff  }
0x113: {  	v60 =	vadd.s32 s6, v0;
	v61 =	vor.u32 v8, v36;
	v46 =	vld.idx.msk [tilespmem:v45+s3+$0x0], $0xffff;
	[tilespmem:v55+s16+$0x0] =	vst.idx.msk $0xffff, v43  }
0x114: {  	v63 =	vor.u32 v1, v38;
	[tilespmem:v58+s16+$0x0] =	vst.idx.msk $0xffff, v42;
	v42 =	vld.idx.msk [tilespmem:v5+s3+$0x0], $0xffff;
	v62 =	vadd.s32 s31, v31  }
0x115: {  	[tilespmem:v54+s16+$0x0] =	vst.idx.msk $0xffff, v44;
	v45 =	vld.idx.msk [tilespmem:v59+s3+$0x0], $0xffff  }
0x116: {  	v59 =	vmov v3;
	v3 =	vld [tilespmem:$0x1FFA0]  }
0x117: {  	v47 =	vld.idx.msk [tilespmem:v56+s3+$0x0], $0xffff  }
0x118: {  	[tilespmem:v60+s16+$0x0] =	vst.idx.msk $0xffff, v57;
	v54 =	vld.idx.msk [tilespmem:v61+s3+$0x0], $0xffff  }
0x119: {  	v57 =	vld.idx.msk [tilespmem:v63+s3+$0x0], $0xffff;
	[tilespmem:v62+s16+$0x0] =	vst.idx.msk $0xffff, v4  }
0x11a: {  	v40 =	vor.u32 v15, v36;
	v52 =	vadd.s32 s29, v22;
	v48 =	vadd.s32 s6, v2;
	v30 =	vld [tilespmem:$0x1FFB0]  }
0x11b: {  	v19 =	vmovc v15;
	v55 =	vadd.s32 s13, v31;
	v49 =	vor.u32 v3, v35;
	v61 =	vmovc v3;
	v50 =	vor.u32 v3, v37;
	v3 =	vld [tilespmem:$0x1FFD0]  }
0x11c: {  	s28 =	sshll.u32 s26, $0x1;
	v11 =	vmovc v6;
	v12 =	vmovc v7;
	v51 =	vadd.s32 s30, v22;
	v41 =	vor.u32 v15, v39;
	v58 =	vadd.s32 s8, v0;
	v5 =	vld [tilespmem:$0x1FFE0]  }
0x11d: {  	s12 =	simm.s32 $0x6;
	s7 =	simm.s32 $0x6;
	s21 =	simm.s32 $0x60;
	v13 =	vmovc v8;
	v16 =	vmovc v9;
	v56 =	vadd.s32 s0, v9;
	v43 =	vor.u32 v59, v32;
	v44 =	vor.u32 v59, v34;
	v8 =	vld [tilespmem:$0x1FFF0]  }
.LBB2_3:
0x11e: {  	_ = 	snop  }
0x11f: {  	v6 =	vld [tilespmem:$0x1FEB0]  }
0x120: {  	v15 =	vld [tilespmem:$0x1FEC0];
	[tilespmem:v55+s16+$0x0] =	vst.idx.msk $0xffff, v46  }
0x121: {  	v46 =	vld.idx.msk [tilespmem:v49+s3+$0x0], $0xffff;
	[tilespmem:v52+s16+$0x0] =	vst.idx.msk $0xffff, v47  }
0x122: {  	v60 =	vadd.s32 s31, v30;
	v49 =	vor.u32 v17, v38;
	v47 =	vld.idx.msk [tilespmem:v50+s3+$0x0], $0xffff;
	[tilespmem:v51+s16+$0x0] =	vst.idx.msk $0xffff, v45  }
0x123: {  	s11 =	sadd.s32 $0x20, s11;
	v62 =	vor.u32 v1, v39;
	v63 =	vadd.s32 s13, v30;
	v43 =	vld.idx.msk [tilespmem:v43+s3+$0x0], $0xffff;
	[tilespmem:v56+s16+$0x0] =	vst.idx.msk $0xffff, v54  }
0x124: {  	v51 =	vld [tilespmem:s11+$0x0];
	v54 =	vadd.s32 s2, v6;
	[tilespmem:v58+s16+$0x0] =	vst.idx.msk $0xffff, v53  }
0x125: {  	v53 =	vadd.s32 s29, v23;
	v44 =	vld.idx.msk [tilespmem:v44+s3+$0x0], $0xffff  }
0x126: {  	v55 =	vor.u32 v24, v37;
	[tilespmem:v48+s16+$0x0] =	vst.idx.msk $0xffff, v57;
	v57 =	vadd.s32 s30, v23;
	v48 =	vld.idx.msk [tilespmem:v40+s3+$0x0], $0xffff  }
0x127: {  	v40 =	vmov v41;
	v41 =	vld.idx.msk [tilespmem:v49+s3+$0x0], $0xffff;
	v49 =	vadd.s32 s0, v6;
	[tilespmem:v60+s16+$0x0] =	vst.idx.msk $0xffff, v46  }
0x128: {  	v56 =	vor.u32 v24, v35;
	v46 =	vld.idx.msk [tilespmem:v62+s3+$0x0], $0xffff;
	[tilespmem:v63+s16+$0x0] =	vst.idx.msk $0xffff, v47  }
0x129: {  	v50 =	vadd.s32 s6, v10;
	v58 =	vor.u32 v25, v32;
	[tilespmem:v54+s16+$0x0] =	vst.idx.msk $0xffff, v42  }
0x12a: {  	v9 =	vmov v24;
	v18 =	vld [tilespmem:$0x1FEF0];
	v60 =	vor.u32 v15, v33;
	[tilespmem:v53+s16+$0x0] =	vst.idx.msk $0xffff, v43  }
0x12b: {  	v24 =	vmov v23;
	v23 =	vmov v59;
	v59 =	vor.u32 v25, v34;
	v42 =	vld.idx.msk [tilespmem:v55+s3+$0x0], $0xffff;
	[tilespmem:v57+s16+$0x0] =	vst.idx.msk $0xffff, v44  }
0x12c: {  	v62 =	vadd.s32 s8, v2;
	v63 =	vor.u32 v11, v38;
	[tilespmem:v49+s16+$0x0] =	vst.idx.msk $0xffff, v48;
	v48 =	vor.u32 v15, v36;
	v15 =	vld [tilespmem:$0x1FED0]  }
0x12d: {  	v43 =	vadd.s32 s13, v3;
	v53 =	vld.idx.msk [tilespmem:v56+s3+$0x0], $0xffff  }
0x12e: {  	v54 =	vor.u32 v17, v39;
	v55 =	vadd.s32 s31, v3;
	v44 =	vld.idx.msk [tilespmem:v58+s3+$0x0], $0xffff;
	[tilespmem:v50+s16+$0x0] =	vst.idx.msk $0xffff, v41  }
0x12f: {  	v56 =	vadd.s32 s29, v26;
	v41 =	vld.idx.msk [tilespmem:v60+s3+$0x0], $0xffff  }
0x130: {  	v52 =	vor.u32 v27, v32;
	v50 =	vadd.s32 s30, v26;
	v49 =	vld.idx.msk [tilespmem:v59+s3+$0x0], $0xffff  }
0x131: {  	v47 =	vor.u32 v5, v37;
	v37 =	vmov v34;
	v45 =	vld.idx.msk [tilespmem:v63+s3+$0x0], $0xffff;
	[tilespmem:v62+s16+$0x0] =	vst.idx.msk $0xffff, v46;
	v46 =	vadd.s32 s2, v15  }
0x132: {  	v63 =	vor.u32 v27, v37;
	v62 =	vadd.s32 s6, v12;
	v60 =	vld [tilespmem:s11+$0xFFFFFFF0];
	[tilespmem:v43+s16+$0x0] =	vst.idx.msk $0xffff, v42  }
0x133: {  	v42 =	vor.u32 v5, v35;
	v35 =	vmov v32;
	v43 =	vld.idx.msk [tilespmem:v54+s3+$0x0], $0xffff;
	[tilespmem:v55+s16+$0x0] =	vst.idx.msk $0xffff, v53  }
0x134: {  	v32 =	vmov v33;
	v53 =	vadd.s32 s8, v10;
	v55 =	vor.u32 v13, v38;
	v48 =	vld.idx.msk [tilespmem:v48+s3+$0x0], $0xffff;
	[tilespmem:v56+s16+$0x0] =	vst.idx.msk $0xffff, v44  }
0x135: {  	v44 =	vadd.s32 s0, v15;
	v56 =	vor.u32 v18, v32;
	[tilespmem:v50+s16+$0x0] =	vst.idx.msk $0xffff, v49;
	v49 =	vld.idx.msk [tilespmem:v52+s3+$0x0], $0xffff  }
0x136: {  	v33 =	vmov v38;
	v54 =	vor.u32 v18, v36;
	v47 =	vld.idx.msk [tilespmem:v47+s3+$0x0], $0xffff;
	[tilespmem:v46+s16+$0x0] =	vst.idx.msk $0xffff, v41  }
0x137: {  	v38 =	vshll.u32 v51, $0x4;
	v51 =	vor.u32 v11, v39;
	v50 =	vadd.s32 s13, v8;
	[tilespmem:v62+s16+$0x0] =	vst.idx.msk $0xffff, v45;
	v45 =	vld.idx.msk [tilespmem:v63+s3+$0x0], $0xffff  }
0x138: {  	v7 =	vlaneseq.u32;
	s12 =	sadd.s32 $0x2, s12;
	v34 =	vmov v36;
	s13 =	smov.u32 s30;
	v46 =	vadd.s32 s29, v28;
	v42 =	vld.idx.msk [tilespmem:v42+s3+$0x0], $0xffff  }
0x139: {  	s22 =	sshrl.u32 s12, $0x3;
	v59 =	vor.u32 v7, v38;
	v52 =	vshll.u32 v60, $0x4;
	v60 =	vadd.s32 s13, v28;
	[tilespmem:v53+s16+$0x0] =	vst.idx.msk $0xffff, v43;
	v43 =	vld.idx.msk [tilespmem:v55+s3+$0x0], $0xffff  }
0x13a: {  	v57 =	vadd.s32 s31, v8;
	s31 =	smov.u32 s29;
	v36 =	vmov v39;
	s29 =	smov.u32 s2;
	s2 =	smov.u32 s6;
	v53 =	vor.u32 v14, v35;
	[tilespmem:v44+s16+$0x0] =	vst.idx.msk $0xffff, v48;
	v44 =	vld.idx.msk [tilespmem:v56+s3+$0x0], $0xffff  }
0x13b: {  	v58 =	vor.u32 v7, v52;
	v39 =	vmovc v52;
	v41 =	vor.u32 v19, v52;
	s6 =	smul.u32 $0x380, s22;
	v52 =	vadd.s32 s2, v16;
	v54 =	vld.idx.msk [tilespmem:v54+s3+$0x0], $0xffff  }
0x13c: {  	s21 =	sadd.s32 $0x20, s21;
	s30 =	smov.u32 s0;
	v55 =	vor.u32 v14, v37;
	v56 =	vadd.s32 s29, v20;
	v51 =	vld.idx.msk [tilespmem:v51+s3+$0x0], $0xffff;
	[tilespmem:v50+s16+$0x0] =	vst.idx.msk $0xffff, v47  }
0x13d: {  	s0 =	smov.u32 s8;
	s8 =	sadd.s32 s6, s21;
	[tilespmem:v46+s16+$0x0] =	vst.idx.msk $0xffff, v49;
	v49 =	vadd.s32 s30, v20  }
0x13e: {  	v29 =	vmov v61;
	v61 =	vor.u32 v21, v32;
	s6 =	sadd.s32 $0x10, s8;
	v50 =	vadd.s32 s0, v12;
	v59 =	vld.idx.msk [tilespmem:v59+s3+$0x0], $0xffff;
	[tilespmem:v60+s16+$0x0] =	vst.idx.msk $0xffff, v45  }
0x13f: {  	v4 =	vmov v0;
	v62 =	vor.u32 v21, v34;
	v60 =	vadd.s32 s6, v0;
	v0 =	vld.idx.msk [tilespmem:v53+s3+$0x0], $0xffff;
	[tilespmem:v57+s16+$0x0] =	vst.idx.msk $0xffff, v42  }
0x140: {  	v63 =	vor.u32 v13, v36;
	[tilespmem:v52+s16+$0x0] =	vst.idx.msk $0xffff, v43  }
0x141: {  	s7 =	sadd.s32 $0x2, s7;
	v7 =	vmov v1;
	v42 =	vor.u32 v1, v38;
	v46 =	vld.idx.msk [tilespmem:v55+s3+$0x0], $0xffff;
	v1 =	vadd.s32 s31, v31;
	[tilespmem:v56+s16+$0x0] =	vst.idx.msk $0xffff, v44  }
0x142: {  	p0 =	slt.u32 s7, $0x7E;
	v6 =	vmov v2;
	v48 =	vadd.s32 s6, v2;
	v2 =	vor.u32 v19, v33;
	v53 =	vld.idx.msk [tilespmem:v58+s3+$0x0], $0xffff;
	[tilespmem:v49+s16+$0x0] =	vst.idx.msk $0xffff, v54  }
.Ltmp2:
0x143: {  	v55 =	vadd.s32 s13, v31;
	v58 =	vadd.s32 s8, v4;
	v47 =	vld.idx.msk [tilespmem:v61+s3+$0x0], $0xffff;
	[tilespmem:v50+s16+$0x0] =	vst.idx.msk $0xffff, v51;
	(pc) =	sbr.rel @p0 .LBB2_3-.Ltmp2, $4  }
0x144: {  	v52 =	vadd.s32 s29, v22;
	v56 =	vadd.s32 s0, v16;
	v49 =	vor.u32 v29, v35;
	v45 =	vld.idx.msk [tilespmem:v62+s3+$0x0], $0xffff  }
0x145: {  	v61 =	vmov v29;
	v50 =	vor.u32 v29, v37;
	[tilespmem:v60+s16+$0x0] =	vst.idx.msk $0xffff, v59;
	v59 =	vmov v23;
	v54 =	vld.idx.msk [tilespmem:v63+s3+$0x0], $0xffff  }
0x146: {  	v23 =	vmov v24;
	v24 =	vmov v9;
	v43 =	vor.u32 v59, v32;
	v57 =	vld.idx.msk [tilespmem:v42+s3+$0x0], $0xffff;
	[tilespmem:v1+s16+$0x0] =	vst.idx.msk $0xffff, v0  }
0x147: {  	v51 =	vadd.s32 s30, v22;
	v0 =	vmovc v4;
	v1 =	vmovc v7;
	v44 =	vor.u32 v59, v34;
	v42 =	vld.idx.msk [tilespmem:v2+s3+$0x0], $0xffff;
	v2 =	vmov v6  }
0x148: {  	v0 =	vor.u32 v1, v39;
	_ =	sdelay $0x3  }
0x149: {  	[tilespmem:v58+s16+$0x0] =	vst.idx.msk $0xffff, v53  }
0x14a: {  	v62 =	vadd.s32 s8, v2;
	v58 =	vor.u32 v17, v38;
	v0 =	vld.idx.msk [tilespmem:v0+s3+$0x0], $0xffff  }
0x14b: {  	v63 =	vor.u32 v17, v39;
	_ =	sdelay $0x2  }
0x14c: {  	[tilespmem:v48+s16+$0x0] =	vst.idx.msk $0xffff, v57  }
0x14d: {  	v60 =	vadd.s32 s6, v10;
	v2 =	vld.idx.msk [tilespmem:v58+s3+$0x0], $0xffff;
	[tilespmem:v62+s16+$0x0] =	vst.idx.msk $0xffff, v0  }
0x14e: {  	v1 =	vadd.s32 s8, v10;
	v0 =	vld.idx.msk [tilespmem:v63+s3+$0x0], $0xffff;
	v63 =	vor.u32 v11, v38  }
0x14f: {  	v62 =	vor.u32 v11, v39;
	_ =	sdelay $0x2  }
0x150: {  	[tilespmem:v60+s16+$0x0] =	vst.idx.msk $0xffff, v2  }
0x151: {  	v60 =	vadd.s32 s6, v12;
	[tilespmem:v1+s16+$0x0] =	vst.idx.msk $0xffff, v0;
	v2 =	vld.idx.msk [tilespmem:v63+s3+$0x0], $0xffff  }
0x152: {  	v1 =	vadd.s32 s8, v12;
	v0 =	vld.idx.msk [tilespmem:v62+s3+$0x0], $0xffff;
	_ =	sdelay $0x1  }
0x153: {  	[tilespmem:v55+s16+$0x0] =	vst.idx.msk $0xffff, v46  }
0x154: {  	[tilespmem:v56+s16+$0x0] =	vst.idx.msk $0xffff, v54  }
0x155: {  	v63 =	vor.u32 v13, v38;
	[tilespmem:v60+s16+$0x0] =	vst.idx.msk $0xffff, v2  }
0x156: {  	v62 =	vor.u32 v13, v39;
	[tilespmem:v1+s16+$0x0] =	vst.idx.msk $0xffff, v0  }
0x157: {  	v9 =	vmov v17;
	v17 =	vld [tilespmem:$0x1FEB0];
	_ =	sdelay $0x2  }
0x158: {  	v58 =	vadd.s32 s6, v16;
	v2 =	vld.idx.msk [tilespmem:v63+s3+$0x0], $0xffff  }
0x159: {  	v1 =	vadd.s32 s8, v16;
	v0 =	vld.idx.msk [tilespmem:v62+s3+$0x0], $0xffff  }
0x15a: {  	v40 =	vld.idx.msk [tilespmem:v40+s3+$0x0], $0xffff;
	v46 =	vadd.s32 s0, v17  }
0x15b: {  	v18 =	vld [tilespmem:$0x1FEC0];
	[tilespmem:v52+s16+$0x0] =	vst.idx.msk $0xffff, v47;
	v62 =	vadd.s32 s2, v17  }
0x15c: {  	[tilespmem:v51+s16+$0x0] =	vst.idx.msk $0xffff, v45  }
0x15d: {  	[tilespmem:v58+s16+$0x0] =	vst.idx.msk $0xffff, v2  }
0x15e: {  	v60 =	vor.u32 v19, v38;
	[tilespmem:v1+s16+$0x0] =	vst.idx.msk $0xffff, v0  }
0x15f: {  	[tilespmem:v46+s16+$0x0] =	vst.idx.msk $0xffff, v40  }
0x160: {  	v1 =	vld.idx.msk [tilespmem:v41+s3+$0x0], $0xffff;
	[tilespmem:v62+s16+$0x0] =	vst.idx.msk $0xffff, v42  }
0x161: {  	v15 =	vmov v16;
	v16 =	vmov v19;
	v63 =	vor.u32 v18, v36;
	v19 =	vld [tilespmem:$0x1FED0]  }
0x162: {  	v56 =	vor.u32 v18, v33;
	v2 =	vadd.s32 s8, v17;
	v54 =	vld [tilespmem:$0x1FEF0]  }
0x163: {  	v47 =	vadd.s32 s6, v17;
	v48 =	vor.u32 v18, v39;
	v41 =	vld.idx.msk [tilespmem:v60+s3+$0x0], $0xffff  }
0x164: {  	v49 =	vld.idx.msk [tilespmem:v49+s3+$0x0], $0xffff;
	v57 =	vadd.s32 s31, v30;
	v58 =	vor.u32 v18, v38  }
0x165: {  	v50 =	vld.idx.msk [tilespmem:v50+s3+$0x0], $0xffff;
	v60 =	vadd.s32 s13, v30  }
0x166: {  	v40 =	vld.idx.msk [tilespmem:v63+s3+$0x0], $0xffff;
	v62 =	vadd.s32 s0, v19  }
0x167: {  	v0 =	vld.idx.msk [tilespmem:v56+s3+$0x0], $0xffff;
	[tilespmem:v2+s16+$0x0] =	vst.idx.msk $0xffff, v1;
	v46 =	vadd.s32 s2, v19;
	v63 =	vor.u32 v54, v36  }
0x168: {  	[tilespmem:v47+s16+$0x0] =	vst.idx.msk $0xffff, v41;
	v2 =	vld.idx.msk [tilespmem:v48+s3+$0x0], $0xffff;
	v1 =	vor.u32 v54, v33;
	v41 =	vadd.s32 s8, v19  }
0x169: {  	[tilespmem:v57+s16+$0x0] =	vst.idx.msk $0xffff, v49;
	v45 =	vld.idx.msk [tilespmem:v58+s3+$0x0], $0xffff;
	v47 =	vadd.s32 s6, v19;
	v48 =	vor.u32 v54, v39  }
0x16a: {  	v43 =	vld.idx.msk [tilespmem:v43+s3+$0x0], $0xffff;
	v56 =	vadd.s32 s29, v23;
	[tilespmem:v60+s16+$0x0] =	vst.idx.msk $0xffff, v50;
	v57 =	vor.u32 v54, v38  }
0x16b: {  	v44 =	vld.idx.msk [tilespmem:v44+s3+$0x0], $0xffff;
	v60 =	vadd.s32 s30, v23;
	v58 =	vor.u32 v24, v37;
	[tilespmem:v62+s16+$0x0] =	vst.idx.msk $0xffff, v40  }
0x16c: {  	v62 =	vor.u32 v24, v35;
	[tilespmem:v46+s16+$0x0] =	vst.idx.msk $0xffff, v0;
	v0 =	vld.idx.msk [tilespmem:v63+s3+$0x0], $0xffff;
	v63 =	vadd.s32 s0, v20  }
0x16d: {  	v53 =	vor.u32 v21, v36;
	v46 =	vadd.s32 s2, v20;
	[tilespmem:v41+s16+$0x0] =	vst.idx.msk $0xffff, v2;
	v1 =	vld.idx.msk [tilespmem:v1+s3+$0x0], $0xffff  }
0x16e: {  	v2 =	vor.u32 v21, v33;
	[tilespmem:v47+s16+$0x0] =	vst.idx.msk $0xffff, v45;
	v45 =	vadd.s32 s8, v20;
	v41 =	vld.idx.msk [tilespmem:v48+s3+$0x0], $0xffff  }
0x16f: {  	[tilespmem:v56+s16+$0x0] =	vst.idx.msk $0xffff, v43;
	v56 =	vor.u32 v21, v39;
	v47 =	vadd.s32 s6, v20;
	v43 =	vld.idx.msk [tilespmem:v57+s3+$0x0], $0xffff  }
0x170: {  	[tilespmem:v60+s16+$0x0] =	vst.idx.msk $0xffff, v44;
	v49 =	vld.idx.msk [tilespmem:v58+s3+$0x0], $0xffff;
	v58 =	vor.u32 v21, v38;
	v57 =	vadd.s32 s13, v3  }
0x171: {  	v60 =	vor.u32 v25, v32;
	v40 =	vld.idx.msk [tilespmem:v62+s3+$0x0], $0xffff;
	v62 =	vadd.s32 s31, v3;
	[tilespmem:v63+s16+$0x0] =	vst.idx.msk $0xffff, v0  }
0x172: {  	v42 =	vadd.s32 s0, v22;
	v63 =	vor.u32 v25, v34;
	[tilespmem:v46+s16+$0x0] =	vst.idx.msk $0xffff, v1;
	v1 =	vld.idx.msk [tilespmem:v53+s3+$0x0], $0xffff  }
0x173: {  	v46 =	vadd.s32 s2, v22;
	[tilespmem:v45+s16+$0x0] =	vst.idx.msk $0xffff, v41;
	v2 =	vld.idx.msk [tilespmem:v2+s3+$0x0], $0xffff;
	v53 =	vor.u32 v59, v36  }
0x174: {  	v41 =	vor.u32 v59, v33;
	[tilespmem:v47+s16+$0x0] =	vst.idx.msk $0xffff, v43;
	v43 =	vld.idx.msk [tilespmem:v56+s3+$0x0], $0xffff;
	v56 =	vadd.s32 s8, v22  }
0x175: {  	[tilespmem:v57+s16+$0x0] =	vst.idx.msk $0xffff, v49;
	v47 =	vadd.s32 s6, v22;
	v57 =	vor.u32 v59, v39;
	v44 =	vld.idx.msk [tilespmem:v58+s3+$0x0], $0xffff  }
0x176: {  	v49 =	vld.idx.msk [tilespmem:v60+s3+$0x0], $0xffff;
	v60 =	vor.u32 v59, v38;
	v58 =	vadd.s32 s29, v26;
	[tilespmem:v62+s16+$0x0] =	vst.idx.msk $0xffff, v40  }
0x177: {  	v62 =	vadd.s32 s30, v26;
	v0 =	vld.idx.msk [tilespmem:v63+s3+$0x0], $0xffff;
	v63 =	vor.u32 v27, v32;
	[tilespmem:v42+s16+$0x0] =	vst.idx.msk $0xffff, v1  }
0x178: {  	v1 =	vor.u32 v5, v37;
	[tilespmem:v46+s16+$0x0] =	vst.idx.msk $0xffff, v2;
	v37 =	vadd.s32 s0, v23;
	v2 =	vld.idx.msk [tilespmem:v53+s3+$0x0], $0xffff  }
0x179: {  	v42 =	vadd.s32 s2, v23;
	v46 =	vor.u32 v25, v36;
	[tilespmem:v56+s16+$0x0] =	vst.idx.msk $0xffff, v43;
	v41 =	vld.idx.msk [tilespmem:v41+s3+$0x0], $0xffff  }
0x17a: {  	v56 =	vor.u32 v25, v33;
	[tilespmem:v47+s16+$0x0] =	vst.idx.msk $0xffff, v44;
	v44 =	vld.idx.msk [tilespmem:v57+s3+$0x0], $0xffff;
	v57 =	vadd.s32 s8, v23  }
0x17b: {  	[tilespmem:v58+s16+$0x0] =	vst.idx.msk $0xffff, v49;
	v47 =	vadd.s32 s6, v23;
	v58 =	vor.u32 v25, v39;
	v40 =	vld.idx.msk [tilespmem:v60+s3+$0x0], $0xffff  }
0x17c: {  	v49 =	vadd.s32 s29, v28;
	v60 =	vor.u32 v25, v38;
	[tilespmem:v62+s16+$0x0] =	vst.idx.msk $0xffff, v0;
	v0 =	vld.idx.msk [tilespmem:v63+s3+$0x0], $0xffff  }
0x17d: {  	v62 =	vor.u32 v27, v34;
	v63 =	vadd.s32 s13, v8;
	v1 =	vld.idx.msk [tilespmem:v1+s3+$0x0], $0xffff;
	[tilespmem:v37+s16+$0x0] =	vst.idx.msk $0xffff, v2  }
0x17e: {  	v55 =	vadd.s32 s0, v26;
	v53 =	vor.u32 v5, v35;
	[tilespmem:v42+s16+$0x0] =	vst.idx.msk $0xffff, v41;
	v35 =	vld.idx.msk [tilespmem:v46+s3+$0x0], $0xffff  }
0x17f: {  	v42 =	vadd.s32 s2, v26;
	[tilespmem:v57+s16+$0x0] =	vst.idx.msk $0xffff, v44;
	v41 =	vld.idx.msk [tilespmem:v56+s3+$0x0], $0xffff;
	v56 =	vor.u32 v27, v36  }
0x180: {  	v57 =	vor.u32 v27, v33;
	[tilespmem:v47+s16+$0x0] =	vst.idx.msk $0xffff, v40;
	v40 =	vld.idx.msk [tilespmem:v58+s3+$0x0], $0xffff;
	v58 =	vadd.s32 s8, v26  }
0x181: {  	v46 =	vadd.s32 s6, v26;
	[tilespmem:v49+s16+$0x0] =	vst.idx.msk $0xffff, v0;
	v0 =	vld.idx.msk [tilespmem:v60+s3+$0x0], $0xffff;
	v60 =	vor.u32 v27, v39  }
0x182: {  	v48 =	vld.idx.msk [tilespmem:v62+s3+$0x0], $0xffff;
	v49 =	vadd.s32 s30, v28;
	[tilespmem:v63+s16+$0x0] =	vst.idx.msk $0xffff, v1;
	v1 =	vor.u32 v27, v38  }
0x183: {  	v2 =	vld.idx.msk [tilespmem:v53+s3+$0x0], $0xffff;
	v62 =	vadd.s32 s31, v8;
	v63 =	vor.u32 v14, v34;
	[tilespmem:v55+s16+$0x0] =	vst.idx.msk $0xffff, v35  }
0x184: {  	v55 =	vor.u32 v14, v32;
	[tilespmem:v42+s16+$0x0] =	vst.idx.msk $0xffff, v41;
	v37 =	vld.idx.msk [tilespmem:v56+s3+$0x0], $0xffff;
	v56 =	vadd.s32 s0, v28  }
0x185: {  	v43 =	vadd.s32 s2, v28;
	[tilespmem:v58+s16+$0x0] =	vst.idx.msk $0xffff, v40;
	v42 =	vld.idx.msk [tilespmem:v57+s3+$0x0], $0xffff;
	v57 =	vor.u32 v14, v36  }
0x186: {  	v58 =	vor.u32 v14, v33;
	[tilespmem:v46+s16+$0x0] =	vst.idx.msk $0xffff, v0;
	v0 =	vld.idx.msk [tilespmem:v60+s3+$0x0], $0xffff;
	v60 =	vadd.s32 s8, v28  }
0x187: {  	v47 =	vor.u32 v14, v39;
	[tilespmem:v49+s16+$0x0] =	vst.idx.msk $0xffff, v48;
	v46 =	vadd.s32 s6, v28;
	v1 =	vld.idx.msk [tilespmem:v1+s3+$0x0], $0xffff  }
0x188: {  	[tilespmem:v62+s16+$0x0] =	vst.idx.msk $0xffff, v2;
	v48 =	vadd.s32 s30, v31;
	v62 =	vor.u32 v14, v38;
	v2 =	vld.idx.msk [tilespmem:v63+s3+$0x0], $0xffff  }
0x189: {  	v63 =	vadd.s32 s29, v31;
	v35 =	vld.idx.msk [tilespmem:v55+s3+$0x0], $0xffff;
	v55 =	vor.u32 v61, v34;
	[tilespmem:v56+s16+$0x0] =	vst.idx.msk $0xffff, v37  }
0x18a: {  	v56 =	vor.u32 v61, v32;
	[tilespmem:v43+s16+$0x0] =	vst.idx.msk $0xffff, v42;
	v41 =	vld.idx.msk [tilespmem:v57+s3+$0x0], $0xffff;
	v57 =	vadd.s32 s0, v31  }
0x18b: {  	v43 =	vadd.s32 s2, v31;
	v40 =	vld.idx.msk [tilespmem:v58+s3+$0x0], $0xffff;
	v58 =	vor.u32 v61, v36;
	[tilespmem:v60+s16+$0x0] =	vst.idx.msk $0xffff, v0  }
0x18c: {  	v45 =	vadd.s32 s8, v31;
	v60 =	vor.u32 v61, v33;
	[tilespmem:v46+s16+$0x0] =	vst.idx.msk $0xffff, v1;
	v1 =	vld.idx.msk [tilespmem:v47+s3+$0x0], $0xffff  }
0x18d: {  	[tilespmem:v48+s16+$0x0] =	vst.idx.msk $0xffff, v2;
	v46 =	vadd.s32 s6, v31;
	v47 =	vor.u32 v61, v39;
	v2 =	vld.idx.msk [tilespmem:v62+s3+$0x0], $0xffff  }
0x18e: {  	v62 =	vadd.s32 s30, v30;
	[tilespmem:v63+s16+$0x0] =	vst.idx.msk $0xffff, v35;
	v35 =	vld.idx.msk [tilespmem:v55+s3+$0x0], $0xffff;
	v63 =	vor.u32 v61, v38  }
0x18f: {  	v55 =	vadd.s32 s29, v30;
	v37 =	vld.idx.msk [tilespmem:v56+s3+$0x0], $0xffff;
	v56 =	vor.u32 v24, v34;
	[tilespmem:v57+s16+$0x0] =	vst.idx.msk $0xffff, v41  }
0x190: {  	v42 =	vadd.s32 s0, v30;
	v57 =	vor.u32 v24, v32;
	[tilespmem:v43+s16+$0x0] =	vst.idx.msk $0xffff, v40;
	v40 =	vld.idx.msk [tilespmem:v58+s3+$0x0], $0xffff  }
0x191: {  	v0 =	vld.idx.msk [tilespmem:v60+s3+$0x0], $0xffff;
	v58 =	vadd.s32 s2, v30;
	v60 =	vor.u32 v24, v36;
	[tilespmem:v45+s16+$0x0] =	vst.idx.msk $0xffff, v1  }
0x192: {  	v61 =	vor.u32 v24, v33;
	v45 =	vadd.s32 s8, v30;
	[tilespmem:v46+s16+$0x0] =	vst.idx.msk $0xffff, v2;
	v2 =	vld.idx.msk [tilespmem:v47+s3+$0x0], $0xffff  }
0x193: {  	[tilespmem:v62+s16+$0x0] =	vst.idx.msk $0xffff, v35;
	v35 =	vld.idx.msk [tilespmem:v63+s3+$0x0], $0xffff;
	v62 =	vadd.s32 s6, v30;
	v63 =	vor.u32 v24, v39  }
0x194: {  	v53 =	vadd.s32 s30, v3;
	[tilespmem:v55+s16+$0x0] =	vst.idx.msk $0xffff, v37;
	v52 =	vld.idx.msk [tilespmem:v56+s3+$0x0], $0xffff;
	v55 =	vor.u32 v24, v38  }
0x195: {  	v56 =	vadd.s32 s29, v3;
	v41 =	vld.idx.msk [tilespmem:v57+s3+$0x0], $0xffff;
	v57 =	vor.u32 v5, v34;
	[tilespmem:v42+s16+$0x0] =	vst.idx.msk $0xffff, v40  }
0x196: {  	v32 =	vor.u32 v5, v32;
	[tilespmem:v58+s16+$0x0] =	vst.idx.msk $0xffff, v0;
	v58 =	vadd.s32 s0, v3;
	v0 =	vld.idx.msk [tilespmem:v60+s3+$0x0], $0xffff  }
0x197: {  	v1 =	vld.idx.msk [tilespmem:v61+s3+$0x0], $0xffff;
	v60 =	vadd.s32 s2, v3;
	v61 =	vor.u32 v5, v36;
	[tilespmem:v45+s16+$0x0] =	vst.idx.msk $0xffff, v2  }
0x198: {  	v2 =	vor.u32 v5, v33;
	[tilespmem:v62+s16+$0x0] =	vst.idx.msk $0xffff, v35;
	v62 =	vld.idx.msk [tilespmem:v63+s3+$0x0], $0xffff;
	v63 =	vadd.s32 s8, v3  }
0x199: {  	[tilespmem:v53+s16+$0x0] =	vst.idx.msk $0xffff, v52;
	v51 =	vld.idx.msk [tilespmem:v55+s3+$0x0], $0xffff;
	v52 =	vadd.s32 s6, v3;
	v53 =	vor.u32 v5, v39  }
0x19a: {  	v55 =	vadd.s32 s30, v8;
	[tilespmem:v56+s16+$0x0] =	vst.idx.msk $0xffff, v41;
	v34 =	vld.idx.msk [tilespmem:v57+s3+$0x0], $0xffff;
	v56 =	vor.u32 v5, v38  }
0x19b: {  	v57 =	vadd.s32 s29, v8;
	v32 =	vld.idx.msk [tilespmem:v32+s3+$0x0], $0xffff;
	[tilespmem:v58+s16+$0x0] =	vst.idx.msk $0xffff, v0  }
0x19c: {  	[tilespmem:v60+s16+$0x0] =	vst.idx.msk $0xffff, v1;
	v58 =	vadd.s32 s0, v8;
	v60 =	vld.idx.msk [tilespmem:v61+s3+$0x0], $0xffff  }
0x19d: {  	v61 =	vadd.s32 s2, v8;
	v2 =	vld.idx.msk [tilespmem:v2+s3+$0x0], $0xffff;
	[tilespmem:v63+s16+$0x0] =	vst.idx.msk $0xffff, v62  }
0x19e: {  	s22 =	sadd.s32 s5, s28;
	v62 =	vadd.s32 s8, v8;
	[tilespmem:v52+s16+$0x0] =	vst.idx.msk $0xffff, v51;
	v35 =	vld.idx.msk [tilespmem:v53+s3+$0x0], $0xffff  }
0x19f: {  	s30 =	sshrl.u32 s22, $0x3;
	v63 =	vadd.s32 s6, v8;
	[tilespmem:v55+s16+$0x0] =	vst.idx.msk $0xffff, v34;
	v37 =	vld.idx.msk [tilespmem:v56+s3+$0x0], $0xffff  }
0x1a0: {  	s31 =	sshll.u32 s30, $0x11;
	s0 =	sshll.u32 s22, $0xE;
	[tilespmem:v57+s16+$0x0] =	vst.idx.msk $0xffff, v32  }
0x1a1: {  	s2 =	sshll.u32 s30, $0x12;
	s0 =	ssub.s32 s0, s31;
	[tilespmem:v58+s16+$0x0] =	vst.idx.msk $0xffff, v60  }
0x1a2: {  	s0 =	sadd.s32 s2, s0;
	[tilespmem:v61+s16+$0x0] =	vst.idx.msk $0xffff, v2  }
0x1a3: {  	p0 =	seq.s32 s26, $0x18;
	s2 =	sshrl.u32 s0, $0x3;
	s0 =	sadd.s32 $0x20000, s0;
	[tilespmem:v62+s16+$0x0] =	vst.idx.msk $0xffff, v35  }
0x1a4: {  	p1 =	seq.s32 @!p0 s26, $0x0;
	s2 =	sadd.s32 s1, s2;
	s0 =	sshrl.u32 s0, $0x3;
	[tilespmem:v63+s16+$0x0] =	vst.idx.msk $0xffff, v37  }
0x1a5: {  	[hbm4b:s2+s3] =	stream.linear.scatter [tilespmem:s16], [sflag:$0x3], $0x4000, $0x38;
	[tilespmem:$0x14E80] =	vst v63  }
0x1a6: {  	p1 =	por p0, !p1;
	s0 =	sadd.s32 s1, s0  }
0x1a7: {  	[hbm4b:s0+s3] =	stream.linear.scatter [tilespmem:s17], [sflag:$0x4], $0x4000, $0x38;
	[tilespmem:$0x14E80] =	vst v63  }
.Ltmp3:
0x1a8: {  	_ = 	snop;
	(pc) =	sbr.rel @!p1 .LBB2_5-.Ltmp3, $4  }
0x1a9: {  	s0 =	sadd.s32 @!p0 s28, s9  }
0x1aa: {  	s29 =	sor.u32 @!p0 $0x1, s28;
	v55 =	vmov v31;
	v61 =	vmov v3;
	v62 =	vmov v5;
	s0 =	sshll.u32 @!p0 s0, $0x8  }
0x1ab: {  	s6 =	simm.s32 @!p0 $0x3E80;
	v63 =	vmovc v8;
	v8 =	vmovc v9;
	v9 =	vmov v10;
	v10 =	vmov v11;
	v11 =	vmov v12;
	s2 =	simm.s32 @!p0 $0x0;
	s0 =	sadd.s32 @!p0 s4, s0  }
0x1ac: {  	v12 =	vmovc v13;
	v13 =	vmovc v15;
	v15 =	vmov v16;
	v16 =	vmov v17;
	v17 =	vmov v54;
	[tilespmem:s6], [sflag:$0x1] =	stream.linear.gather @!p0 [hbm4b:s0+s2], $0x800, $0x38;
	[tilespmem:$0x14E80] =	vst v63  }
0x1ad: {  	_ =	swait.ge [sflag:s23], $0x4000  }
.Ltmp4:
0x1ae: {  	[sflag:s23] =	ssyncset.done $0x0;
	(pc) =	sbr.rel .LBB2_7-.Ltmp4, $4  }
0x1af: {  	[sflag:s23] =	ssyncadd.s32 $0xFFFFC000  }
0x1b0: {  	_ =	swait.ge [sflag:s24], $0x4000  }
0x1b1: {  	[sflag:s24] =	ssyncset.done $0x0  }
0x1b2: {  	s29 =	simm.s32 @p0 $0x31;
	v5 =	vlaneseq.u32;
	[sflag:s24] =	ssyncadd.s32 $0xFFFFC000  }
.LBB2_5:
0x1b3: {  	v5 =	vlaneseq.u32  }
.LBB2_7:
0x1b4: {  	_ =	swait.ge [sflag:s18], $0x800  }
0x1b5: {  	[sflag:s18] =	ssyncset.done $0x0  }
0x1b6: {  	s0 =	simm.s32 $0x4690;
	[sflag:s18] =	ssyncadd.s32 $0xFFFFF800  }
0x1b7: {  	v0 =	vld [tilespmem:s0+$0x0]  }
0x1b8: {  	v1 =	vld [tilespmem:s0+$0xFFFFFFF0];
	_ =	sdelay $0x3  }
0x1b9: {  	v35 =	vshll.u32 v0, $0x4  }
0x1ba: {  	s12 =	simm.s32 $0x0;
	v37 =	vshll.u32 v1, $0x4;
	v0 =	vor.u32 v5, v35  }
0x1bb: {  	s0 =	smul.u32 $0x380, s12;
	v1 =	vor.u32 v5, v37;
	_ =	sdelay $0x1  }
0x1bc: {  	s6 =	sadd.s32 $0x0, s0  }
0x1bd: {  	s0 =	sadd.s32 $0x10, s6  }
0x1be: {  	v2 =	vadd.s32 s0, v4;
	v0 =	vld.idx.msk [tilespmem:v0+s3+$0x0], $0xffff  }
0x1bf: {  	v33 =	vadd.s32 s6, v4;
	v32 =	vor.u32 v7, v35;
	v1 =	vld.idx.msk [tilespmem:v1+s3+$0x0], $0xffff  }
0x1c0: {  	v34 =	vor.u32 v7, v37;
	_ =	sdelay $0x1  }
0x1c1: {  	s2 =	simm.s32 $0x46B0  }
0x1c2: {  	v36 =	vld [tilespmem:s2+$0x0];
	[tilespmem:v2+s19+$0x0] =	vst.idx.msk $0xffff, v0  }
0x1c3: {  	v47 =	vadd.s32 s0, v6;
	[tilespmem:v33+s19+$0x0] =	vst.idx.msk $0xffff, v1;
	v2 =	vld.idx.msk [tilespmem:v32+s3+$0x0], $0xffff  }
0x1c4: {  	v50 =	vadd.s32 s6, v6;
	v48 =	vor.u32 v8, v35;
	v49 =	vld.idx.msk [tilespmem:v34+s3+$0x0], $0xffff  }
0x1c5: {  	v51 =	vor.u32 v8, v37;
	_ =	sdelay $0x1  }
0x1c6: {  	v32 =	vshll.u32 v36, $0x4  }
0x1c7: {  	s13 =	simm.s32 $0x0;
	v56 =	vld [tilespmem:s2+$0xFFFFFFF0];
	v36 =	vor.u32 v5, v32;
	[tilespmem:v47+s19+$0x0] =	vst.idx.msk $0xffff, v2  }
0x1c8: {  	s2 =	smul.u32 $0x380, s13;
	v52 =	vadd.s32 s0, v9;
	[tilespmem:v50+s19+$0x0] =	vst.idx.msk $0xffff, v49;
	v0 =	vld.idx.msk [tilespmem:v48+s3+$0x0], $0xffff  }
0x1c9: {  	v54 =	vadd.s32 s6, v9;
	v53 =	vor.u32 v10, v35;
	v33 =	vld.idx.msk [tilespmem:v51+s3+$0x0], $0xffff  }
0x1ca: {  	s31 =	sadd.s32 $0x20, s2;
	v38 =	vor.u32 v10, v37  }
0x1cb: {  	s30 =	sadd.s32 $0x10, s31  }
0x1cc: {  	v45 =	vadd.s32 s30, v4;
	v60 =	vld.idx.msk [tilespmem:v36+s3+$0x0], $0xffff  }
0x1cd: {  	v34 =	vshll.u32 v56, $0x4;
	v41 =	vor.u32 v7, v32;
	[tilespmem:v52+s19+$0x0] =	vst.idx.msk $0xffff, v0  }
0x1ce: {  	v57 =	vadd.s32 s0, v11;
	[tilespmem:v54+s19+$0x0] =	vst.idx.msk $0xffff, v33;
	v0 =	vor.u32 v5, v34;
	v1 =	vld.idx.msk [tilespmem:v53+s3+$0x0], $0xffff  }
0x1cf: {  	v39 =	vadd.s32 s6, v11;
	v58 =	vor.u32 v12, v35;
	v38 =	vld.idx.msk [tilespmem:v38+s3+$0x0], $0xffff  }
0x1d0: {  	v40 =	vor.u32 v12, v37  }
0x1d1: {  	[tilespmem:v45+s19+$0x0] =	vst.idx.msk $0xffff, v60  }
0x1d2: {  	v50 =	vadd.s32 s30, v6;
	v51 =	vld.idx.msk [tilespmem:v41+s3+$0x0], $0xffff  }
0x1d3: {  	v49 =	vadd.s32 s31, v4;
	v53 =	vor.u32 v8, v32;
	v0 =	vld.idx.msk [tilespmem:v0+s3+$0x0], $0xffff;
	[tilespmem:v57+s19+$0x0] =	vst.idx.msk $0xffff, v1  }
0x1d4: {  	v46 =	vadd.s32 s0, v13;
	v52 =	vor.u32 v7, v34;
	[tilespmem:v39+s19+$0x0] =	vst.idx.msk $0xffff, v38;
	v33 =	vld.idx.msk [tilespmem:v58+s3+$0x0], $0xffff  }
0x1d5: {  	v47 =	vor.u32 v15, v35;
	v48 =	vadd.s32 s6, v13;
	v39 =	vld.idx.msk [tilespmem:v40+s3+$0x0], $0xffff  }
0x1d6: {  	s21 =	simm.s32 $0x46D0;
	v42 =	vor.u32 v15, v37  }
0x1d7: {  	v45 =	vld [tilespmem:s21+$0x0];
	[tilespmem:v50+s19+$0x0] =	vst.idx.msk $0xffff, v51  }
0x1d8: {  	v2 =	vld.idx.msk [tilespmem:v53+s3+$0x0], $0xffff;
	v58 =	vadd.s32 s30, v9;
	[tilespmem:v49+s19+$0x0] =	vst.idx.msk $0xffff, v0  }
0x1d9: {  	v57 =	vadd.s32 s31, v6;
	v0 =	vld.idx.msk [tilespmem:v52+s3+$0x0], $0xffff;
	[tilespmem:v46+s19+$0x0] =	vst.idx.msk $0xffff, v33  }
0x1da: {  	v54 =	vadd.s32 s0, v16;
	[tilespmem:v48+s19+$0x0] =	vst.idx.msk $0xffff, v39;
	v48 =	vor.u32 v10, v32;
	v38 =	vld.idx.msk [tilespmem:v47+s3+$0x0], $0xffff  }
0x1db: {  	v56 =	vadd.s32 s6, v16;
	v60 =	vor.u32 v8, v34;
	v40 =	vld.idx.msk [tilespmem:v42+s3+$0x0], $0xffff  }
0x1dc: {  	v43 =	vor.u32 v18, v35  }
0x1dd: {  	v44 =	vor.u32 v18, v37;
	[tilespmem:v58+s19+$0x0] =	vst.idx.msk $0xffff, v2  }
0x1de: {  	[tilespmem:v57+s19+$0x0] =	vst.idx.msk $0xffff, v0  }
0x1df: {  	v33 =	vshll.u32 v45, $0x4;
	v57 =	vadd.s32 s30, v11;
	v39 =	vld.idx.msk [tilespmem:v48+s3+$0x0], $0xffff;
	[tilespmem:v54+s19+$0x0] =	vst.idx.msk $0xffff, v38  }
0x1e0: {  	s22 =	simm.s32 $0x0;
	v1 =	vld.idx.msk [tilespmem:v60+s3+$0x0], $0xffff;
	[tilespmem:v56+s19+$0x0] =	vst.idx.msk $0xffff, v40;
	v54 =	vadd.s32 s31, v9;
	v56 =	vor.u32 v5, v33  }
0x1e1: {  	s2 =	smul.u32 $0x380, s22;
	v50 =	vadd.s32 s0, v19;
	v47 =	vor.u32 v10, v34;
	v49 =	vld.idx.msk [tilespmem:v43+s3+$0x0], $0xffff  }
0x1e2: {  	v51 =	vadd.s32 s6, v19;
	v52 =	vor.u32 v17, v35;
	v42 =	vld.idx.msk [tilespmem:v44+s3+$0x0], $0xffff  }
0x1e3: {  	s2 =	sadd.s32 $0x40, s2;
	v46 =	vor.u32 v17, v37  }
0x1e4: {  	s13 =	sadd.s32 $0x10, s2;
	v53 =	vld [tilespmem:s21+$0xFFFFFFF0];
	[tilespmem:v57+s19+$0x0] =	vst.idx.msk $0xffff, v39  }
0x1e5: {  	v58 =	vor.u32 v12, v32;
	[tilespmem:v54+s19+$0x0] =	vst.idx.msk $0xffff, v1;
	v1 =	vld.idx.msk [tilespmem:v56+s3+$0x0], $0xffff;
	v54 =	vadd.s32 s13, v4  }
0x1e6: {  	v56 =	vadd.s32 s31, v11;
	[tilespmem:v50+s19+$0x0] =	vst.idx.msk $0xffff, v49;
	v38 =	vld.idx.msk [tilespmem:v47+s3+$0x0], $0xffff  }
0x1e7: {  	v57 =	vor.u32 v7, v33;
	[tilespmem:v51+s19+$0x0] =	vst.idx.msk $0xffff, v42;
	v42 =	vadd.s32 s0, v20;
	v41 =	vld.idx.msk [tilespmem:v52+s3+$0x0], $0xffff  }
0x1e8: {  	v60 =	vadd.s32 s6, v20;
	v43 =	vld.idx.msk [tilespmem:v46+s3+$0x0], $0xffff;
	v52 =	vor.u32 v21, v35  }
0x1e9: {  	v36 =	vshll.u32 v53, $0x4;
	v53 =	vor.u32 v21, v37  }
0x1ea: {  	v40 =	vld.idx.msk [tilespmem:v58+s3+$0x0], $0xffff;
	v58 =	vadd.s32 s30, v13;
	v49 =	vor.u32 v12, v34;
	[tilespmem:v54+s19+$0x0] =	vst.idx.msk $0xffff, v1  }
0x1eb: {  	v48 =	vor.u32 v5, v36;
	[tilespmem:v56+s19+$0x0] =	vst.idx.msk $0xffff, v38  }
0x1ec: {  	v2 =	vadd.s32 s13, v6;
	v38 =	vld.idx.msk [tilespmem:v57+s3+$0x0], $0xffff;
	[tilespmem:v42+s19+$0x0] =	vst.idx.msk $0xffff, v41;
	v41 =	vor.u32 v15, v32  }
0x1ed: {  	v56 =	vor.u32 v8, v33;
	[tilespmem:v60+s19+$0x0] =	vst.idx.msk $0xffff, v43;
	v60 =	vadd.s32 s0, v22;
	v42 =	vld.idx.msk [tilespmem:v52+s3+$0x0], $0xffff  }
0x1ee: {  	v0 =	vld.idx.msk [tilespmem:v53+s3+$0x0], $0xffff;
	v52 =	vadd.s32 s6, v22;
	v53 =	vor.u32 v59, v35  }
0x1ef: {  	v54 =	vor.u32 v59, v37;
	[tilespmem:v58+s19+$0x0] =	vst.idx.msk $0xffff, v40;
	v40 =	vadd.s32 s31, v13;
	v39 =	vld.idx.msk [tilespmem:v49+s3+$0x0], $0xffff  }
0x1f0: {  	v48 =	vld.idx.msk [tilespmem:v48+s3+$0x0], $0xffff;
	v57 =	vor.u32 v15, v34  }
0x1f1: {  	v58 =	vadd.s32 s2, v4;
	[tilespmem:v2+s19+$0x0] =	vst.idx.msk $0xffff, v38;
	v41 =	vld.idx.msk [tilespmem:v41+s3+$0x0], $0xffff  }
0x1f2: {  	v51 =	vadd.s32 s30, v16;
	v38 =	vld.idx.msk [tilespmem:v56+s3+$0x0], $0xffff;
	[tilespmem:v60+s19+$0x0] =	vst.idx.msk $0xffff, v42  }
0x1f3: {  	v56 =	vadd.s32 s13, v9;
	[tilespmem:v52+s19+$0x0] =	vst.idx.msk $0xffff, v0;
	v0 =	vld.idx.msk [tilespmem:v53+s3+$0x0], $0xffff  }
0x1f4: {  	v43 =	vadd.s32 s0, v23;
	[tilespmem:v40+s19+$0x0] =	vst.idx.msk $0xffff, v39;
	v42 =	vor.u32 v7, v36;
	v1 =	vld.idx.msk [tilespmem:v54+s3+$0x0], $0xffff  }
0x1f5: {  	v60 =	vadd.s32 s6, v23;
	v53 =	vld.idx.msk [tilespmem:v57+s3+$0x0], $0xffff;
	v57 =	vor.u32 v10, v33  }
0x1f6: {  	s7 =	simm.s32 $0x46F0;
	[tilespmem:v58+s19+$0x0] =	vst.idx.msk $0xffff, v48;
	v58 =	vadd.s32 s31, v16;
	v52 =	vor.u32 v18, v32  }
0x1f7: {  	v50 =	vld [tilespmem:s7+$0x0];
	v54 =	vor.u32 v25, v35;
	[tilespmem:v51+s19+$0x0] =	vst.idx.msk $0xffff, v41  }
0x1f8: {  	v48 =	vld [tilespmem:s7+$0xFFFFFFF0];
	v2 =	vor.u32 v25, v37;
	[tilespmem:v56+s19+$0x0] =	vst.idx.msk $0xffff, v38  }
0x1f9: {  	v42 =	vld.idx.msk [tilespmem:v42+s3+$0x0], $0xffff;
	[tilespmem:v43+s19+$0x0] =	vst.idx.msk $0xffff, v0;
	v0 =	vadd.s32 s2, v6  }
0x1fa: {  	v47 =	vadd.s32 s13, v11;
	[tilespmem:v60+s19+$0x0] =	vst.idx.msk $0xffff, v1;
	v46 =	vld.idx.msk [tilespmem:v57+s3+$0x0], $0xffff  }
0x1fb: {  	v39 =	vld.idx.msk [tilespmem:v52+s3+$0x0], $0xffff;
	v60 =	vor.u32 v18, v34;
	[tilespmem:v58+s19+$0x0] =	vst.idx.msk $0xffff, v53;
	v58 =	vadd.s32 s30, v19  }
0x1fc: {  	v44 =	vadd.s32 s0, v26;
	v1 =	vld.idx.msk [tilespmem:v54+s3+$0x0], $0xffff;
	v54 =	vor.u32 v8, v36  }
0x1fd: {  	v38 =	vadd.s32 s6, v26;
	v51 =	vor.u32 v12, v33;
	v2 =	vld.idx.msk [tilespmem:v2+s3+$0x0], $0xffff  }
0x1fe: {  	v3 =	vmov v7;
	v31 =	vmov v26;
	v56 =	vor.u32 v27, v35;
	[tilespmem:v0+s19+$0x0] =	vst.idx.msk $0xffff, v42  }
0x1ff: {  	v24 =	vmov v31;
	v49 =	vor.u32 v14, v35;
	v57 =	vor.u32 v27, v37;
	[tilespmem:v47+s19+$0x0] =	vst.idx.msk $0xffff, v46  }
0x200: {  	v40 =	vadd.s32 s0, v28;
	v0 =	vld.idx.msk [tilespmem:v60+s3+$0x0], $0xffff;
	v42 =	vadd.s32 s31, v19;
	v60 =	vor.u32 v17, v32;
	[tilespmem:v58+s19+$0x0] =	vst.idx.msk $0xffff, v39  }
0x201: {  	v52 =	vor.u32 v17, v34;
	v53 =	vadd.s32 s2, v9;
	v39 =	vshll.u32 v48, $0x4;
	v41 =	vld.idx.msk [tilespmem:v54+s3+$0x0], $0xffff;
	[tilespmem:v44+s19+$0x0] =	vst.idx.msk $0xffff, v1  }
0x202: {  	v48 =	vadd.s32 s13, v13;
	[tilespmem:v38+s19+$0x0] =	vst.idx.msk $0xffff, v2;
	v38 =	vshll.u32 v50, $0x4;
	v54 =	vor.u32 v10, v36;
	v47 =	vld.idx.msk [tilespmem:v51+s3+$0x0], $0xffff  }
0x203: {  	s8 =	simm.s32 $0x0;
	v7 =	vmovc v8;
	v26 =	vmovc v27;
	v27 =	vmov v28;
	v8 =	vmov v9;
	v1 =	vld.idx.msk [tilespmem:v56+s3+$0x0], $0xffff;
	v56 =	vor.u32 v5, v38  }
0x204: {  	s8 =	smul.u32 $0x380, s8;
	v9 =	vmovc v10;
	v58 =	vadd.s32 s6, v28;
	v28 =	vmovc v14;
	v50 =	vadd.s32 s30, v20;
	v51 =	vadd.s32 s31, v20;
	v57 =	vld.idx.msk [tilespmem:v57+s3+$0x0], $0xffff  }
0x205: {  	v44 =	vadd.s32 s2, v11;
	v10 =	vmov v11;
	[tilespmem:v42+s19+$0x0] =	vst.idx.msk $0xffff, v0;
	v0 =	vld.idx.msk [tilespmem:v60+s3+$0x0], $0xffff;
	v42 =	vor.u32 v14, v37  }
0x206: {  	s11 =	sadd.s32 $0x60, s8;
	v11 =	vmov v12;
	v60 =	vor.u32 v5, v39;
	v5 =	vmov v19;
	[tilespmem:v53+s19+$0x0] =	vst.idx.msk $0xffff, v41;
	v41 =	vld.idx.msk [tilespmem:v52+s3+$0x0], $0xffff  }
0x207: {  	s8 =	sadd.s32 $0x10, s11;
	v19 =	vmov v17;
	v17 =	vmov v21;
	v52 =	vor.u32 v21, v32;
	[tilespmem:v48+s19+$0x0] =	vst.idx.msk $0xffff, v47;
	v2 =	vld.idx.msk [tilespmem:v54+s3+$0x0], $0xffff  }
0x208: {  	v14 =	vmov v16;
	v48 =	vadd.s32 s8, v6;
	[tilespmem:v40+s19+$0x0] =	vst.idx.msk $0xffff, v1;
	v1 =	vld.idx.msk [tilespmem:v56+s3+$0x0], $0xffff;
	v54 =	vor.u32 v21, v34  }
0x209: {  	[tilespmem:v58+s19+$0x0] =	vst.idx.msk $0xffff, v57;
	v56 =	vadd.s32 s8, v4;
	v57 =	vor.u32 v12, v36;
	v21 =	vmov v59;
	v58 =	vld.idx.msk [tilespmem:v49+s3+$0x0], $0xffff  }
0x20a: {  	v59 =	vor.u32 v3, v38;
	v40 =	vor.u32 v15, v36;
	v49 =	vor.u32 v29, v35;
	v46 =	vld.idx.msk [tilespmem:v42+s3+$0x0], $0xffff  }
0x20b: {  	v16 =	vmov v5;
	v42 =	vadd.s32 s0, v55;
	v53 =	vld.idx.msk [tilespmem:v60+s3+$0x0], $0xffff;
	v60 =	vor.u32 v15, v33;
	[tilespmem:v50+s19+$0x0] =	vst.idx.msk $0xffff, v0  }
0x20c: {  	v12 =	vmov v13;
	v43 =	vor.u32 v21, v32;
	v5 =	vmov v3;
	[tilespmem:v51+s19+$0x0] =	vst.idx.msk $0xffff, v41;
	v47 =	vld.idx.msk [tilespmem:v52+s3+$0x0], $0xffff  }
0x20d: {  	v0 =	vmov v55;
	v55 =	vadd.s32 s6, v55;
	v50 =	vor.u32 v29, v37;
	[tilespmem:v44+s19+$0x0] =	vst.idx.msk $0xffff, v2;
	v45 =	vld.idx.msk [tilespmem:v54+s3+$0x0], $0xffff  }
0x20e: {  	v41 =	vor.u32 v15, v39;
	v52 =	vadd.s32 s30, v22;
	v51 =	vadd.s32 s31, v22;
	[tilespmem:v56+s19+$0x0] =	vst.idx.msk $0xffff, v1;
	v54 =	vld.idx.msk [tilespmem:v57+s3+$0x0], $0xffff  }
0x20f: {  	v56 =	vadd.s32 s2, v13;
	v44 =	vor.u32 v21, v34;
	v13 =	vmovc v15;
	v15 =	vmovc v18;
	v18 =	vmov v19;
	v57 =	vld.idx.msk [tilespmem:v59+s3+$0x0], $0xffff  }
0x210: {  	v30 =	vlaneseq.u32;
	v19 =	vmovc v20;
	v20 =	vmovc v22;
	v22 =	vmov v23;
	v23 =	vmov v25;
	[tilespmem:v42+s19+$0x0] =	vst.idx.msk $0xffff, v58;
	v42 =	vld.idx.msk [tilespmem:v60+s3+$0x0], $0xffff  }
0x211: {  	s12 =	simm.s32 $0x6;
	s22 =	simm.s32 $0x60;
	s21 =	simm.s32 $0x6;
	v25 =	vmovc v26;
	v26 =	vmovc v27;
	v27 =	vmov v28;
	v28 =	vmov v0;
	v58 =	vadd.s32 s11, v4;
	v31 =	vld [tilespmem:$0x1FFB0]  }
.LBB2_8:
0x212: {  	_ =	sdelay $0x1  }
0x213: {  	v0 =	vld.idx.msk [tilespmem:v49+s3+$0x0], $0xffff  }
0x214: {  	v1 =	vor.u32 v7, v38;
	v59 =	vld [tilespmem:$0x1FFC0];
	[tilespmem:v52+s19+$0x0] =	vst.idx.msk $0xffff, v47  }
0x215: {  	s7 =	sadd.s32 $0x20, s7;
	[tilespmem:v55+s19+$0x0] =	vst.idx.msk $0xffff, v46;
	v43 =	vld.idx.msk [tilespmem:v43+s3+$0x0], $0xffff  }
0x216: {  	v46 =	vadd.s32 s0, v31;
	v49 =	vld [tilespmem:s7+$0x0];
	[tilespmem:v48+s19+$0x0] =	vst.idx.msk $0xffff, v57  }
0x217: {  	v60 =	vadd.s32 s6, v31;
	v2 =	vld.idx.msk [tilespmem:v50+s3+$0x0], $0xffff;
	v47 =	vor.u32 v5, v39;
	[tilespmem:v51+s19+$0x0] =	vst.idx.msk $0xffff, v45  }
0x218: {  	v50 =	vadd.s32 s13, v14;
	[tilespmem:v56+s19+$0x0] =	vst.idx.msk $0xffff, v54  }
0x219: {  	v52 =	vadd.s32 s30, v22;
	v51 =	vor.u32 v59, v37;
	v1 =	vld.idx.msk [tilespmem:v1+s3+$0x0], $0xffff;
	[tilespmem:v58+s19+$0x0] =	vst.idx.msk $0xffff, v53  }
0x21a: {  	v54 =	vadd.s32 s31, v22;
	v53 =	vor.u32 v59, v35;
	v44 =	vld.idx.msk [tilespmem:v44+s3+$0x0], $0xffff  }
0x21b: {  	v55 =	vor.u32 v23, v32;
	[tilespmem:v46+s19+$0x0] =	vst.idx.msk $0xffff, v0;
	v46 =	vadd.s32 s8, v8;
	v48 =	vld.idx.msk [tilespmem:v40+s3+$0x0], $0xffff  }
0x21c: {  	v40 =	vmov v41;
	v41 =	vadd.s32 s2, v14;
	v0 =	vld.idx.msk [tilespmem:v47+s3+$0x0], $0xffff;
	v47 =	vor.u32 v15, v33;
	[tilespmem:v60+s19+$0x0] =	vst.idx.msk $0xffff, v2  }
0x21d: {  	v56 =	vor.u32 v23, v34;
	[tilespmem:v50+s19+$0x0] =	vst.idx.msk $0xffff, v42  }
0x21e: {  	v2 =	vadd.s32 s11, v6;
	v60 =	vor.u32 v9, v38;
	[tilespmem:v52+s19+$0x0] =	vst.idx.msk $0xffff, v43;
	v42 =	vld.idx.msk [tilespmem:v51+s3+$0x0], $0xffff  }
0x21f: {  	v43 =	vadd.s32 s6, v61;
	v50 =	vld.idx.msk [tilespmem:v53+s3+$0x0], $0xffff;
	[tilespmem:v54+s19+$0x0] =	vst.idx.msk $0xffff, v44  }
0x220: {  	v57 =	vor.u32 v7, v39;
	v58 =	vadd.s32 s0, v61;
	v44 =	vld.idx.msk [tilespmem:v55+s3+$0x0], $0xffff;
	[tilespmem:v46+s19+$0x0] =	vst.idx.msk $0xffff, v1  }
0x221: {  	v59 =	vor.u32 v15, v36;
	v53 =	vadd.s32 s30, v24;
	[tilespmem:v41+s19+$0x0] =	vst.idx.msk $0xffff, v48;
	v1 =	vld.idx.msk [tilespmem:v47+s3+$0x0], $0xffff  }
0x222: {  	v46 =	vadd.s32 s31, v24;
	v47 =	vor.u32 v25, v32;
	v48 =	vld.idx.msk [tilespmem:v56+s3+$0x0], $0xffff  }
0x223: {  	v61 =	vor.u32 v62, v37;
	v37 =	vmov v34;
	[tilespmem:v2+s19+$0x0] =	vst.idx.msk $0xffff, v0;
	v0 =	vld.idx.msk [tilespmem:v60+s3+$0x0], $0xffff;
	v60 =	vadd.s32 s13, v16  }
0x224: {  	v54 =	vadd.s32 s8, v10;
	v55 =	vor.u32 v25, v37;
	v34 =	vld [tilespmem:s7+$0xFFFFFFF0];
	[tilespmem:v43+s19+$0x0] =	vst.idx.msk $0xffff, v42  }
0x225: {  	v52 =	vor.u32 v11, v38;
	v42 =	vor.u32 v62, v35;
	v43 =	vld.idx.msk [tilespmem:v57+s3+$0x0], $0xffff;
	[tilespmem:v58+s19+$0x0] =	vst.idx.msk $0xffff, v50  }
0x226: {  	v35 =	vmov v32;
	v32 =	vmov v33;
	v50 =	vadd.s32 s11, v8;
	v56 =	vld.idx.msk [tilespmem:v59+s3+$0x0], $0xffff;
	[tilespmem:v53+s19+$0x0] =	vst.idx.msk $0xffff, v44  }
0x227: {  	v44 =	vadd.s32 s2, v16;
	v53 =	vor.u32 v18, v32;
	[tilespmem:v46+s19+$0x0] =	vst.idx.msk $0xffff, v48;
	v46 =	vld.idx.msk [tilespmem:v47+s3+$0x0], $0xffff  }
0x228: {  	v51 =	vor.u32 v18, v36;
	v33 =	vmov v38;
	[tilespmem:v60+s19+$0x0] =	vst.idx.msk $0xffff, v1;
	v60 =	vadd.s32 s30, v26;
	v61 =	vld.idx.msk [tilespmem:v61+s3+$0x0], $0xffff  }
0x229: {  	v38 =	vshll.u32 v49, $0x4;
	v47 =	vadd.s32 s6, v63;
	s6 =	smov.u32 s31;
	v48 =	vor.u32 v9, v39;
	[tilespmem:v54+s19+$0x0] =	vst.idx.msk $0xffff, v0;
	v0 =	vld.idx.msk [tilespmem:v55+s3+$0x0], $0xffff  }
0x22a: {  	v49 =	vor.u32 v30, v38;
	v57 =	vadd.s32 s6, v26;
	v42 =	vld.idx.msk [tilespmem:v42+s3+$0x0], $0xffff  }
0x22b: {  	v54 =	vadd.s32 s0, v63;
	s0 =	smov.u32 s30;
	s30 =	smov.u32 s13;
	s13 =	smov.u32 s8;
	[tilespmem:v50+s19+$0x0] =	vst.idx.msk $0xffff, v43;
	v43 =	vld.idx.msk [tilespmem:v52+s3+$0x0], $0xffff;
	v50 =	vor.u32 v27, v35  }
0x22c: {  	s21 =	sadd.s32 $0x2, s21;
	v59 =	vor.u32 v17, v32;
	v45 =	vadd.s32 s13, v12;
	[tilespmem:v44+s19+$0x0] =	vst.idx.msk $0xffff, v56;
	v44 =	vld.idx.msk [tilespmem:v53+s3+$0x0], $0xffff  }
0x22d: {  	s31 =	smov.u32 s2;
	s2 =	smov.u32 s11;
	s11 =	sshrl.u32 s21, $0x3;
	v62 =	vshll.u32 v34, $0x4;
	v52 =	vor.u32 v27, v37;
	v56 =	vadd.s32 s30, v19;
	v51 =	vld.idx.msk [tilespmem:v51+s3+$0x0], $0xffff;
	[tilespmem:v60+s19+$0x0] =	vst.idx.msk $0xffff, v46  }
0x22e: {  	s8 =	smul.u32 $0x380, s11;
	v58 =	vadd.s32 s31, v19;
	v55 =	vor.u32 v30, v62;
	v1 =	vld.idx.msk [tilespmem:v48+s3+$0x0], $0xffff;
	[tilespmem:v47+s19+$0x0] =	vst.idx.msk $0xffff, v61  }
0x22f: {  	s22 =	sadd.s32 $0x20, s22;
	v34 =	vmov v36;
	v41 =	vor.u32 v13, v62;
	v60 =	vadd.s32 s2, v10;
	v2 =	vld.idx.msk [tilespmem:v49+s3+$0x0], $0xffff;
	[tilespmem:v57+s19+$0x0] =	vst.idx.msk $0xffff, v0  }
0x230: {  	v36 =	vmov v39;
	v39 =	vmov v62;
	s11 =	sadd.s32 s8, s22;
	v61 =	vor.u32 v17, v34;
	v62 =	vld.idx.msk [tilespmem:v50+s3+$0x0], $0xffff;
	[tilespmem:v54+s19+$0x0] =	vst.idx.msk $0xffff, v42  }
0x231: {  	s8 =	sadd.s32 $0x10, s11;
	[tilespmem:v45+s19+$0x0] =	vst.idx.msk $0xffff, v43  }
0x232: {  	v0 =	vadd.s32 s8, v4;
	v57 =	vor.u32 v11, v36;
	v46 =	vld.idx.msk [tilespmem:v52+s3+$0x0], $0xffff;
	[tilespmem:v56+s19+$0x0] =	vst.idx.msk $0xffff, v44  }
0x233: {  	v42 =	vor.u32 v5, v38;
	v53 =	vld.idx.msk [tilespmem:v55+s3+$0x0], $0xffff;
	[tilespmem:v58+s19+$0x0] =	vst.idx.msk $0xffff, v51  }
0x234: {  	v63 =	vadd.s32 s0, v28;
	v47 =	vld.idx.msk [tilespmem:v59+s3+$0x0], $0xffff;
	[tilespmem:v60+s19+$0x0] =	vst.idx.msk $0xffff, v1  }
0x235: {  	s12 =	sadd.s32 $0x2, s12;
	v45 =	vld.idx.msk [tilespmem:v61+s3+$0x0], $0xffff  }
0x236: {  	p1 =	slt.u32 s12, $0x7E;
	v3 =	vor.u32 v13, v33;
	v61 =	vld [tilespmem:$0x1FFD0]  }
.Ltmp5:
0x237: {  	[tilespmem:v0+s19+$0x0] =	vst.idx.msk $0xffff, v2;
	v54 =	vld.idx.msk [tilespmem:v57+s3+$0x0], $0xffff;
	(pc) =	sbr.rel @p1 .LBB2_8-.Ltmp5, $4  }
0x238: {  	v48 =	vadd.s32 s8, v6;
	v57 =	vld.idx.msk [tilespmem:v42+s3+$0x0], $0xffff  }
0x239: {  	v49 =	vor.u32 v29, v35;
	v50 =	vor.u32 v29, v37;
	v55 =	vadd.s32 s6, v28;
	[tilespmem:v63+s19+$0x0] =	vst.idx.msk $0xffff, v62;
	v63 =	vld [tilespmem:$0x1FFF0]  }
0x23a: {  	v52 =	vadd.s32 s30, v20;
	v43 =	vor.u32 v21, v32;
	v51 =	vadd.s32 s31, v20;
	v62 =	vld [tilespmem:$0x1FFE0]  }
0x23b: {  	v56 =	vadd.s32 s2, v12;
	v58 =	vadd.s32 s11, v4;
	v44 =	vor.u32 v21, v34;
	v42 =	vld.idx.msk [tilespmem:v3+s3+$0x0], $0xffff  }
0x23c: {  	v0 =	vor.u32 v5, v39;
	_ =	sdelay $0x3  }
0x23d: {  	[tilespmem:v58+s19+$0x0] =	vst.idx.msk $0xffff, v53  }
0x23e: {  	v1 =	vadd.s32 s11, v6;
	v0 =	vld.idx.msk [tilespmem:v0+s3+$0x0], $0xffff  }
0x23f: {  	v2 =	vor.u32 v7, v39  }
0x240: {  	v3 =	vor.u32 v7, v38;
	_ =	sdelay $0x2  }
0x241: {  	[tilespmem:v1+s19+$0x0] =	vst.idx.msk $0xffff, v0  }
0x242: {  	[tilespmem:v48+s19+$0x0] =	vst.idx.msk $0xffff, v57;
	v1 =	vadd.s32 s11, v8;
	v0 =	vld.idx.msk [tilespmem:v2+s3+$0x0], $0xffff  }
0x243: {  	v2 =	vld.idx.msk [tilespmem:v3+s3+$0x0], $0xffff;
	v3 =	vadd.s32 s8, v8;
	v8 =	vor.u32 v9, v39  }
0x244: {  	v9 =	vor.u32 v9, v38;
	_ =	sdelay $0x2  }
0x245: {  	[tilespmem:v1+s19+$0x0] =	vst.idx.msk $0xffff, v0  }
0x246: {  	[tilespmem:v3+s19+$0x0] =	vst.idx.msk $0xffff, v2;
	v1 =	vadd.s32 s11, v10;
	v0 =	vld.idx.msk [tilespmem:v8+s3+$0x0], $0xffff  }
0x247: {  	v30 =	vor.u32 v11, v39;
	v3 =	vadd.s32 s8, v10;
	v2 =	vld.idx.msk [tilespmem:v9+s3+$0x0], $0xffff  }
0x248: {  	v57 =	vor.u32 v11, v38;
	_ =	sdelay $0x2  }
0x249: {  	[tilespmem:v1+s19+$0x0] =	vst.idx.msk $0xffff, v0  }
0x24a: {  	[tilespmem:v3+s19+$0x0] =	vst.idx.msk $0xffff, v2;
	v1 =	vadd.s32 s11, v12;
	v0 =	vld.idx.msk [tilespmem:v30+s3+$0x0], $0xffff  }
0x24b: {  	v3 =	vadd.s32 s8, v12;
	v2 =	vld.idx.msk [tilespmem:v57+s3+$0x0], $0xffff  }
0x24c: {  	[tilespmem:v56+s19+$0x0] =	vst.idx.msk $0xffff, v54  }
0x24d: {  	v58 =	vor.u32 v13, v38;
	[tilespmem:v55+s19+$0x0] =	vst.idx.msk $0xffff, v46;
	v60 =	vadd.s32 s13, v14;
	v40 =	vld.idx.msk [tilespmem:v40+s3+$0x0], $0xffff  }
0x24e: {  	v59 =	vadd.s32 s2, v14;
	[tilespmem:v52+s19+$0x0] =	vst.idx.msk $0xffff, v47;
	v11 =	vld.idx.msk [tilespmem:v49+s3+$0x0], $0xffff  }
0x24f: {  	v50 =	vld.idx.msk [tilespmem:v50+s3+$0x0], $0xffff;
	v8 =	vor.u32 v15, v36;
	v12 =	vadd.s32 s0, v31;
	[tilespmem:v1+s19+$0x0] =	vst.idx.msk $0xffff, v0  }
0x250: {  	v9 =	vadd.s32 s8, v14;
	[tilespmem:v3+s19+$0x0] =	vst.idx.msk $0xffff, v2;
	v2 =	vadd.s32 s11, v14;
	v14 =	vadd.s32 s6, v31  }
0x251: {  	[tilespmem:v51+s19+$0x0] =	vst.idx.msk $0xffff, v45;
	v0 =	vor.u32 v15, v33;
	v1 =	vld.idx.msk [tilespmem:v41+s3+$0x0], $0xffff  }
0x252: {  	[tilespmem:v60+s19+$0x0] =	vst.idx.msk $0xffff, v42;
	v3 =	vld.idx.msk [tilespmem:v58+s3+$0x0], $0xffff  }
0x253: {  	[tilespmem:v59+s19+$0x0] =	vst.idx.msk $0xffff, v40  }
0x254: {  	v10 =	vor.u32 v15, v39;
	[tilespmem:v12+s19+$0x0] =	vst.idx.msk $0xffff, v11  }
0x255: {  	v13 =	vor.u32 v15, v38;
	v40 =	vld.idx.msk [tilespmem:v8+s3+$0x0], $0xffff;
	v15 =	vadd.s32 s2, v16;
	[tilespmem:v14+s19+$0x0] =	vst.idx.msk $0xffff, v50  }
0x256: {  	v56 =	vor.u32 v18, v36;
	v30 =	vadd.s32 s13, v16;
	v0 =	vld.idx.msk [tilespmem:v0+s3+$0x0], $0xffff;
	[tilespmem:v2+s19+$0x0] =	vst.idx.msk $0xffff, v1  }
0x257: {  	v43 =	vld.idx.msk [tilespmem:v43+s3+$0x0], $0xffff;
	v1 =	vor.u32 v18, v33;
	[tilespmem:v9+s19+$0x0] =	vst.idx.msk $0xffff, v3  }
0x258: {  	v59 =	vadd.s32 s30, v22;
	v6 =	vld [tilespmem:$0x1FFC0]  }
0x259: {  	v3 =	vadd.s32 s11, v16;
	v2 =	vld.idx.msk [tilespmem:v10+s3+$0x0], $0xffff  }
0x25a: {  	v57 =	vadd.s32 s8, v16;
	v58 =	vor.u32 v18, v39;
	v41 =	vld.idx.msk [tilespmem:v13+s3+$0x0], $0xffff;
	[tilespmem:v15+s19+$0x0] =	vst.idx.msk $0xffff, v40  }
0x25b: {  	v60 =	vor.u32 v18, v38;
	v11 =	vadd.s32 s2, v19;
	[tilespmem:v30+s19+$0x0] =	vst.idx.msk $0xffff, v0;
	v0 =	vld.idx.msk [tilespmem:v56+s3+$0x0], $0xffff  }
0x25c: {  	v12 =	vadd.s32 s13, v19;
	v13 =	vor.u32 v17, v36;
	v1 =	vld.idx.msk [tilespmem:v1+s3+$0x0], $0xffff  }
0x25d: {  	[tilespmem:v59+s19+$0x0] =	vst.idx.msk $0xffff, v43;
	v8 =	vor.u32 v6, v37  }
0x25e: {  	v44 =	vld.idx.msk [tilespmem:v44+s3+$0x0], $0xffff;
	v9 =	vadd.s32 s31, v22;
	v10 =	vor.u32 v6, v35;
	[tilespmem:v3+s19+$0x0] =	vst.idx.msk $0xffff, v2  }
0x25f: {  	v14 =	vadd.s32 s11, v19;
	v2 =	vor.u32 v17, v33;
	[tilespmem:v57+s19+$0x0] =	vst.idx.msk $0xffff, v41;
	v3 =	vld.idx.msk [tilespmem:v58+s3+$0x0], $0xffff  }
0x260: {  	v16 =	vadd.s32 s8, v19;
	v18 =	vor.u32 v17, v39;
	v15 =	vld.idx.msk [tilespmem:v60+s3+$0x0], $0xffff;
	[tilespmem:v11+s19+$0x0] =	vst.idx.msk $0xffff, v0  }
0x261: {  	v59 =	vadd.s32 s2, v20;
	v56 =	vor.u32 v17, v38;
	[tilespmem:v12+s19+$0x0] =	vst.idx.msk $0xffff, v1;
	v1 =	vld.idx.msk [tilespmem:v13+s3+$0x0], $0xffff  }
0x262: {  	v30 =	vadd.s32 s6, v61;
	v57 =	vor.u32 v23, v32;
	v19 =	vld.idx.msk [tilespmem:v8+s3+$0x0], $0xffff  }
0x263: {  	[tilespmem:v9+s19+$0x0] =	vst.idx.msk $0xffff, v44;
	v58 =	vadd.s32 s0, v61;
	v0 =	vor.u32 v23, v34;
	v40 =	vld.idx.msk [tilespmem:v10+s3+$0x0], $0xffff  }
0x264: {  	v60 =	vadd.s32 s13, v20;
	v2 =	vld.idx.msk [tilespmem:v2+s3+$0x0], $0xffff;
	v8 =	vor.u32 v21, v36;
	[tilespmem:v14+s19+$0x0] =	vst.idx.msk $0xffff, v3  }
0x265: {  	v9 =	vadd.s32 s11, v20;
	v3 =	vor.u32 v21, v33;
	[tilespmem:v16+s19+$0x0] =	vst.idx.msk $0xffff, v15;
	v41 =	vld.idx.msk [tilespmem:v18+s3+$0x0], $0xffff  }
0x266: {  	v11 =	vor.u32 v21, v39;
	v10 =	vadd.s32 s8, v20;
	v44 =	vld.idx.msk [tilespmem:v56+s3+$0x0], $0xffff;
	[tilespmem:v59+s19+$0x0] =	vst.idx.msk $0xffff, v1  }
0x267: {  	v13 =	vadd.s32 s30, v24;
	v12 =	vld.idx.msk [tilespmem:v57+s3+$0x0], $0xffff;
	v14 =	vor.u32 v21, v38;
	[tilespmem:v30+s19+$0x0] =	vst.idx.msk $0xffff, v19  }
0x268: {  	v15 =	vadd.s32 s31, v24;
	v16 =	vor.u32 v25, v32;
	v0 =	vld.idx.msk [tilespmem:v0+s3+$0x0], $0xffff;
	[tilespmem:v58+s19+$0x0] =	vst.idx.msk $0xffff, v40  }
0x269: {  	v17 =	vadd.s32 s2, v22;
	v1 =	vor.u32 v62, v37;
	[tilespmem:v60+s19+$0x0] =	vst.idx.msk $0xffff, v2;
	v2 =	vld.idx.msk [tilespmem:v8+s3+$0x0], $0xffff  }
0x26a: {  	v18 =	vadd.s32 s13, v22;
	v19 =	vor.u32 v23, v36;
	v3 =	vld.idx.msk [tilespmem:v3+s3+$0x0], $0xffff;
	[tilespmem:v9+s19+$0x0] =	vst.idx.msk $0xffff, v41  }
0x26b: {  	v20 =	vor.u32 v23, v33;
	v21 =	vadd.s32 s11, v22;
	[tilespmem:v10+s19+$0x0] =	vst.idx.msk $0xffff, v44;
	v43 =	vld.idx.msk [tilespmem:v11+s3+$0x0], $0xffff  }
0x26c: {  	v22 =	vadd.s32 s8, v22;
	[tilespmem:v13+s19+$0x0] =	vst.idx.msk $0xffff, v12;
	v30 =	vor.u32 v23, v39;
	v40 =	vld.idx.msk [tilespmem:v14+s3+$0x0], $0xffff  }
0x26d: {  	v54 =	vadd.s32 s30, v26;
	v55 =	vor.u32 v23, v38;
	[tilespmem:v15+s19+$0x0] =	vst.idx.msk $0xffff, v0;
	v0 =	vld.idx.msk [tilespmem:v16+s3+$0x0], $0xffff  }
0x26e: {  	v57 =	vadd.s32 s6, v63;
	v56 =	vor.u32 v25, v34;
	v1 =	vld.idx.msk [tilespmem:v1+s3+$0x0], $0xffff;
	[tilespmem:v17+s19+$0x0] =	vst.idx.msk $0xffff, v2  }
0x26f: {  	v58 =	vadd.s32 s2, v24;
	v2 =	vor.u32 v62, v35;
	[tilespmem:v18+s19+$0x0] =	vst.idx.msk $0xffff, v3;
	v3 =	vld.idx.msk [tilespmem:v19+s3+$0x0], $0xffff  }
0x270: {  	v60 =	vadd.s32 s13, v24;
	v8 =	vor.u32 v25, v36;
	v59 =	vld.idx.msk [tilespmem:v20+s3+$0x0], $0xffff;
	[tilespmem:v21+s19+$0x0] =	vst.idx.msk $0xffff, v43  }
0x271: {  	v9 =	vor.u32 v25, v33;
	v11 =	vadd.s32 s11, v24;
	[tilespmem:v22+s19+$0x0] =	vst.idx.msk $0xffff, v40;
	v10 =	vld.idx.msk [tilespmem:v30+s3+$0x0], $0xffff  }
0x272: {  	v12 =	vadd.s32 s8, v24;
	v13 =	vor.u32 v25, v39;
	[tilespmem:v54+s19+$0x0] =	vst.idx.msk $0xffff, v0;
	v0 =	vld.idx.msk [tilespmem:v55+s3+$0x0], $0xffff  }
0x273: {  	v15 =	vadd.s32 s31, v26;
	v14 =	vld.idx.msk [tilespmem:v56+s3+$0x0], $0xffff;
	[tilespmem:v57+s19+$0x0] =	vst.idx.msk $0xffff, v1;
	v1 =	vor.u32 v25, v38  }
0x274: {  	v16 =	vadd.s32 s0, v63;
	v17 =	vor.u32 v27, v34;
	v2 =	vld.idx.msk [tilespmem:v2+s3+$0x0], $0xffff;
	[tilespmem:v58+s19+$0x0] =	vst.idx.msk $0xffff, v3  }
0x275: {  	v18 =	vadd.s32 s2, v26;
	v3 =	vor.u32 v27, v32;
	[tilespmem:v60+s19+$0x0] =	vst.idx.msk $0xffff, v59;
	v35 =	vld.idx.msk [tilespmem:v8+s3+$0x0], $0xffff  }
0x276: {  	v19 =	vadd.s32 s13, v26;
	v20 =	vor.u32 v27, v36;
	v41 =	vld.idx.msk [tilespmem:v9+s3+$0x0], $0xffff;
	[tilespmem:v11+s19+$0x0] =	vst.idx.msk $0xffff, v10  }
0x277: {  	v21 =	vor.u32 v27, v33;
	v22 =	vadd.s32 s11, v26;
	[tilespmem:v12+s19+$0x0] =	vst.idx.msk $0xffff, v0;
	v0 =	vld.idx.msk [tilespmem:v13+s3+$0x0], $0xffff  }
0x278: {  	v23 =	vadd.s32 s8, v26;
	[tilespmem:v15+s19+$0x0] =	vst.idx.msk $0xffff, v14;
	v30 =	vor.u32 v27, v39;
	v1 =	vld.idx.msk [tilespmem:v1+s3+$0x0], $0xffff  }
0x279: {  	v52 =	vadd.s32 s31, v28;
	v53 =	vor.u32 v27, v38;
	[tilespmem:v16+s19+$0x0] =	vst.idx.msk $0xffff, v2;
	v2 =	vld.idx.msk [tilespmem:v17+s3+$0x0], $0xffff  }
0x27a: {  	v54 =	vadd.s32 s30, v28;
	v55 =	vor.u32 v29, v34;
	v3 =	vld.idx.msk [tilespmem:v3+s3+$0x0], $0xffff;
	[tilespmem:v18+s19+$0x0] =	vst.idx.msk $0xffff, v35  }
0x27b: {  	v56 =	vor.u32 v29, v32;
	v57 =	vadd.s32 s2, v28;
	[tilespmem:v19+s19+$0x0] =	vst.idx.msk $0xffff, v41;
	v37 =	vld.idx.msk [tilespmem:v20+s3+$0x0], $0xffff  }
0x27c: {  	v58 =	vadd.s32 s13, v28;
	v59 =	vor.u32 v29, v36;
	v40 =	vld.idx.msk [tilespmem:v21+s3+$0x0], $0xffff;
	[tilespmem:v22+s19+$0x0] =	vst.idx.msk $0xffff, v0  }
0x27d: {  	v60 =	vadd.s32 s11, v28;
	v0 =	vor.u32 v29, v33;
	[tilespmem:v23+s19+$0x0] =	vst.idx.msk $0xffff, v1;
	v1 =	vld.idx.msk [tilespmem:v30+s3+$0x0], $0xffff  }
0x27e: {  	v8 =	vadd.s32 s8, v28;
	v9 =	vor.u32 v29, v39;
	[tilespmem:v52+s19+$0x0] =	vst.idx.msk $0xffff, v2;
	v2 =	vld.idx.msk [tilespmem:v53+s3+$0x0], $0xffff  }
0x27f: {  	v10 =	vadd.s32 s31, v31;
	v11 =	vor.u32 v29, v38;
	[tilespmem:v54+s19+$0x0] =	vst.idx.msk $0xffff, v3;
	v3 =	vld.idx.msk [tilespmem:v55+s3+$0x0], $0xffff  }
0x280: {  	v12 =	vadd.s32 s30, v31;
	v13 =	vor.u32 v6, v34;
	v35 =	vld.idx.msk [tilespmem:v56+s3+$0x0], $0xffff;
	[tilespmem:v57+s19+$0x0] =	vst.idx.msk $0xffff, v37  }
0x281: {  	v14 =	vor.u32 v6, v32;
	v16 =	vadd.s32 s2, v31;
	[tilespmem:v58+s19+$0x0] =	vst.idx.msk $0xffff, v40;
	v15 =	vld.idx.msk [tilespmem:v59+s3+$0x0], $0xffff  }
0x282: {  	v17 =	vadd.s32 s13, v31;
	v18 =	vor.u32 v6, v36;
	v0 =	vld.idx.msk [tilespmem:v0+s3+$0x0], $0xffff;
	[tilespmem:v60+s19+$0x0] =	vst.idx.msk $0xffff, v1  }
0x283: {  	v19 =	vadd.s32 s11, v31;
	v1 =	vor.u32 v6, v33;
	[tilespmem:v8+s19+$0x0] =	vst.idx.msk $0xffff, v2;
	v2 =	vld.idx.msk [tilespmem:v9+s3+$0x0], $0xffff  }
0x284: {  	v20 =	vadd.s32 s8, v31;
	v21 =	vor.u32 v6, v39;
	[tilespmem:v10+s19+$0x0] =	vst.idx.msk $0xffff, v3;
	v3 =	vld.idx.msk [tilespmem:v11+s3+$0x0], $0xffff  }
0x285: {  	v28 =	vor.u32 v6, v38;
	v23 =	vadd.s32 s31, v61;
	[tilespmem:v12+s19+$0x0] =	vst.idx.msk $0xffff, v35;
	v22 =	vld.idx.msk [tilespmem:v13+s3+$0x0], $0xffff  }
0x286: {  	v50 =	vor.u32 v62, v34;
	v29 =	vadd.s32 s30, v61;
	v37 =	vld.idx.msk [tilespmem:v14+s3+$0x0], $0xffff;
	[tilespmem:v16+s19+$0x0] =	vst.idx.msk $0xffff, v15  }
0x287: {  	v51 =	vor.u32 v62, v32;
	v52 =	vadd.s32 s2, v61;
	[tilespmem:v17+s19+$0x0] =	vst.idx.msk $0xffff, v0;
	v0 =	vld.idx.msk [tilespmem:v18+s3+$0x0], $0xffff  }
0x288: {  	v53 =	vadd.s32 s13, v61;
	v54 =	vor.u32 v62, v36;
	v1 =	vld.idx.msk [tilespmem:v1+s3+$0x0], $0xffff;
	[tilespmem:v19+s19+$0x0] =	vst.idx.msk $0xffff, v2  }
0x289: {  	v55 =	vadd.s32 s11, v61;
	v2 =	vor.u32 v62, v33;
	[tilespmem:v20+s19+$0x0] =	vst.idx.msk $0xffff, v3;
	v3 =	vld.idx.msk [tilespmem:v21+s3+$0x0], $0xffff  }
0x28a: {  	v57 =	vadd.s32 s8, v61;
	v58 =	vor.u32 v62, v39;
	[tilespmem:v23+s19+$0x0] =	vst.idx.msk $0xffff, v22;
	v56 =	vld.idx.msk [tilespmem:v28+s3+$0x0], $0xffff  }
0x28b: {  	v59 =	vadd.s32 s31, v63;
	v60 =	vor.u32 v62, v38;
	[tilespmem:v29+s19+$0x0] =	vst.idx.msk $0xffff, v37;
	v34 =	vld.idx.msk [tilespmem:v50+s3+$0x0], $0xffff  }
0x28c: {  	v61 =	vadd.s32 s30, v63;
	v32 =	vld.idx.msk [tilespmem:v51+s3+$0x0], $0xffff;
	[tilespmem:v52+s19+$0x0] =	vst.idx.msk $0xffff, v0  }
0x28d: {  	v0 =	vadd.s32 s2, v63;
	[tilespmem:v53+s19+$0x0] =	vst.idx.msk $0xffff, v1;
	v1 =	vld.idx.msk [tilespmem:v54+s3+$0x0], $0xffff  }
0x28e: {  	v62 =	vadd.s32 s13, v63;
	v2 =	vld.idx.msk [tilespmem:v2+s3+$0x0], $0xffff;
	[tilespmem:v55+s19+$0x0] =	vst.idx.msk $0xffff, v3  }
0x28f: {  	s29 =	sadd.s32 s5, s29;
	[tilespmem:v57+s19+$0x0] =	vst.idx.msk $0xffff, v56;
	v3 =	vadd.s32 s11, v63;
	v33 =	vld.idx.msk [tilespmem:v58+s3+$0x0], $0xffff  }
0x290: {  	s30 =	sshrl.u32 s29, $0x3;
	[tilespmem:v59+s19+$0x0] =	vst.idx.msk $0xffff, v34;
	v63 =	vadd.s32 s8, v63;
	v35 =	vld.idx.msk [tilespmem:v60+s3+$0x0], $0xffff  }
0x291: {  	s0 =	sshll.u32 s29, $0xE;
	s31 =	sshll.u32 s30, $0x11;
	[tilespmem:v61+s19+$0x0] =	vst.idx.msk $0xffff, v32  }
0x292: {  	s0 =	ssub.s32 s0, s31;
	s2 =	sshll.u32 s30, $0x12;
	[tilespmem:v0+s19+$0x0] =	vst.idx.msk $0xffff, v1  }
0x293: {  	s0 =	sadd.s32 s2, s0;
	[tilespmem:v62+s19+$0x0] =	vst.idx.msk $0xffff, v2  }
.Ltmp6:
0x294: {  	s2 =	sshrl.u32 s0, $0x3;
	s0 =	sadd.s32 $0x20000, s0;
	[tilespmem:v3+s19+$0x0] =	vst.idx.msk $0xffff, v33;
	(pc) =	sbr.rel @p0 .LBB2_11-.Ltmp6, $4  }
0x295: {  	s2 =	sadd.s32 s1, s2;
	s0 =	sshrl.u32 s0, $0x3;
	[tilespmem:v63+s19+$0x0] =	vst.idx.msk $0xffff, v35  }
0x296: {  	[hbm4b:s2+s3] =	stream.linear.scatter [tilespmem:s19], [sflag:$0x5], $0x4000, $0x38;
	[tilespmem:$0x14E80] =	vst v63  }
0x297: {  	s0 =	sadd.s32 s1, s0  }
0x298: {  	v24 =	vmov v6;
	v1 =	vmov v5;
	[hbm4b:s0+s3] =	stream.linear.scatter [tilespmem:s20], [sflag:$0x6], $0x4000, $0x38;
	[tilespmem:$0x14E80] =	vst v63  }
.Ltmp7:
0x299: {  	(pc) =	sbr.rel .LBB2_2-.Ltmp7, $4  }
0x29a: {  	s0 =	sadd.s32 s28, s10  }
0x29b: {  	s0 =	sshll.u32 s0, $0x8  }
0x29c: {  	s26 =	sadd.s32 $0x1, s26;
	s0 =	sadd.s32 s4, s0  }
0x29d: {  	v0 =	vmov v4;
	[tilespmem:s14], [sflag:$0x2] =	stream.linear.gather [hbm4b:s0+s3], $0x800, $0x38;
	[tilespmem:$0x14E80] =	vst v63  }
.LBB2_12:
0x29e: {  	_ =	sfence.sel $0x180000  }
0x29f: {  	[bflag:$0x0] =	sbarrier.arrive $0xFFFF  }
0x2a0: {  	_ =	strace $0x90000047  }
0x2a1: {  	s0 =	stileid.u32;
	[bflag:$0x2] =	sbarrier.arrive $0xFFFF  }
0x2a2: {  	p0 =	sne.s32 s0, $0x0;
	s0 =	rddreg [dreg:$0x2]  }
0x2a3: {  	s0 =	sadd.s32 @!p0 $0x100000, s0  }
0x2a4: {  	[sflag:s0] =	ssyncadd.tile.s32 @!p0 $0x1;
	_ =	shalt  }
.Lfunc_end2:
_tile_overlayer_lowered:
.L_overlay_start_2:
0x2a5: {  	(tag) =	ssettag $0x2  }
0x2a6: {  	s0 =	rddreg [dreg:$0x0];
	s2 =	stileid.u32  }
0x2a7: {  	s1 =	rddreg [dreg:$0x1];
	p0 =	sne.s32 s2, $0x0  }
0x2a8: {  	s3 =	rddreg [dreg:$0x2];
	[bflag:$0x3] =	sbarrier.arrive $0xFFFF;
	s2 =	simm.s32 @!p0 $0x1C07  }
0x2a9: {  	[timem:s3], [sflag:s2] =	dma.local @!p0 [hbm:s0], s1  }
0x2aa: {  	s0 =	simm.s32 @!p0 $0x7  }
0x2ab: {  	_ =	swait.ge @!p0 [sflag:s0], s1  }
0x2ac: {  	s1 =	ssub.s32 @!p0 $0x0, s1;
	[sflag:s0] =	ssyncset.done @!p0 $0x0  }
0x2ad: {  	[sflag:s0] =	ssyncadd.s32 @!p0 s1  }
0x2ae: {  	[bflag:$0x3] =	sbarrier.arrive $0xFFFF  }
0x2af: {  	_ =	shalt  }

</sc_bundles>
